<compile_context>
chip_gen: v7x
topology: tpu7x:2x2x1
jax: 0.10.2.dev20260603
libtpu: 0.0.44.dev20260713+nightly
codegen_flags: <defaults>
</compile_context>

<pallas_src>
import jax
import jax.numpy as jnp
from jax import lax
from jax.experimental import pallas as pl
from jax.experimental.pallas import tpu as pltpu
from jax.experimental.pallas import tpu_sc as plsc

N_LAYER, B, H, S, D = 4, 8, 8, 2048, 128
ROWS = B * H * S
NW = 32
RPW = ROWS // NW
CH = 128
NCH = RPW // CH
KBUF = 2
VBUF = 4
UNROLL = 4
BH_PER_W = (B * H) // NW


def _sc_body(kc, vc, kval, vval, params_h, k_out, v_out,
             pbuf, bufs, vsh, rbuf, gsems, ssems, psem, rsem):
    sid = lax.axis_index("s")
    w = sid * 2 + lax.axis_index("c")

    pc = pltpu.make_async_copy(params_h, pbuf, psem)
    pc.start()
    rk = pltpu.make_async_copy(
        kval.at[pl.ds(w * BH_PER_W, BH_PER_W), :], rbuf.at[0], rsem.at[0])
    rk.start()
    rv = pltpu.make_async_copy(
        vval.at[pl.ds(w * BH_PER_W, BH_PER_W), :], rbuf.at[1], rsem.at[1])
    rv.start()
    pc.wait()
    pvec = pbuf[...]
    layer_base = pl.multiple_of(pvec[0], 8)
    pos = pvec[1]
    pos_div = pos // CH
    pos_mod = pos % CH
    base = w * RPW
    rk.wait()
    rv.wait()
    vrows = [[rbuf[0, j, pl.ds(16 * k, 16)] for k in range(D // 16)]
             for j in range(BH_PER_W)]

    tensors = ((kc, k_out), (vc, v_out))
    depth = (KBUF, VBUF)

    def staging(t, slot):
        if t == 0:
            return bufs.at[slot]
        return vsh.at[sid, slot]

    def gather(t, c, slot):
        r = pl.multiple_of(base + c * CH, 8)
        return pltpu.make_async_copy(
            tensors[t][0].at[pl.ds(layer_base + r, CH), :],
            staging(t, slot), gsems.at[t * VBUF + slot])

    def scatter(t, c, slot):
        r = pl.multiple_of(base + c * CH, 8)
        return pltpu.make_async_copy(
            staging(t, slot), tensors[t][1].at[pl.ds(r, CH), :],
            ssems.at[t * VBUF + slot])

    for t in range(2):
        for p in range(depth[t] - 1):
            gather(t, p, p).start()

    def group(g, _):
        for b in range(UNROLL):
            i = g * UNROLL + b
            for t in range(2):
                dt = depth[t]
                slot = b % dt
                gather(t, i, slot).wait()
                for j in range(BH_PER_W):
                    @pl.when(i == j * (S // CH) + pos_div)
                    def _():
                        if t == 0:
                            for k in range(D // 16):
                                bufs[slot, pos_mod, pl.ds(16 * k, 16)] \
                                    = vrows[j][k]
                        else:
                            pltpu.sync_copy(
                                rbuf.at[1, pl.ds(j, 1), :],
                                vsh.at[sid, slot, pl.ds(pos_mod, 1), :])
                scatter(t, i, slot).start()
                ns = (b + dt - 1) % dt

                @pl.when(i + dt - 1 < NCH)
                def _():
                    @pl.when(i >= 1)
                    def _():
                        scatter(t, i - 1, ns).wait()
                    gather(t, i + dt - 1, ns).start()
        return None

    lax.fori_loop(0, NCH // UNROLL, group, None, unroll=False)
    for t in range(2):
        for i in range(NCH - depth[t], NCH):
            scatter(t, i, i % depth[t]).wait()


@jax.jit
def _update(kc2, vc2, kval2, vval2, params):
    f = pl.kernel(
        _sc_body,
        out_type=(jax.ShapeDtypeStruct((ROWS, D), jnp.float32),
                  jax.ShapeDtypeStruct((ROWS, D), jnp.float32)),
        mesh=plsc.VectorSubcoreMesh(core_axis_name="c", subcore_axis_name="s"),
        scratch_types=(
            pltpu.VMEM((16,), jnp.int32),
            pltpu.VMEM((KBUF, CH, D), jnp.float32),
            pltpu.VMEM_SHARED((16, VBUF, CH, D), jnp.float32),
            pltpu.VMEM((2, BH_PER_W, D), jnp.float32),
            pltpu.SemaphoreType.DMA((2 * VBUF,)),
            pltpu.SemaphoreType.DMA((2 * VBUF,)),
            pltpu.SemaphoreType.DMA,
            pltpu.SemaphoreType.DMA((2,)),
        ),
    )
    return f(kc2, vc2, kval2, vval2, params)


def kernel(k_cache, v_cache, layer_idx, input_pos, k_val, v_val):
    layer_idx = jnp.asarray(layer_idx, jnp.int32)
    input_pos = jnp.asarray(input_pos, jnp.int32)
    kc2 = k_cache.reshape(N_LAYER * ROWS, D)
    vc2 = v_cache.reshape(N_LAYER * ROWS, D)
    kval2 = k_val.reshape(B * H, D)
    vval2 = v_val.reshape(B * H, D)
    params = jnp.zeros((16,), jnp.int32)
    params = params.at[0].set(layer_idx * ROWS).at[1].set(input_pos)
    k2, v2 = _update(kc2, vc2, kval2, vval2, params)
    return (k2.reshape(B, H, S, D), v2.reshape(B, H, S, D))

# --- scband reference (transcript-rebuilt; emitter-appended) ---
"""Pipeline reference for scband-kvcache-73263552135845 (READ-ONLY COPY).

The authoritative reference and input builder live on the scoring server;
editing this copy changes nothing except your own understanding.
"""

import jax, jax.numpy as jnp
import numpy as np

N_LAYER, B, H, S, D = 4, 8, 8, 2048, 128

def setup_inputs(seed: int = 0) -> dict:
    key = jax.random.key(seed)
    k1, k2 = jax.random.split(key)
    return {
        "k_cache": jnp.zeros((N_LAYER, B, H, S, D), dtype=jnp.float32),
        "v_cache": jnp.zeros((N_LAYER, B, H, S, D), dtype=jnp.float32),
        "layer_idx": 2,
        "input_pos": 1000,
        "k_val": jax.random.normal(k1, (B, H, 1, D), dtype=jnp.float32),
        "v_val": jax.random.normal(k2, (B, H, 1, D), dtype=jnp.float32),
    }

def reference(k_cache, v_cache, layer_idx, input_pos, k_val, v_val):
    # Faithful translation of KVCache.update: in-place single-position scatter
    # (functional in jax via dynamic_update_slice), then return the updated layer slice.
    layer_idx = jnp.asarray(layer_idx)
    input_pos = jnp.asarray(input_pos)
    zero = jnp.zeros((), dtype=input_pos.dtype)
    starts = (layer_idx.astype(input_pos.dtype), zero, zero, input_pos, zero)
    k_out = jax.lax.dynamic_update_slice(k_cache, k_val[None], starts)
    v_out = jax.lax.dynamic_update_slice(v_cache, v_val[None], starts)
    return (jnp.take(k_out, layer_idx, axis=0), jnp.take(v_out, layer_idx, axis=0))

if __name__ == "__main__":
    import jax
    _d = setup_inputs()
    print(jax.jit(kernel)(*tuple(_d.values())))

</pallas_src>

<mosaic_0001>
#map = affine_map<(d0, d1) -> (0, 0)>
#map1 = affine_map<(d0, d1) -> (0)>
module attributes {stable_mosaic.version = 14 : i64} {
  func.func @_sc_body(%arg0: i32, %arg1: i32, %arg2: memref<524288x128xf32, #tpu.memory_space<hbm>>, %arg3: memref<524288x128xf32, #tpu.memory_space<hbm>>, %arg4: memref<64x128xf32, #tpu.memory_space<hbm>>, %arg5: memref<64x128xf32, #tpu.memory_space<hbm>>, %arg6: memref<16xi32, #tpu.memory_space<hbm>>, %arg7: memref<131072x128xf32, #tpu.memory_space<hbm>>, %arg8: memref<131072x128xf32, #tpu.memory_space<hbm>>, %arg9: memref<16xi32, #tpu.memory_space<vmem>>, %arg10: memref<2x128x128xf32, #tpu.memory_space<vmem>>, %arg11: memref<16x4x128x128xf32, #tpu.memory_space<vmem_shared>>, %arg12: memref<2x2x128xf32, #tpu.memory_space<vmem>>, %arg13: memref<8x!tpu.dma_semaphore, #tpu.memory_space<semaphore_mem>>, %arg14: memref<8x!tpu.dma_semaphore, #tpu.memory_space<semaphore_mem>>, %arg15: memref<!tpu.dma_semaphore, #tpu.memory_space<semaphore_mem>>, %arg16: memref<2x!tpu.dma_semaphore, #tpu.memory_space<semaphore_mem>>) attributes {dimension_semantics = [#tpu.dimension_semantics<core_parallel>, #tpu.dimension_semantics<subcore_parallel>], iteration_bounds = array<i64: 2, 16>, scalar_prefetch = 0 : i64, scratch_operands = 8 : i64, tpu.core_type = #tpu.core_type<sc_vector_subcore>, window_params = [{transform_indices = #map}, {transform_indices = #map}, {transform_indices = #map}, {transform_indices = #map}, {transform_indices = #map1}, {transform_indices = #map}, {transform_indices = #map}]} {
    %mul3A = arith.constant 2 : i32
    %mul3A_0 = arith.muli %arg1, %mul3A : i32
    %add3A = arith.addi %mul3A_0, %arg0 : i32
    tpu.enqueue_dma source(%arg6 : memref<16xi32, #tpu.memory_space<hbm>>) target(%arg9 : memref<16xi32, #tpu.memory_space<vmem>>) target_semaphore(%arg15 : memref<!tpu.dma_semaphore, #tpu.memory_space<semaphore_mem>>)
    %mul3A_1 = arith.constant 2 : i32
    %mul3A_2 = arith.muli %add3A, %mul3A_1 : i32
    %dma_start3A = arith.constant 0 : i32
    %dma_start3A_3 = arith.constant 0 : i32
    %dma_start3A_4 = arith.constant 0 : i32
    %dma_start3A_5 = arith.constant 0 : i32
    %dma_start3A_6 = tpu.memref_slice %arg12[%dma_start3A, %dma_start3A_4, %dma_start3A_5] : memref<2x2x128xf32, #tpu.memory_space<vmem>> -> memref<1x2x128xf32, #tpu.memory_space<vmem>>
    %dma_start3A_7 = tpu.memref_squeeze %dma_start3A_6 : memref<1x2x128xf32, #tpu.memory_space<vmem>> -> memref<2x128xf32, #tpu.memory_space<vmem>>
    %dma_start3A_8 = arith.constant 0 : i32
    %dma_start3A_9 = tpu.memref_slice %arg4[%mul3A_2, %dma_start3A_8] : memref<64x128xf32, #tpu.memory_space<hbm>> -> memref<2x128xf32, #tpu.memory_space<hbm>>
    %dma_start3A_10 = tpu.memref_slice %arg16[%dma_start3A_3] : memref<2x!tpu.dma_semaphore, #tpu.memory_space<semaphore_mem>> -> memref<1x!tpu.dma_semaphore, #tpu.memory_space<semaphore_mem>>
    %dma_start3A_11 = tpu.memref_squeeze %dma_start3A_10 : memref<1x!tpu.dma_semaphore, #tpu.memory_space<semaphore_mem>> -> memref<!tpu.dma_semaphore, #tpu.memory_space<semaphore_mem>>
    %dma_start3A_12 = arith.constant 0 : i32
    %dma_start3A_13 = arith.constant 0 : i32
    %dma_start3A_14 = tpu.memref_slice %arg12[%dma_start3A, %dma_start3A_12, %dma_start3A_13] : memref<2x2x128xf32, #tpu.memory_space<vmem>> -> memref<1x2x128xf32, #tpu.memory_space<vmem>>
    %dma_start3A_15 = tpu.memref_squeeze %dma_start3A_14 : memref<1x2x128xf32, #tpu.memory_space<vmem>> -> memref<2x128xf32, #tpu.memory_space<vmem>>
    %dma_start3A_16 = arith.constant 0 : i32
    %dma_start3A_17 = tpu.memref_slice %arg4[%mul3A_2, %dma_start3A_16] : memref<64x128xf32, #tpu.memory_space<hbm>> -> memref<2x128xf32, #tpu.memory_space<hbm>>
    tpu.enqueue_dma source(%dma_start3A_17 : memref<2x128xf32, #tpu.memory_space<hbm>>) target(%dma_start3A_15 : memref<2x128xf32, #tpu.memory_space<vmem>>) target_semaphore(%dma_start3A_11 : memref<!tpu.dma_semaphore, #tpu.memory_space<semaphore_mem>>)
    %mul3A_18 = arith.constant 2 : i32
    %mul3A_19 = arith.muli %add3A, %mul3A_18 : i32
    %dma_start3A_20 = arith.constant 1 : i32
    %dma_start3A_21 = arith.constant 1 : i32
    %dma_start3A_22 = arith.constant 0 : i32
    %dma_start3A_23 = arith.constant 0 : i32
    %dma_start3A_24 = tpu.memref_slice %arg12[%dma_start3A_20, %dma_start3A_22, %dma_start3A_23] : memref<2x2x128xf32, #tpu.memory_space<vmem>> -> memref<1x2x128xf32, #tpu.memory_space<vmem>>
    %dma_start3A_25 = tpu.memref_squeeze %dma_start3A_24 : memref<1x2x128xf32, #tpu.memory_space<vmem>> -> memref<2x128xf32, #tpu.memory_space<vmem>>
    %dma_start3A_26 = arith.constant 0 : i32
    %dma_start3A_27 = tpu.memref_slice %arg5[%mul3A_19, %dma_start3A_26] : memref<64x128xf32, #tpu.memory_space<hbm>> -> memref<2x128xf32, #tpu.memory_space<hbm>>
    %dma_start3A_28 = tpu.memref_slice %arg16[%dma_start3A_21] : memref<2x!tpu.dma_semaphore, #tpu.memory_space<semaphore_mem>> -> memref<1x!tpu.dma_semaphore, #tpu.memory_space<semaphore_mem>>
    %dma_start3A_29 = tpu.memref_squeeze %dma_start3A_28 : memref<1x!tpu.dma_semaphore, #tpu.memory_space<semaphore_mem>> -> memref<!tpu.dma_semaphore, #tpu.memory_space<semaphore_mem>>
    %dma_start3A_30 = arith.constant 0 : i32
    %dma_start3A_31 = arith.constant 0 : i32
    %dma_start3A_32 = tpu.memref_slice %arg12[%dma_start3A_20, %dma_start3A_30, %dma_start3A_31] : memref<2x2x128xf32, #tpu.memory_space<vmem>> -> memref<1x2x128xf32, #tpu.memory_space<vmem>>
    %dma_start3A_33 = tpu.memref_squeeze %dma_start3A_32 : memref<1x2x128xf32, #tpu.memory_space<vmem>> -> memref<2x128xf32, #tpu.memory_space<vmem>>
    %dma_start3A_34 = arith.constant 0 : i32
    %dma_start3A_35 = tpu.memref_slice %arg5[%mul3A_19, %dma_start3A_34] : memref<64x128xf32, #tpu.memory_space<hbm>> -> memref<2x128xf32, #tpu.memory_space<hbm>>
    tpu.enqueue_dma source(%dma_start3A_35 : memref<2x128xf32, #tpu.memory_space<hbm>>) target(%dma_start3A_33 : memref<2x128xf32, #tpu.memory_space<vmem>>) target_semaphore(%dma_start3A_29 : memref<!tpu.dma_semaphore, #tpu.memory_space<semaphore_mem>>)
    tpu.wait_dma2 semaphore(%arg15 : memref<!tpu.dma_semaphore, #tpu.memory_space<semaphore_mem>>) src(%arg6 : memref<16xi32, #tpu.memory_space<hbm>>) dst(%arg9 : memref<16xi32, #tpu.memory_space<vmem>>)
    %get3A = arith.constant 0 : index
    %get3A_36 = tpu.vector_load %arg9[%get3A] {strides = array<i32>} : memref<16xi32, #tpu.memory_space<vmem>>, vector<16xi32>,
    %get3A_37 = vector.shape_cast %get3A_36 : vector<16xi32> to vector<16xi32>
    %slice3A = vector.extract_strided_slice %get3A_37 {offsets = [0], sizes = [1], strides = [1]} : vector<16xi32> to vector<1xi32>
    %squeeze3A = vector.extract %slice3A[0] : i32 from vector<1xi32>
    %multiple_of3A = tpu.assume_multiple %squeeze3A, 8 : i32
    %slice3A_38 = vector.extract_strided_slice %get3A_37 {offsets = [1], sizes = [1], strides = [1]} : vector<16xi32> to vector<1xi32>
    %squeeze3A_39 = vector.extract %slice3A_38[0] : i32 from vector<1xi32>
    %jit3A = arith.constant 128 : i32
    %div3A = arith.divsi %squeeze3A_39, %jit3A : i32
    %sign3A = arith.constant 0 : i32
    %sign3A_40 = arith.cmpi sgt, %squeeze3A_39, %sign3A : i32
    %sign3A_41 = arith.extui %sign3A_40 : i1 to i32
    %sign3A_42 = arith.constant 0 : i32
    %sign3A_43 = arith.cmpi slt, %squeeze3A_39, %sign3A_42 : i32
    %sign3A_44 = arith.extui %sign3A_43 : i1 to i32
    %sign3A_45 = arith.subi %sign3A_41, %sign3A_44 : i32
    %sign3A_46 = arith.constant 0 : i32
    %sign3A_47 = arith.cmpi sgt, %jit3A, %sign3A_46 : i32
    %sign3A_48 = arith.extui %sign3A_47 : i1 to i32
    %sign3A_49 = arith.constant 0 : i32
    %sign3A_50 = arith.cmpi slt, %jit3A, %sign3A_49 : i32
    %sign3A_51 = arith.extui %sign3A_50 : i1 to i32
    %sign3A_52 = arith.subi %sign3A_48, %sign3A_51 : i32
    %ne3A = arith.cmpi ne, %sign3A_45, %sign3A_52 : i32
    %rem3A = arith.remsi %squeeze3A_39, %jit3A : i32
    %ne3A_53 = arith.constant 0 : i32
    %ne3A_54 = arith.cmpi ne, %rem3A, %ne3A_53 : i32
    %and3A = arith.andi %ne3A, %ne3A_54 : i1
    %sub3A = arith.constant 1 : i32
    %sub3A_55 = arith.subi %div3A, %sub3A : i32
    %select_n3A = arith.select %and3A, %sub3A_55, %div3A : i32
    %jit3A_56 = arith.constant 128 : i32
    %eq3A = arith.constant 0 : i32
    %eq3A_57 = arith.cmpi eq, %jit3A_56, %eq3A : i32
    %jit3A_58 = arith.constant 1 : i32
    %select_n3A_59 = arith.select %eq3A_57, %jit3A_58, %jit3A_56 : i32
    %rem3A_60 = arith.remsi %squeeze3A_39, %select_n3A_59 : i32
    %ne3A_61 = arith.constant 0 : i32
    %ne3A_62 = arith.cmpi ne, %rem3A_60, %ne3A_61 : i32
    %lt3A = arith.constant 0 : i32
    %lt3A_63 = arith.cmpi slt, %rem3A_60, %lt3A : i32
    %lt3A_64 = arith.constant 0 : i32
    %lt3A_65 = arith.cmpi slt, %select_n3A_59, %lt3A_64 : i32
    %ne3A_66 = arith.xori %lt3A_63, %lt3A_65 : i1
    %and3A_67 = arith.andi %ne3A_66, %ne3A_62 : i1
    %add3A_68 = arith.addi %rem3A_60, %select_n3A_59 : i32
    %select_n3A_69 = arith.select %and3A_67, %add3A_68, %rem3A_60 : i32
    %mul3A_70 = arith.constant 4096 : i32
    %mul3A_71 = arith.muli %add3A, %mul3A_70 : i32
    %dma_wait3A = arith.constant 0 : i32
    %dma_wait3A_72 = arith.constant 0 : i32
    %dma_wait3A_73 = arith.constant 0 : i32
    %dma_wait3A_74 = arith.constant 0 : i32
    %dma_wait3A_75 = tpu.memref_slice %arg12[%dma_wait3A, %dma_wait3A_73, %dma_wait3A_74] : memref<2x2x128xf32, #tpu.memory_space<vmem>> -> memref<1x2x128xf32, #tpu.memory_space<vmem>>
    %dma_wait3A_76 = tpu.memref_squeeze %dma_wait3A_75 : memref<1x2x128xf32, #tpu.memory_space<vmem>> -> memref<2x128xf32, #tpu.memory_space<vmem>>
    %dma_wait3A_77 = arith.constant 0 : i32
    %dma_wait3A_78 = tpu.memref_slice %arg4[%mul3A_2, %dma_wait3A_77] : memref<64x128xf32, #tpu.memory_space<hbm>> -> memref<2x128xf32, #tpu.memory_space<hbm>>
    %dma_wait3A_79 = tpu.memref_slice %arg16[%dma_wait3A_72] : memref<2x!tpu.dma_semaphore, #tpu.memory_space<semaphore_mem>> -> memref<1x!tpu.dma_semaphore, #tpu.memory_space<semaphore_mem>>
    %dma_wait3A_80 = tpu.memref_squeeze %dma_wait3A_79 : memref<1x!tpu.dma_semaphore, #tpu.memory_space<semaphore_mem>> -> memref<!tpu.dma_semaphore, #tpu.memory_space<semaphore_mem>>
    %dma_wait3A_81 = arith.constant 0 : i32
    %dma_wait3A_82 = arith.constant 0 : i32
    %dma_wait3A_83 = tpu.memref_slice %arg12[%dma_wait3A, %dma_wait3A_81, %dma_wait3A_82] : memref<2x2x128xf32, #tpu.memory_space<vmem>> -> memref<1x2x128xf32, #tpu.memory_space<vmem>>
    %dma_wait3A_84 = tpu.memref_squeeze %dma_wait3A_83 : memref<1x2x128xf32, #tpu.memory_space<vmem>> -> memref<2x128xf32, #tpu.memory_space<vmem>>
    %dma_wait3A_85 = arith.constant 0 : i32
    %dma_wait3A_86 = tpu.memref_slice %arg4[%mul3A_2, %dma_wait3A_85] : memref<64x128xf32, #tpu.memory_space<hbm>> -> memref<2x128xf32, #tpu.memory_space<hbm>>
    tpu.wait_dma2 semaphore(%dma_wait3A_80 : memref<!tpu.dma_semaphore, #tpu.memory_space<semaphore_mem>>) src(%dma_wait3A_86 : memref<2x128xf32, #tpu.memory_space<hbm>>) dst(%dma_wait3A_84 : memref<2x128xf32, #tpu.memory_space<vmem>>)
    %dma_wait3A_87 = arith.constant 1 : i32
    %dma_wait3A_88 = arith.constant 1 : i32
    %dma_wait3A_89 = arith.constant 0 : i32
    %dma_wait3A_90 = arith.constant 0 : i32
    %dma_wait3A_91 = tpu.memref_slice %arg12[%dma_wait3A_87, %dma_wait3A_89, %dma_wait3A_90] : memref<2x2x128xf32, #tpu.memory_space<vmem>> -> memref<1x2x128xf32, #tpu.memory_space<vmem>>
    %dma_wait3A_92 = tpu.memref_squeeze %dma_wait3A_91 : memref<1x2x128xf32, #tpu.memory_space<vmem>> -> memref<2x128xf32, #tpu.memory_space<vmem>>
    %dma_wait3A_93 = arith.constant 0 : i32
    %dma_wait3A_94 = tpu.memref_slice %arg5[%mul3A_19, %dma_wait3A_93] : memref<64x128xf32, #tpu.memory_space<hbm>> -> memref<2x128xf32, #tpu.memory_space<hbm>>
    %dma_wait3A_95 = tpu.memref_slice %arg16[%dma_wait3A_88] : memref<2x!tpu.dma_semaphore, #tpu.memory_space<semaphore_mem>> -> memref<1x!tpu.dma_semaphore, #tpu.memory_space<semaphore_mem>>
    %dma_wait3A_96 = tpu.memref_squeeze %dma_wait3A_95 : memref<1x!tpu.dma_semaphore, #tpu.memory_space<semaphore_mem>> -> memref<!tpu.dma_semaphore, #tpu.memory_space<semaphore_mem>>
    %dma_wait3A_97 = arith.constant 0 : i32
    %dma_wait3A_98 = arith.constant 0 : i32
    %dma_wait3A_99 = tpu.memref_slice %arg12[%dma_wait3A_87, %dma_wait3A_97, %dma_wait3A_98] : memref<2x2x128xf32, #tpu.memory_space<vmem>> -> memref<1x2x128xf32, #tpu.memory_space<vmem>>
    %dma_wait3A_100 = tpu.memref_squeeze %dma_wait3A_99 : memref<1x2x128xf32, #tpu.memory_space<vmem>> -> memref<2x128xf32, #tpu.memory_space<vmem>>
    %dma_wait3A_101 = arith.constant 0 : i32
    %dma_wait3A_102 = tpu.memref_slice %arg5[%mul3A_19, %dma_wait3A_101] : memref<64x128xf32, #tpu.memory_space<hbm>> -> memref<2x128xf32, #tpu.memory_space<hbm>>
    tpu.wait_dma2 semaphore(%dma_wait3A_96 : memref<!tpu.dma_semaphore, #tpu.memory_space<semaphore_mem>>) src(%dma_wait3A_102 : memref<2x128xf32, #tpu.memory_space<hbm>>) dst(%dma_wait3A_100 : memref<2x128xf32, #tpu.memory_space<vmem>>)
    %get3A_103 = arith.constant 0 : i32
    %get3A_104 = arith.constant 0 : i32
    %get3A_105 = arith.index_cast %get3A_103 : i32 to index
    %get3A_106 = arith.index_cast %get3A_104 : i32 to index
    %get3A_107 = arith.constant 0 : index
    %get3A_108 = tpu.vector_load %arg12[%get3A_105, %get3A_106, %get3A_107] {strides = array<i32>} : memref<2x2x128xf32, #tpu.memory_space<vmem>>, vector<1x1x16xf32>,
    %get3A_109 = vector.shape_cast %get3A_108 : vector<1x1x16xf32> to vector<16xf32>
    %get3A_110 = arith.constant 0 : i32
    %get3A_111 = arith.constant 0 : i32
    %get3A_112 = arith.index_cast %get3A_110 : i32 to index
    %get3A_113 = arith.index_cast %get3A_111 : i32 to index
    %get3A_114 = arith.constant 16 : index
    %get3A_115 = tpu.vector_load %arg12[%get3A_112, %get3A_113, %get3A_114] {strides = array<i32>} : memref<2x2x128xf32, #tpu.memory_space<vmem>>, vector<1x1x16xf32>,
    %get3A_116 = vector.shape_cast %get3A_115 : vector<1x1x16xf32> to vector<16xf32>
    %get3A_117 = arith.constant 0 : i32
    %get3A_118 = arith.constant 0 : i32
    %get3A_119 = arith.index_cast %get3A_117 : i32 to index
    %get3A_120 = arith.index_cast %get3A_118 : i32 to index
    %get3A_121 = arith.constant 32 : index
    %get3A_122 = tpu.vector_load %arg12[%get3A_119, %get3A_120, %get3A_121] {strides = array<i32>} : memref<2x2x128xf32, #tpu.memory_space<vmem>>, vector<1x1x16xf32>,
    %get3A_123 = vector.shape_cast %get3A_122 : vector<1x1x16xf32> to vector<16xf32>
    %get3A_124 = arith.constant 0 : i32
    %get3A_125 = arith.constant 0 : i32
    %get3A_126 = arith.index_cast %get3A_124 : i32 to index
    %get3A_127 = arith.index_cast %get3A_125 : i32 to index
    %get3A_128 = arith.constant 48 : index
    %get3A_129 = tpu.vector_load %arg12[%get3A_126, %get3A_127, %get3A_128] {strides = array<i32>} : memref<2x2x128xf32, #tpu.memory_space<vmem>>, vector<1x1x16xf32>,
    %get3A_130 = vector.shape_cast %get3A_129 : vector<1x1x16xf32> to vector<16xf32>
    %get3A_131 = arith.constant 0 : i32
    %get3A_132 = arith.constant 0 : i32
    %get3A_133 = arith.index_cast %get3A_131 : i32 to index
    %get3A_134 = arith.index_cast %get3A_132 : i32 to index
    %get3A_135 = arith.constant 64 : index
    %get3A_136 = tpu.vector_load %arg12[%get3A_133, %get3A_134, %get3A_135] {strides = array<i32>} : memref<2x2x128xf32, #tpu.memory_space<vmem>>, vector<1x1x16xf32>,
    %get3A_137 = vector.shape_cast %get3A_136 : vector<1x1x16xf32> to vector<16xf32>
    %get3A_138 = arith.constant 0 : i32
    %get3A_139 = arith.constant 0 : i32
    %get3A_140 = arith.index_cast %get3A_138 : i32 to index
    %get3A_141 = arith.index_cast %get3A_139 : i32 to index
    %get3A_142 = arith.constant 80 : index
    %get3A_143 = tpu.vector_load %arg12[%get3A_140, %get3A_141, %get3A_142] {strides = array<i32>} : memref<2x2x128xf32, #tpu.memory_space<vmem>>, vector<1x1x16xf32>,
    %get3A_144 = vector.shape_cast %get3A_143 : vector<1x1x16xf32> to vector<16xf32>
    %get3A_145 = arith.constant 0 : i32
    %get3A_146 = arith.constant 0 : i32
    %get3A_147 = arith.index_cast %get3A_145 : i32 to index
    %get3A_148 = arith.index_cast %get3A_146 : i32 to index
    %get3A_149 = arith.constant 96 : index
    %get3A_150 = tpu.vector_load %arg12[%get3A_147, %get3A_148, %get3A_149] {strides = array<i32>} : memref<2x2x128xf32, #tpu.memory_space<vmem>>, vector<1x1x16xf32>,
    %get3A_151 = vector.shape_cast %get3A_150 : vector<1x1x16xf32> to vector<16xf32>
    %get3A_152 = arith.constant 0 : i32
    %get3A_153 = arith.constant 0 : i32
    %get3A_154 = arith.index_cast %get3A_152 : i32 to index
    %get3A_155 = arith.index_cast %get3A_153 : i32 to index
    %get3A_156 = arith.constant 112 : index
    %get3A_157 = tpu.vector_load %arg12[%get3A_154, %get3A_155, %get3A_156] {strides = array<i32>} : memref<2x2x128xf32, #tpu.memory_space<vmem>>, vector<1x1x16xf32>,
    %get3A_158 = vector.shape_cast %get3A_157 : vector<1x1x16xf32> to vector<16xf32>
    %get3A_159 = arith.constant 0 : i32
    %get3A_160 = arith.constant 1 : i32
    %get3A_161 = arith.index_cast %get3A_159 : i32 to index
    %get3A_162 = arith.index_cast %get3A_160 : i32 to index
    %get3A_163 = arith.constant 0 : index
    %get3A_164 = tpu.vector_load %arg12[%get3A_161, %get3A_162, %get3A_163] {strides = array<i32>} : memref<2x2x128xf32, #tpu.memory_space<vmem>>, vector<1x1x16xf32>,
    %get3A_165 = vector.shape_cast %get3A_164 : vector<1x1x16xf32> to vector<16xf32>
    %get3A_166 = arith.constant 0 : i32
    %get3A_167 = arith.constant 1 : i32
    %get3A_168 = arith.index_cast %get3A_166 : i32 to index
    %get3A_169 = arith.index_cast %get3A_167 : i32 to index
    %get3A_170 = arith.constant 16 : index
    %get3A_171 = tpu.vector_load %arg12[%get3A_168, %get3A_169, %get3A_170] {strides = array<i32>} : memref<2x2x128xf32, #tpu.memory_space<vmem>>, vector<1x1x16xf32>,
    %get3A_172 = vector.shape_cast %get3A_171 : vector<1x1x16xf32> to vector<16xf32>
    %get3A_173 = arith.constant 0 : i32
    %get3A_174 = arith.constant 1 : i32
    %get3A_175 = arith.index_cast %get3A_173 : i32 to index
    %get3A_176 = arith.index_cast %get3A_174 : i32 to index
    %get3A_177 = arith.constant 32 : index
    %get3A_178 = tpu.vector_load %arg12[%get3A_175, %get3A_176, %get3A_177] {strides = array<i32>} : memref<2x2x128xf32, #tpu.memory_space<vmem>>, vector<1x1x16xf32>,
    %get3A_179 = vector.shape_cast %get3A_178 : vector<1x1x16xf32> to vector<16xf32>
    %get3A_180 = arith.constant 0 : i32
    %get3A_181 = arith.constant 1 : i32
    %get3A_182 = arith.index_cast %get3A_180 : i32 to index
    %get3A_183 = arith.index_cast %get3A_181 : i32 to index
    %get3A_184 = arith.constant 48 : index
    %get3A_185 = tpu.vector_load %arg12[%get3A_182, %get3A_183, %get3A_184] {strides = array<i32>} : memref<2x2x128xf32, #tpu.memory_space<vmem>>, vector<1x1x16xf32>,
    %get3A_186 = vector.shape_cast %get3A_185 : vector<1x1x16xf32> to vector<16xf32>
    %get3A_187 = arith.constant 0 : i32
    %get3A_188 = arith.constant 1 : i32
    %get3A_189 = arith.index_cast %get3A_187 : i32 to index
    %get3A_190 = arith.index_cast %get3A_188 : i32 to index
    %get3A_191 = arith.constant 64 : index
    %get3A_192 = tpu.vector_load %arg12[%get3A_189, %get3A_190, %get3A_191] {strides = array<i32>} : memref<2x2x128xf32, #tpu.memory_space<vmem>>, vector<1x1x16xf32>,
    %get3A_193 = vector.shape_cast %get3A_192 : vector<1x1x16xf32> to vector<16xf32>
    %get3A_194 = arith.constant 0 : i32
    %get3A_195 = arith.constant 1 : i32
    %get3A_196 = arith.index_cast %get3A_194 : i32 to index
    %get3A_197 = arith.index_cast %get3A_195 : i32 to index
    %get3A_198 = arith.constant 80 : index
    %get3A_199 = tpu.vector_load %arg12[%get3A_196, %get3A_197, %get3A_198] {strides = array<i32>} : memref<2x2x128xf32, #tpu.memory_space<vmem>>, vector<1x1x16xf32>,
    %get3A_200 = vector.shape_cast %get3A_199 : vector<1x1x16xf32> to vector<16xf32>
    %get3A_201 = arith.constant 0 : i32
    %get3A_202 = arith.constant 1 : i32
    %get3A_203 = arith.index_cast %get3A_201 : i32 to index
    %get3A_204 = arith.index_cast %get3A_202 : i32 to index
    %get3A_205 = arith.constant 96 : index
    %get3A_206 = tpu.vector_load %arg12[%get3A_203, %get3A_204, %get3A_205] {strides = array<i32>} : memref<2x2x128xf32, #tpu.memory_space<vmem>>, vector<1x1x16xf32>,
    %get3A_207 = vector.shape_cast %get3A_206 : vector<1x1x16xf32> to vector<16xf32>
    %get3A_208 = arith.constant 0 : i32
    %get3A_209 = arith.constant 1 : i32
    %get3A_210 = arith.index_cast %get3A_208 : i32 to index
    %get3A_211 = arith.index_cast %get3A_209 : i32 to index
    %get3A_212 = arith.constant 112 : index
    %get3A_213 = tpu.vector_load %arg12[%get3A_210, %get3A_211, %get3A_212] {strides = array<i32>} : memref<2x2x128xf32, #tpu.memory_space<vmem>>, vector<1x1x16xf32>,
    %get3A_214 = vector.shape_cast %get3A_213 : vector<1x1x16xf32> to vector<16xf32>
    %add3A_215 = arith.constant 0 : i32
    %add3A_216 = arith.addi %mul3A_71, %add3A_215 : i32
    %multiple_of3A_217 = tpu.assume_multiple %add3A_216, 8 : i32
    %add3A_218 = arith.addi %multiple_of3A, %multiple_of3A_217 : i32
    %dma_start3A_219 = arith.constant 0 : i32
    %dma_start3A_220 = arith.constant 0 : i32
    %dma_start3A_221 = arith.constant 0 : i32
    %dma_start3A_222 = arith.constant 0 : i32
    %dma_start3A_223 = tpu.memref_slice %arg10[%dma_start3A_219, %dma_start3A_221, %dma_start3A_222] : memref<2x128x128xf32, #tpu.memory_space<vmem>> -> memref<1x128x128xf32, #tpu.memory_space<vmem>>
    %dma_start3A_224 = tpu.memref_squeeze %dma_start3A_223 : memref<1x128x128xf32, #tpu.memory_space<vmem>> -> memref<128x128xf32, #tpu.memory_space<vmem>>
    %dma_start3A_225 = arith.constant 0 : i32
    %dma_start3A_226 = tpu.memref_slice %arg2[%add3A_218, %dma_start3A_225] : memref<524288x128xf32, #tpu.memory_space<hbm>> -> memref<128x128xf32, #tpu.memory_space<hbm>>
    %dma_start3A_227 = tpu.memref_slice %arg13[%dma_start3A_220] : memref<8x!tpu.dma_semaphore, #tpu.memory_space<semaphore_mem>> -> memref<1x!tpu.dma_semaphore, #tpu.memory_space<semaphore_mem>>
    %dma_start3A_228 = tpu.memref_squeeze %dma_start3A_227 : memref<1x!tpu.dma_semaphore, #tpu.memory_space<semaphore_mem>> -> memref<!tpu.dma_semaphore, #tpu.memory_space<semaphore_mem>>
    %dma_start3A_229 = arith.constant 0 : i32
    %dma_start3A_230 = arith.constant 0 : i32
    %dma_start3A_231 = tpu.memref_slice %arg10[%dma_start3A_219, %dma_start3A_229, %dma_start3A_230] : memref<2x128x128xf32, #tpu.memory_space<vmem>> -> memref<1x128x128xf32, #tpu.memory_space<vmem>>
    %dma_start3A_232 = tpu.memref_squeeze %dma_start3A_231 : memref<1x128x128xf32, #tpu.memory_space<vmem>> -> memref<128x128xf32, #tpu.memory_space<vmem>>
    %dma_start3A_233 = arith.constant 0 : i32
    %dma_start3A_234 = tpu.memref_slice %arg2[%add3A_218, %dma_start3A_233] : memref<524288x128xf32, #tpu.memory_space<hbm>> -> memref<128x128xf32, #tpu.memory_space<hbm>>
    tpu.enqueue_dma source(%dma_start3A_234 : memref<128x128xf32, #tpu.memory_space<hbm>>) target(%dma_start3A_232 : memref<128x128xf32, #tpu.memory_space<vmem>>) target_semaphore(%dma_start3A_228 : memref<!tpu.dma_semaphore, #tpu.memory_space<semaphore_mem>>)
    %add3A_235 = arith.constant 0 : i32
    %add3A_236 = arith.addi %mul3A_71, %add3A_235 : i32
    %multiple_of3A_237 = tpu.assume_multiple %add3A_236, 8 : i32
    %add3A_238 = arith.addi %multiple_of3A, %multiple_of3A_237 : i32
    %dma_start3A_239 = arith.constant 0 : i32
    %dma_start3A_240 = arith.constant 4 : i32
    %dma_start3A_241 = tpu.memref_slice %arg13[%dma_start3A_240] : memref<8x!tpu.dma_semaphore, #tpu.memory_space<semaphore_mem>> -> memref<1x!tpu.dma_semaphore, #tpu.memory_space<semaphore_mem>>
    %dma_start3A_242 = tpu.memref_squeeze %dma_start3A_241 : memref<1x!tpu.dma_semaphore, #tpu.memory_space<semaphore_mem>> -> memref<!tpu.dma_semaphore, #tpu.memory_space<semaphore_mem>>
    %dma_start3A_243 = arith.constant 0 : i32
    %dma_start3A_244 = arith.constant 0 : i32
    %dma_start3A_245 = tpu.memref_slice %arg11[%arg1, %dma_start3A_239, %dma_start3A_243, %dma_start3A_244] : memref<16x4x128x128xf32, #tpu.memory_space<vmem_shared>> -> memref<1x1x128x128xf32, #tpu.memory_space<vmem_shared>>
    %dma_start3A_246 = tpu.memref_squeeze %dma_start3A_245 : memref<1x1x128x128xf32, #tpu.memory_space<vmem_shared>> -> memref<128x128xf32, #tpu.memory_space<vmem_shared>>
    %dma_start3A_247 = arith.constant 0 : i32
    %dma_start3A_248 = tpu.memref_slice %arg3[%add3A_238, %dma_start3A_247] : memref<524288x128xf32, #tpu.memory_space<hbm>> -> memref<128x128xf32, #tpu.memory_space<hbm>>
    tpu.enqueue_dma source(%dma_start3A_248 : memref<128x128xf32, #tpu.memory_space<hbm>>) target(%dma_start3A_246 : memref<128x128xf32, #tpu.memory_space<vmem_shared>>) target_semaphore(%dma_start3A_242 : memref<!tpu.dma_semaphore, #tpu.memory_space<semaphore_mem>>)
    %add3A_249 = arith.constant 128 : i32
    %add3A_250 = arith.addi %mul3A_71, %add3A_249 : i32
    %multiple_of3A_251 = tpu.assume_multiple %add3A_250, 8 : i32
    %add3A_252 = arith.addi %multiple_of3A, %multiple_of3A_251 : i32
    %dma_start3A_253 = arith.constant 1 : i32
    %dma_start3A_254 = arith.constant 5 : i32
    %dma_start3A_255 = tpu.memref_slice %arg13[%dma_start3A_254] : memref<8x!tpu.dma_semaphore, #tpu.memory_space<semaphore_mem>> -> memref<1x!tpu.dma_semaphore, #tpu.memory_space<semaphore_mem>>
    %dma_start3A_256 = tpu.memref_squeeze %dma_start3A_255 : memref<1x!tpu.dma_semaphore, #tpu.memory_space<semaphore_mem>> -> memref<!tpu.dma_semaphore, #tpu.memory_space<semaphore_mem>>
    %dma_start3A_257 = arith.constant 0 : i32
    %dma_start3A_258 = arith.constant 0 : i32
    %dma_start3A_259 = tpu.memref_slice %arg11[%arg1, %dma_start3A_253, %dma_start3A_257, %dma_start3A_258] : memref<16x4x128x128xf32, #tpu.memory_space<vmem_shared>> -> memref<1x1x128x128xf32, #tpu.memory_space<vmem_shared>>
    %dma_start3A_260 = tpu.memref_squeeze %dma_start3A_259 : memref<1x1x128x128xf32, #tpu.memory_space<vmem_shared>> -> memref<128x128xf32, #tpu.memory_space<vmem_shared>>
    %dma_start3A_261 = arith.constant 0 : i32
    %dma_start3A_262 = tpu.memref_slice %arg3[%add3A_252, %dma_start3A_261] : memref<524288x128xf32, #tpu.memory_space<hbm>> -> memref<128x128xf32, #tpu.memory_space<hbm>>
    tpu.enqueue_dma source(%dma_start3A_262 : memref<128x128xf32, #tpu.memory_space<hbm>>) target(%dma_start3A_260 : memref<128x128xf32, #tpu.memory_space<vmem_shared>>) target_semaphore(%dma_start3A_256 : memref<!tpu.dma_semaphore, #tpu.memory_space<semaphore_mem>>)
    %add3A_263 = arith.constant 256 : i32
    %add3A_264 = arith.addi %mul3A_71, %add3A_263 : i32
    %multiple_of3A_265 = tpu.assume_multiple %add3A_264, 8 : i32
    %add3A_266 = arith.addi %multiple_of3A, %multiple_of3A_265 : i32
    %dma_start3A_267 = arith.constant 2 : i32
    %dma_start3A_268 = arith.constant 6 : i32
    %dma_start3A_269 = tpu.memref_slice %arg13[%dma_start3A_268] : memref<8x!tpu.dma_semaphore, #tpu.memory_space<semaphore_mem>> -> memref<1x!tpu.dma_semaphore, #tpu.memory_space<semaphore_mem>>
    %dma_start3A_270 = tpu.memref_squeeze %dma_start3A_269 : memref<1x!tpu.dma_semaphore, #tpu.memory_space<semaphore_mem>> -> memref<!tpu.dma_semaphore, #tpu.memory_space<semaphore_mem>>
    %dma_start3A_271 = arith.constant 0 : i32
    %dma_start3A_272 = arith.constant 0 : i32
    %dma_start3A_273 = tpu.memref_slice %arg11[%arg1, %dma_start3A_267, %dma_start3A_271, %dma_start3A_272] : memref<16x4x128x128xf32, #tpu.memory_space<vmem_shared>> -> memref<1x1x128x128xf32, #tpu.memory_space<vmem_shared>>
    %dma_start3A_274 = tpu.memref_squeeze %dma_start3A_273 : memref<1x1x128x128xf32, #tpu.memory_space<vmem_shared>> -> memref<128x128xf32, #tpu.memory_space<vmem_shared>>
    %dma_start3A_275 = arith.constant 0 : i32
    %dma_start3A_276 = tpu.memref_slice %arg3[%add3A_266, %dma_start3A_275] : memref<524288x128xf32, #tpu.memory_space<hbm>> -> memref<128x128xf32, #tpu.memory_space<hbm>>
    tpu.enqueue_dma source(%dma_start3A_276 : memref<128x128xf32, #tpu.memory_space<hbm>>) target(%dma_start3A_274 : memref<128x128xf32, #tpu.memory_space<vmem_shared>>) target_semaphore(%dma_start3A_270 : memref<!tpu.dma_semaphore, #tpu.memory_space<semaphore_mem>>)
    %scan3A = arith.constant 0 : i32
    %scan3A_277 = arith.constant 8 : i32
    %scan3A_278 = arith.addi %scan3A, %scan3A_277 : i32
    %scan3A_279 = arith.constant 1 : i32
    scf.for %scan3A_371 = %scan3A to %scan3A_278 step %scan3A_279  : i32 {
      %mul3A_372 = arith.constant 4 : i32
      %mul3A_373 = arith.muli %scan3A_371, %mul3A_372 : i32
      %add3A_374 = arith.constant 0 : i32
      %add3A_375 = arith.addi %mul3A_373, %add3A_374 : i32
      %mul3A_376 = arith.constant 128 : i32
      %mul3A_377 = arith.muli %add3A_375, %mul3A_376 : i32
      %add3A_378 = arith.addi %mul3A_71, %mul3A_377 : i32
      %multiple_of3A_379 = tpu.assume_multiple %add3A_378, 8 : i32
      %add3A_380 = arith.addi %multiple_of3A, %multiple_of3A_379 : i32
      %dma_wait3A_381 = arith.constant 0 : i32
      %dma_wait3A_382 = arith.constant 0 : i32
      %dma_wait3A_383 = arith.constant 0 : i32
      %dma_wait3A_384 = arith.constant 0 : i32
      %dma_wait3A_385 = tpu.memref_slice %arg10[%dma_wait3A_381, %dma_wait3A_383, %dma_wait3A_384] : memref<2x128x128xf32, #tpu.memory_space<vmem>> -> memref<1x128x128xf32, #tpu.memory_space<vmem>>
      %dma_wait3A_386 = tpu.memref_squeeze %dma_wait3A_385 : memref<1x128x128xf32, #tpu.memory_space<vmem>> -> memref<128x128xf32, #tpu.memory_space<vmem>>
      %dma_wait3A_387 = arith.constant 0 : i32
      %dma_wait3A_388 = tpu.memref_slice %arg2[%add3A_380, %dma_wait3A_387] : memref<524288x128xf32, #tpu.memory_space<hbm>> -> memref<128x128xf32, #tpu.memory_space<hbm>>
      %dma_wait3A_389 = tpu.memref_slice %arg13[%dma_wait3A_382] : memref<8x!tpu.dma_semaphore, #tpu.memory_space<semaphore_mem>> -> memref<1x!tpu.dma_semaphore, #tpu.memory_space<semaphore_mem>>
      %dma_wait3A_390 = tpu.memref_squeeze %dma_wait3A_389 : memref<1x!tpu.dma_semaphore, #tpu.memory_space<semaphore_mem>> -> memref<!tpu.dma_semaphore, #tpu.memory_space<semaphore_mem>>
      %dma_wait3A_391 = arith.constant 0 : i32
      %dma_wait3A_392 = arith.constant 0 : i32
      %dma_wait3A_393 = tpu.memref_slice %arg10[%dma_wait3A_381, %dma_wait3A_391, %dma_wait3A_392] : memref<2x128x128xf32, #tpu.memory_space<vmem>> -> memref<1x128x128xf32, #tpu.memory_space<vmem>>
      %dma_wait3A_394 = tpu.memref_squeeze %dma_wait3A_393 : memref<1x128x128xf32, #tpu.memory_space<vmem>> -> memref<128x128xf32, #tpu.memory_space<vmem>>
      %dma_wait3A_395 = arith.constant 0 : i32
      %dma_wait3A_396 = tpu.memref_slice %arg2[%add3A_380, %dma_wait3A_395] : memref<524288x128xf32, #tpu.memory_space<hbm>> -> memref<128x128xf32, #tpu.memory_space<hbm>>
      tpu.wait_dma2 semaphore(%dma_wait3A_390 : memref<!tpu.dma_semaphore, #tpu.memory_space<semaphore_mem>>) src(%dma_wait3A_396 : memref<128x128xf32, #tpu.memory_space<hbm>>) dst(%dma_wait3A_394 : memref<128x128xf32, #tpu.memory_space<vmem>>)
      %add3A_397 = arith.constant 0 : i32
      %add3A_398 = arith.addi %add3A_397, %select_n3A : i32
      %eq3A_399 = arith.cmpi eq, %add3A_375, %add3A_398 : i32
      %convert_element_type3A = arith.extui %eq3A_399 : i1 to i32
      %cond3A = arith.constant 0 : i32
      %cond3A_400 = arith.cmpi ne, %convert_element_type3A, %cond3A : i32
      scf.if %cond3A_400 {
        %swap3A = arith.constant 0 : i32
        %swap3A_834 = arith.index_cast %swap3A : i32 to index
        %swap3A_835 = arith.index_cast %select_n3A_69 : i32 to index
        %swap3A_836 = arith.constant 0 : index
        %swap3A_837 = tpu.vector_load %arg10[%swap3A_834, %swap3A_835, %swap3A_836] {strides = array<i32>} : memref<2x128x128xf32, #tpu.memory_space<vmem>>, vector<1x1x16xf32>,
        %swap3A_838 = vector.shape_cast %swap3A_837 : vector<1x1x16xf32> to vector<16xf32>
        %swap3A_839 = vector.shape_cast %get3A_109 : vector<16xf32> to vector<1x1x16xf32>
        tpu.vector_store %arg10[%swap3A_834, %swap3A_835, %swap3A_836], %swap3A_839 {strides = array<i32>} : memref<2x128x128xf32, #tpu.memory_space<vmem>>, vector<1x1x16xf32>,
        %swap3A_840 = arith.constant 0 : i32
        %swap3A_841 = arith.index_cast %swap3A_840 : i32 to index
        %swap3A_842 = arith.index_cast %select_n3A_69 : i32 to index
        %swap3A_843 = arith.constant 16 : index
        %swap3A_844 = tpu.vector_load %arg10[%swap3A_841, %swap3A_842, %swap3A_843] {strides = array<i32>} : memref<2x128x128xf32, #tpu.memory_space<vmem>>, vector<1x1x16xf32>,
        %swap3A_845 = vector.shape_cast %swap3A_844 : vector<1x1x16xf32> to vector<16xf32>
        %swap3A_846 = vector.shape_cast %get3A_116 : vector<16xf32> to vector<1x1x16xf32>
        tpu.vector_store %arg10[%swap3A_841, %swap3A_842, %swap3A_843], %swap3A_846 {strides = array<i32>} : memref<2x128x128xf32, #tpu.memory_space<vmem>>, vector<1x1x16xf32>,
        %swap3A_847 = arith.constant 0 : i32
        %swap3A_848 = arith.index_cast %swap3A_847 : i32 to index
        %swap3A_849 = arith.index_cast %select_n3A_69 : i32 to index
        %swap3A_850 = arith.constant 32 : index
        %swap3A_851 = tpu.vector_load %arg10[%swap3A_848, %swap3A_849, %swap3A_850] {strides = array<i32>} : memref<2x128x128xf32, #tpu.memory_space<vmem>>, vector<1x1x16xf32>,
        %swap3A_852 = vector.shape_cast %swap3A_851 : vector<1x1x16xf32> to vector<16xf32>
        %swap3A_853 = vector.shape_cast %get3A_123 : vector<16xf32> to vector<1x1x16xf32>
        tpu.vector_store %arg10[%swap3A_848, %swap3A_849, %swap3A_850], %swap3A_853 {strides = array<i32>} : memref<2x128x128xf32, #tpu.memory_space<vmem>>, vector<1x1x16xf32>,
        %swap3A_854 = arith.constant 0 : i32
        %swap3A_855 = arith.index_cast %swap3A_854 : i32 to index
        %swap3A_856 = arith.index_cast %select_n3A_69 : i32 to index
        %swap3A_857 = arith.constant 48 : index
        %swap3A_858 = tpu.vector_load %arg10[%swap3A_855, %swap3A_856, %swap3A_857] {strides = array<i32>} : memref<2x128x128xf32, #tpu.memory_space<vmem>>, vector<1x1x16xf32>,
        %swap3A_859 = vector.shape_cast %swap3A_858 : vector<1x1x16xf32> to vector<16xf32>
        %swap3A_860 = vector.shape_cast %get3A_130 : vector<16xf32> to vector<1x1x16xf32>
        tpu.vector_store %arg10[%swap3A_855, %swap3A_856, %swap3A_857], %swap3A_860 {strides = array<i32>} : memref<2x128x128xf32, #tpu.memory_space<vmem>>, vector<1x1x16xf32>,
        %swap3A_861 = arith.constant 0 : i32
        %swap3A_862 = arith.index_cast %swap3A_861 : i32 to index
        %swap3A_863 = arith.index_cast %select_n3A_69 : i32 to index
        %swap3A_864 = arith.constant 64 : index
        %swap3A_865 = tpu.vector_load %arg10[%swap3A_862, %swap3A_863, %swap3A_864] {strides = array<i32>} : memref<2x128x128xf32, #tpu.memory_space<vmem>>, vector<1x1x16xf32>,
        %swap3A_866 = vector.shape_cast %swap3A_865 : vector<1x1x16xf32> to vector<16xf32>
        %swap3A_867 = vector.shape_cast %get3A_137 : vector<16xf32> to vector<1x1x16xf32>
        tpu.vector_store %arg10[%swap3A_862, %swap3A_863, %swap3A_864], %swap3A_867 {strides = array<i32>} : memref<2x128x128xf32, #tpu.memory_space<vmem>>, vector<1x1x16xf32>,
        %swap3A_868 = arith.constant 0 : i32
        %swap3A_869 = arith.index_cast %swap3A_868 : i32 to index
        %swap3A_870 = arith.index_cast %select_n3A_69 : i32 to index
        %swap3A_871 = arith.constant 80 : index
        %swap3A_872 = tpu.vector_load %arg10[%swap3A_869, %swap3A_870, %swap3A_871] {strides = array<i32>} : memref<2x128x128xf32, #tpu.memory_space<vmem>>, vector<1x1x16xf32>,
        %swap3A_873 = vector.shape_cast %swap3A_872 : vector<1x1x16xf32> to vector<16xf32>
        %swap3A_874 = vector.shape_cast %get3A_144 : vector<16xf32> to vector<1x1x16xf32>
        tpu.vector_store %arg10[%swap3A_869, %swap3A_870, %swap3A_871], %swap3A_874 {strides = array<i32>} : memref<2x128x128xf32, #tpu.memory_space<vmem>>, vector<1x1x16xf32>,
        %swap3A_875 = arith.constant 0 : i32
        %swap3A_876 = arith.index_cast %swap3A_875 : i32 to index
        %swap3A_877 = arith.index_cast %select_n3A_69 : i32 to index
        %swap3A_878 = arith.constant 96 : index
        %swap3A_879 = tpu.vector_load %arg10[%swap3A_876, %swap3A_877, %swap3A_878] {strides = array<i32>} : memref<2x128x128xf32, #tpu.memory_space<vmem>>, vector<1x1x16xf32>,
        %swap3A_880 = vector.shape_cast %swap3A_879 : vector<1x1x16xf32> to vector<16xf32>
        %swap3A_881 = vector.shape_cast %get3A_151 : vector<16xf32> to vector<1x1x16xf32>
        tpu.vector_store %arg10[%swap3A_876, %swap3A_877, %swap3A_878], %swap3A_881 {strides = array<i32>} : memref<2x128x128xf32, #tpu.memory_space<vmem>>, vector<1x1x16xf32>,
        %swap3A_882 = arith.constant 0 : i32
        %swap3A_883 = arith.index_cast %swap3A_882 : i32 to index
        %swap3A_884 = arith.index_cast %select_n3A_69 : i32 to index
        %swap3A_885 = arith.constant 112 : index
        %swap3A_886 = tpu.vector_load %arg10[%swap3A_883, %swap3A_884, %swap3A_885] {strides = array<i32>} : memref<2x128x128xf32, #tpu.memory_space<vmem>>, vector<1x1x16xf32>,
        %swap3A_887 = vector.shape_cast %swap3A_886 : vector<1x1x16xf32> to vector<16xf32>
        %swap3A_888 = vector.shape_cast %get3A_158 : vector<16xf32> to vector<1x1x16xf32>
        tpu.vector_store %arg10[%swap3A_883, %swap3A_884, %swap3A_885], %swap3A_888 {strides = array<i32>} : memref<2x128x128xf32, #tpu.memory_space<vmem>>, vector<1x1x16xf32>,
      } else {
      }
      %add3A_401 = arith.constant 16 : i32
      %add3A_402 = arith.addi %add3A_401, %select_n3A : i32
      %eq3A_403 = arith.cmpi eq, %add3A_375, %add3A_402 : i32
      %convert_element_type3A_404 = arith.extui %eq3A_403 : i1 to i32
      %cond3A_405 = arith.constant 0 : i32
      %cond3A_406 = arith.cmpi ne, %convert_element_type3A_404, %cond3A_405 : i32
      scf.if %cond3A_406 {
        %swap3A = arith.constant 0 : i32
        %swap3A_834 = arith.index_cast %swap3A : i32 to index
        %swap3A_835 = arith.index_cast %select_n3A_69 : i32 to index
        %swap3A_836 = arith.constant 0 : index
        %swap3A_837 = tpu.vector_load %arg10[%swap3A_834, %swap3A_835, %swap3A_836] {strides = array<i32>} : memref<2x128x128xf32, #tpu.memory_space<vmem>>, vector<1x1x16xf32>,
        %swap3A_838 = vector.shape_cast %swap3A_837 : vector<1x1x16xf32> to vector<16xf32>
        %swap3A_839 = vector.shape_cast %get3A_165 : vector<16xf32> to vector<1x1x16xf32>
        tpu.vector_store %arg10[%swap3A_834, %swap3A_835, %swap3A_836], %swap3A_839 {strides = array<i32>} : memref<2x128x128xf32, #tpu.memory_space<vmem>>, vector<1x1x16xf32>,
        %swap3A_840 = arith.constant 0 : i32
        %swap3A_841 = arith.index_cast %swap3A_840 : i32 to index
        %swap3A_842 = arith.index_cast %select_n3A_69 : i32 to index
        %swap3A_843 = arith.constant 16 : index
        %swap3A_844 = tpu.vector_load %arg10[%swap3A_841, %swap3A_842, %swap3A_843] {strides = array<i32>} : memref<2x128x128xf32, #tpu.memory_space<vmem>>, vector<1x1x16xf32>,
        %swap3A_845 = vector.shape_cast %swap3A_844 : vector<1x1x16xf32> to vector<16xf32>
        %swap3A_846 = vector.shape_cast %get3A_172 : vector<16xf32> to vector<1x1x16xf32>
        tpu.vector_store %arg10[%swap3A_841, %swap3A_842, %swap3A_843], %swap3A_846 {strides = array<i32>} : memref<2x128x128xf32, #tpu.memory_space<vmem>>, vector<1x1x16xf32>,
        %swap3A_847 = arith.constant 0 : i32
        %swap3A_848 = arith.index_cast %swap3A_847 : i32 to index
        %swap3A_849 = arith.index_cast %select_n3A_69 : i32 to index
        %swap3A_850 = arith.constant 32 : index
        %swap3A_851 = tpu.vector_load %arg10[%swap3A_848, %swap3A_849, %swap3A_850] {strides = array<i32>} : memref<2x128x128xf32, #tpu.memory_space<vmem>>, vector<1x1x16xf32>,
        %swap3A_852 = vector.shape_cast %swap3A_851 : vector<1x1x16xf32> to vector<16xf32>
        %swap3A_853 = vector.shape_cast %get3A_179 : vector<16xf32> to vector<1x1x16xf32>
        tpu.vector_store %arg10[%swap3A_848, %swap3A_849, %swap3A_850], %swap3A_853 {strides = array<i32>} : memref<2x128x128xf32, #tpu.memory_space<vmem>>, vector<1x1x16xf32>,
        %swap3A_854 = arith.constant 0 : i32
        %swap3A_855 = arith.index_cast %swap3A_854 : i32 to index
        %swap3A_856 = arith.index_cast %select_n3A_69 : i32 to index
        %swap3A_857 = arith.constant 48 : index
        %swap3A_858 = tpu.vector_load %arg10[%swap3A_855, %swap3A_856, %swap3A_857] {strides = array<i32>} : memref<2x128x128xf32, #tpu.memory_space<vmem>>, vector<1x1x16xf32>,
        %swap3A_859 = vector.shape_cast %swap3A_858 : vector<1x1x16xf32> to vector<16xf32>
        %swap3A_860 = vector.shape_cast %get3A_186 : vector<16xf32> to vector<1x1x16xf32>
        tpu.vector_store %arg10[%swap3A_855, %swap3A_856, %swap3A_857], %swap3A_860 {strides = array<i32>} : memref<2x128x128xf32, #tpu.memory_space<vmem>>, vector<1x1x16xf32>,
        %swap3A_861 = arith.constant 0 : i32
        %swap3A_862 = arith.index_cast %swap3A_861 : i32 to index
        %swap3A_863 = arith.index_cast %select_n3A_69 : i32 to index
        %swap3A_864 = arith.constant 64 : index
        %swap3A_865 = tpu.vector_load %arg10[%swap3A_862, %swap3A_863, %swap3A_864] {strides = array<i32>} : memref<2x128x128xf32, #tpu.memory_space<vmem>>, vector<1x1x16xf32>,
        %swap3A_866 = vector.shape_cast %swap3A_865 : vector<1x1x16xf32> to vector<16xf32>
        %swap3A_867 = vector.shape_cast %get3A_193 : vector<16xf32> to vector<1x1x16xf32>
        tpu.vector_store %arg10[%swap3A_862, %swap3A_863, %swap3A_864], %swap3A_867 {strides = array<i32>} : memref<2x128x128xf32, #tpu.memory_space<vmem>>, vector<1x1x16xf32>,
        %swap3A_868 = arith.constant 0 : i32
        %swap3A_869 = arith.index_cast %swap3A_868 : i32 to index
        %swap3A_870 = arith.index_cast %select_n3A_69 : i32 to index
        %swap3A_871 = arith.constant 80 : index
        %swap3A_872 = tpu.vector_load %arg10[%swap3A_869, %swap3A_870, %swap3A_871] {strides = array<i32>} : memref<2x128x128xf32, #tpu.memory_space<vmem>>, vector<1x1x16xf32>,
        %swap3A_873 = vector.shape_cast %swap3A_872 : vector<1x1x16xf32> to vector<16xf32>
        %swap3A_874 = vector.shape_cast %get3A_200 : vector<16xf32> to vector<1x1x16xf32>
        tpu.vector_store %arg10[%swap3A_869, %swap3A_870, %swap3A_871], %swap3A_874 {strides = array<i32>} : memref<2x128x128xf32, #tpu.memory_space<vmem>>, vector<1x1x16xf32>,
        %swap3A_875 = arith.constant 0 : i32
        %swap3A_876 = arith.index_cast %swap3A_875 : i32 to index
        %swap3A_877 = arith.index_cast %select_n3A_69 : i32 to index
        %swap3A_878 = arith.constant 96 : index
        %swap3A_879 = tpu.vector_load %arg10[%swap3A_876, %swap3A_877, %swap3A_878] {strides = array<i32>} : memref<2x128x128xf32, #tpu.memory_space<vmem>>, vector<1x1x16xf32>,
        %swap3A_880 = vector.shape_cast %swap3A_879 : vector<1x1x16xf32> to vector<16xf32>
        %swap3A_881 = vector.shape_cast %get3A_207 : vector<16xf32> to vector<1x1x16xf32>
        tpu.vector_store %arg10[%swap3A_876, %swap3A_877, %swap3A_878], %swap3A_881 {strides = array<i32>} : memref<2x128x128xf32, #tpu.memory_space<vmem>>, vector<1x1x16xf32>,
        %swap3A_882 = arith.constant 0 : i32
        %swap3A_883 = arith.index_cast %swap3A_882 : i32 to index
        %swap3A_884 = arith.index_cast %select_n3A_69 : i32 to index
        %swap3A_885 = arith.constant 112 : index
        %swap3A_886 = tpu.vector_load %arg10[%swap3A_883, %swap3A_884, %swap3A_885] {strides = array<i32>} : memref<2x128x128xf32, #tpu.memory_space<vmem>>, vector<1x1x16xf32>,
        %swap3A_887 = vector.shape_cast %swap3A_886 : vector<1x1x16xf32> to vector<16xf32>
        %swap3A_888 = vector.shape_cast %get3A_214 : vector<16xf32> to vector<1x1x16xf32>
        tpu.vector_store %arg10[%swap3A_883, %swap3A_884, %swap3A_885], %swap3A_888 {strides = array<i32>} : memref<2x128x128xf32, #tpu.memory_space<vmem>>, vector<1x1x16xf32>,
      } else {
      }
      %mul3A_407 = arith.constant 128 : i32
      %mul3A_408 = arith.muli %add3A_375, %mul3A_407 : i32
      %add3A_409 = arith.addi %mul3A_71, %mul3A_408 : i32
      %multiple_of3A_410 = tpu.assume_multiple %add3A_409, 8 : i32
      %dma_start3A_411 = arith.constant 0 : i32
      %dma_start3A_412 = arith.constant 0 : i32
      %dma_start3A_413 = arith.constant 0 : i32
      %dma_start3A_414 = arith.constant 0 : i32
      %dma_start3A_415 = tpu.memref_slice %arg10[%dma_start3A_411, %dma_start3A_413, %dma_start3A_414] : memref<2x128x128xf32, #tpu.memory_space<vmem>> -> memref<1x128x128xf32, #tpu.memory_space<vmem>>
      %dma_start3A_416 = tpu.memref_squeeze %dma_start3A_415 : memref<1x128x128xf32, #tpu.memory_space<vmem>> -> memref<128x128xf32, #tpu.memory_space<vmem>>
      %dma_start3A_417 = arith.constant 0 : i32
      %dma_start3A_418 = tpu.memref_slice %arg7[%multiple_of3A_410, %dma_start3A_417] : memref<131072x128xf32, #tpu.memory_space<hbm>> -> memref<128x128xf32, #tpu.memory_space<hbm>>
      %dma_start3A_419 = tpu.memref_slice %arg14[%dma_start3A_412] : memref<8x!tpu.dma_semaphore, #tpu.memory_space<semaphore_mem>> -> memref<1x!tpu.dma_semaphore, #tpu.memory_space<semaphore_mem>>
      %dma_start3A_420 = tpu.memref_squeeze %dma_start3A_419 : memref<1x!tpu.dma_semaphore, #tpu.memory_space<semaphore_mem>> -> memref<!tpu.dma_semaphore, #tpu.memory_space<semaphore_mem>>
      %dma_start3A_421 = arith.constant 0 : i32
      %dma_start3A_422 = tpu.memref_slice %arg7[%multiple_of3A_410, %dma_start3A_421] : memref<131072x128xf32, #tpu.memory_space<hbm>> -> memref<128x128xf32, #tpu.memory_space<hbm>>
      %dma_start3A_423 = arith.constant 0 : i32
      %dma_start3A_424 = arith.constant 0 : i32
      %dma_start3A_425 = tpu.memref_slice %arg10[%dma_start3A_411, %dma_start3A_423, %dma_start3A_424] : memref<2x128x128xf32, #tpu.memory_space<vmem>> -> memref<1x128x128xf32, #tpu.memory_space<vmem>>
      %dma_start3A_426 = tpu.memref_squeeze %dma_start3A_425 : memref<1x128x128xf32, #tpu.memory_space<vmem>> -> memref<128x128xf32, #tpu.memory_space<vmem>>
      tpu.enqueue_dma source(%dma_start3A_426 : memref<128x128xf32, #tpu.memory_space<vmem>>) target(%dma_start3A_422 : memref<128x128xf32, #tpu.memory_space<hbm>>) target_semaphore(%dma_start3A_420 : memref<!tpu.dma_semaphore, #tpu.memory_space<semaphore_mem>>)
      %add3A_427 = arith.constant 2 : i32
      %add3A_428 = arith.addi %add3A_375, %add3A_427 : i32
      %sub3A_429 = arith.constant 1 : i32
      %sub3A_430 = arith.subi %add3A_428, %sub3A_429 : i32
      %lt3A_431 = arith.constant 32 : i32
      %lt3A_432 = arith.cmpi slt, %sub3A_430, %lt3A_431 : i32
      %convert_element_type3A_433 = arith.extui %lt3A_432 : i1 to i32
      %cond3A_434 = arith.constant 0 : i32
      %cond3A_435 = arith.cmpi ne, %convert_element_type3A_433, %cond3A_434 : i32
      scf.if %cond3A_435 {
        %ge3A = arith.constant 1 : i32
        %ge3A_834 = arith.cmpi sge, %add3A_375, %ge3A : i32
        %convert_element_type3A_835 = arith.extui %ge3A_834 : i1 to i32
        %cond3A_836 = arith.constant 0 : i32
        %cond3A_837 = arith.cmpi ne, %convert_element_type3A_835, %cond3A_836 : i32
        scf.if %cond3A_837 {
          %sub3A_863 = arith.constant 1 : i32
          %sub3A_864 = arith.subi %add3A_375, %sub3A_863 : i32
          %mul3A_865 = arith.constant 128 : i32
          %mul3A_866 = arith.muli %sub3A_864, %mul3A_865 : i32
          %add3A_867 = arith.addi %mul3A_71, %mul3A_866 : i32
          %multiple_of3A_868 = tpu.assume_multiple %add3A_867, 8 : i32
          %dma_wait3A_869 = arith.constant 1 : i32
          %dma_wait3A_870 = arith.constant 1 : i32
          %dma_wait3A_871 = arith.constant 0 : i32
          %dma_wait3A_872 = arith.constant 0 : i32
          %dma_wait3A_873 = tpu.memref_slice %arg10[%dma_wait3A_869, %dma_wait3A_871, %dma_wait3A_872] : memref<2x128x128xf32, #tpu.memory_space<vmem>> -> memref<1x128x128xf32, #tpu.memory_space<vmem>>
          %dma_wait3A_874 = tpu.memref_squeeze %dma_wait3A_873 : memref<1x128x128xf32, #tpu.memory_space<vmem>> -> memref<128x128xf32, #tpu.memory_space<vmem>>
          %dma_wait3A_875 = arith.constant 0 : i32
          %dma_wait3A_876 = tpu.memref_slice %arg7[%multiple_of3A_868, %dma_wait3A_875] : memref<131072x128xf32, #tpu.memory_space<hbm>> -> memref<128x128xf32, #tpu.memory_space<hbm>>
          %dma_wait3A_877 = tpu.memref_slice %arg14[%dma_wait3A_870] : memref<8x!tpu.dma_semaphore, #tpu.memory_space<semaphore_mem>> -> memref<1x!tpu.dma_semaphore, #tpu.memory_space<semaphore_mem>>
          %dma_wait3A_878 = tpu.memref_squeeze %dma_wait3A_877 : memref<1x!tpu.dma_semaphore, #tpu.memory_space<semaphore_mem>> -> memref<!tpu.dma_semaphore, #tpu.memory_space<semaphore_mem>>
          %dma_wait3A_879 = arith.constant 0 : i32
          %dma_wait3A_880 = tpu.memref_slice %arg7[%multiple_of3A_868, %dma_wait3A_879] : memref<131072x128xf32, #tpu.memory_space<hbm>> -> memref<128x128xf32, #tpu.memory_space<hbm>>
          %dma_wait3A_881 = arith.constant 0 : i32
          %dma_wait3A_882 = arith.constant 0 : i32
          %dma_wait3A_883 = tpu.memref_slice %arg10[%dma_wait3A_869, %dma_wait3A_881, %dma_wait3A_882] : memref<2x128x128xf32, #tpu.memory_space<vmem>> -> memref<1x128x128xf32, #tpu.memory_space<vmem>>
          %dma_wait3A_884 = tpu.memref_squeeze %dma_wait3A_883 : memref<1x128x128xf32, #tpu.memory_space<vmem>> -> memref<128x128xf32, #tpu.memory_space<vmem>>
          tpu.wait_dma2 semaphore(%dma_wait3A_878 : memref<!tpu.dma_semaphore, #tpu.memory_space<semaphore_mem>>) src(%dma_wait3A_884 : memref<128x128xf32, #tpu.memory_space<vmem>>) dst(%dma_wait3A_880 : memref<128x128xf32, #tpu.memory_space<hbm>>)
        } else {
        }
        %add3A_838 = arith.constant 2 : i32
        %add3A_839 = arith.addi %add3A_375, %add3A_838 : i32
        %sub3A_840 = arith.constant 1 : i32
        %sub3A_841 = arith.subi %add3A_839, %sub3A_840 : i32
        %mul3A_842 = arith.constant 128 : i32
        %mul3A_843 = arith.muli %sub3A_841, %mul3A_842 : i32
        %add3A_844 = arith.addi %mul3A_71, %mul3A_843 : i32
        %multiple_of3A_845 = tpu.assume_multiple %add3A_844, 8 : i32
        %add3A_846 = arith.addi %multiple_of3A, %multiple_of3A_845 : i32
        %dma_start3A_847 = arith.constant 1 : i32
        %dma_start3A_848 = arith.constant 1 : i32
        %dma_start3A_849 = arith.constant 0 : i32
        %dma_start3A_850 = arith.constant 0 : i32
        %dma_start3A_851 = tpu.memref_slice %arg10[%dma_start3A_847, %dma_start3A_849, %dma_start3A_850] : memref<2x128x128xf32, #tpu.memory_space<vmem>> -> memref<1x128x128xf32, #tpu.memory_space<vmem>>
        %dma_start3A_852 = tpu.memref_squeeze %dma_start3A_851 : memref<1x128x128xf32, #tpu.memory_space<vmem>> -> memref<128x128xf32, #tpu.memory_space<vmem>>
        %dma_start3A_853 = arith.constant 0 : i32
        %dma_start3A_854 = tpu.memref_slice %arg2[%add3A_846, %dma_start3A_853] : memref<524288x128xf32, #tpu.memory_space<hbm>> -> memref<128x128xf32, #tpu.memory_space<hbm>>
        %dma_start3A_855 = tpu.memref_slice %arg13[%dma_start3A_848] : memref<8x!tpu.dma_semaphore, #tpu.memory_space<semaphore_mem>> -> memref<1x!tpu.dma_semaphore, #tpu.memory_space<semaphore_mem>>
        %dma_start3A_856 = tpu.memref_squeeze %dma_start3A_855 : memref<1x!tpu.dma_semaphore, #tpu.memory_space<semaphore_mem>> -> memref<!tpu.dma_semaphore, #tpu.memory_space<semaphore_mem>>
        %dma_start3A_857 = arith.constant 0 : i32
        %dma_start3A_858 = arith.constant 0 : i32
        %dma_start3A_859 = tpu.memref_slice %arg10[%dma_start3A_847, %dma_start3A_857, %dma_start3A_858] : memref<2x128x128xf32, #tpu.memory_space<vmem>> -> memref<1x128x128xf32, #tpu.memory_space<vmem>>
        %dma_start3A_860 = tpu.memref_squeeze %dma_start3A_859 : memref<1x128x128xf32, #tpu.memory_space<vmem>> -> memref<128x128xf32, #tpu.memory_space<vmem>>
        %dma_start3A_861 = arith.constant 0 : i32
        %dma_start3A_862 = tpu.memref_slice %arg2[%add3A_846, %dma_start3A_861] : memref<524288x128xf32, #tpu.memory_space<hbm>> -> memref<128x128xf32, #tpu.memory_space<hbm>>
        tpu.enqueue_dma source(%dma_start3A_862 : memref<128x128xf32, #tpu.memory_space<hbm>>) target(%dma_start3A_860 : memref<128x128xf32, #tpu.memory_space<vmem>>) target_semaphore(%dma_start3A_856 : memref<!tpu.dma_semaphore, #tpu.memory_space<semaphore_mem>>)
      } else {
      }
      %mul3A_436 = arith.constant 128 : i32
      %mul3A_437 = arith.muli %add3A_375, %mul3A_436 : i32
      %add3A_438 = arith.addi %mul3A_71, %mul3A_437 : i32
      %multiple_of3A_439 = tpu.assume_multiple %add3A_438, 8 : i32
      %add3A_440 = arith.addi %multiple_of3A, %multiple_of3A_439 : i32
      %dma_wait3A_441 = arith.constant 0 : i32
      %dma_wait3A_442 = arith.constant 4 : i32
      %dma_wait3A_443 = tpu.memref_slice %arg13[%dma_wait3A_442] : memref<8x!tpu.dma_semaphore, #tpu.memory_space<semaphore_mem>> -> memref<1x!tpu.dma_semaphore, #tpu.memory_space<semaphore_mem>>
      %dma_wait3A_444 = tpu.memref_squeeze %dma_wait3A_443 : memref<1x!tpu.dma_semaphore, #tpu.memory_space<semaphore_mem>> -> memref<!tpu.dma_semaphore, #tpu.memory_space<semaphore_mem>>
      %dma_wait3A_445 = arith.constant 0 : i32
      %dma_wait3A_446 = arith.constant 0 : i32
      %dma_wait3A_447 = tpu.memref_slice %arg11[%arg1, %dma_wait3A_441, %dma_wait3A_445, %dma_wait3A_446] : memref<16x4x128x128xf32, #tpu.memory_space<vmem_shared>> -> memref<1x1x128x128xf32, #tpu.memory_space<vmem_shared>>
      %dma_wait3A_448 = tpu.memref_squeeze %dma_wait3A_447 : memref<1x1x128x128xf32, #tpu.memory_space<vmem_shared>> -> memref<128x128xf32, #tpu.memory_space<vmem_shared>>
      %dma_wait3A_449 = arith.constant 0 : i32
      %dma_wait3A_450 = tpu.memref_slice %arg3[%add3A_440, %dma_wait3A_449] : memref<524288x128xf32, #tpu.memory_space<hbm>> -> memref<128x128xf32, #tpu.memory_space<hbm>>
      tpu.wait_dma2 semaphore(%dma_wait3A_444 : memref<!tpu.dma_semaphore, #tpu.memory_space<semaphore_mem>>) src(%dma_wait3A_450 : memref<128x128xf32, #tpu.memory_space<hbm>>) dst(%dma_wait3A_448 : memref<128x128xf32, #tpu.memory_space<vmem_shared>>)
      %add3A_451 = arith.constant 0 : i32
      %add3A_452 = arith.addi %add3A_451, %select_n3A : i32
      %eq3A_453 = arith.cmpi eq, %add3A_375, %add3A_452 : i32
      %convert_element_type3A_454 = arith.extui %eq3A_453 : i1 to i32
      %cond3A_455 = arith.constant 0 : i32
      %cond3A_456 = arith.cmpi ne, %convert_element_type3A_454, %cond3A_455 : i32
      scf.if %cond3A_456 {
        %run_scoped3A = arith.constant 1 : i32
        %run_scoped3A_834 = arith.constant 0 : i32
        "tpu.region"() ({
          %run_scoped3A_835 = tpu.sem_alloc : memref<!tpu.dma_semaphore, #tpu.memory_space<semaphore_mem>>
          %dma_start3A_836 = arith.constant 0 : i32
          %dma_start3A_837 = arith.constant 0 : i32
          %dma_start3A_838 = tpu.memref_slice %arg12[%run_scoped3A, %dma_start3A_836, %dma_start3A_837] : memref<2x2x128xf32, #tpu.memory_space<vmem>> -> memref<1x1x128xf32, #tpu.memory_space<vmem>>
          %dma_start3A_839 = tpu.memref_squeeze %dma_start3A_838 : memref<1x1x128xf32, #tpu.memory_space<vmem>> -> memref<1x128xf32, #tpu.memory_space<vmem>>
          %dma_start3A_840 = arith.constant 0 : i32
          %dma_start3A_841 = tpu.memref_slice %arg11[%arg1, %run_scoped3A_834, %select_n3A_69, %dma_start3A_840] : memref<16x4x128x128xf32, #tpu.memory_space<vmem_shared>> -> memref<1x1x1x128xf32, #tpu.memory_space<vmem_shared>>
          %dma_start3A_842 = tpu.memref_squeeze %dma_start3A_841 : memref<1x1x1x128xf32, #tpu.memory_space<vmem_shared>> -> memref<1x128xf32, #tpu.memory_space<vmem_shared>>
          %dma_start3A_843 = arith.constant 0 : i32
          %dma_start3A_844 = tpu.memref_slice %arg11[%arg1, %run_scoped3A_834, %select_n3A_69, %dma_start3A_843] : memref<16x4x128x128xf32, #tpu.memory_space<vmem_shared>> -> memref<1x1x1x128xf32, #tpu.memory_space<vmem_shared>>
          %dma_start3A_845 = tpu.memref_squeeze %dma_start3A_844 : memref<1x1x1x128xf32, #tpu.memory_space<vmem_shared>> -> memref<1x128xf32, #tpu.memory_space<vmem_shared>>
          %dma_start3A_846 = arith.constant 0 : i32
          %dma_start3A_847 = arith.constant 0 : i32
          %dma_start3A_848 = tpu.memref_slice %arg12[%run_scoped3A, %dma_start3A_846, %dma_start3A_847] : memref<2x2x128xf32, #tpu.memory_space<vmem>> -> memref<1x1x128xf32, #tpu.memory_space<vmem>>
          %dma_start3A_849 = tpu.memref_squeeze %dma_start3A_848 : memref<1x1x128xf32, #tpu.memory_space<vmem>> -> memref<1x128xf32, #tpu.memory_space<vmem>>
          tpu.enqueue_dma source(%dma_start3A_849 : memref<1x128xf32, #tpu.memory_space<vmem>>) target(%dma_start3A_845 : memref<1x128xf32, #tpu.memory_space<vmem_shared>>) target_semaphore(%run_scoped3A_835 : memref<!tpu.dma_semaphore, #tpu.memory_space<semaphore_mem>>)
          %dma_wait3A_850 = arith.constant 0 : i32
          %dma_wait3A_851 = arith.constant 0 : i32
          %dma_wait3A_852 = tpu.memref_slice %arg12[%run_scoped3A, %dma_wait3A_850, %dma_wait3A_851] : memref<2x2x128xf32, #tpu.memory_space<vmem>> -> memref<1x1x128xf32, #tpu.memory_space<vmem>>
          %dma_wait3A_853 = tpu.memref_squeeze %dma_wait3A_852 : memref<1x1x128xf32, #tpu.memory_space<vmem>> -> memref<1x128xf32, #tpu.memory_space<vmem>>
          %dma_wait3A_854 = arith.constant 0 : i32
          %dma_wait3A_855 = tpu.memref_slice %arg11[%arg1, %run_scoped3A_834, %select_n3A_69, %dma_wait3A_854] : memref<16x4x128x128xf32, #tpu.memory_space<vmem_shared>> -> memref<1x1x1x128xf32, #tpu.memory_space<vmem_shared>>
          %dma_wait3A_856 = tpu.memref_squeeze %dma_wait3A_855 : memref<1x1x1x128xf32, #tpu.memory_space<vmem_shared>> -> memref<1x128xf32, #tpu.memory_space<vmem_shared>>
          %dma_wait3A_857 = arith.constant 0 : i32
          %dma_wait3A_858 = tpu.memref_slice %arg11[%arg1, %run_scoped3A_834, %select_n3A_69, %dma_wait3A_857] : memref<16x4x128x128xf32, #tpu.memory_space<vmem_shared>> -> memref<1x1x1x128xf32, #tpu.memory_space<vmem_shared>>
          %dma_wait3A_859 = tpu.memref_squeeze %dma_wait3A_858 : memref<1x1x1x128xf32, #tpu.memory_space<vmem_shared>> -> memref<1x128xf32, #tpu.memory_space<vmem_shared>>
          %dma_wait3A_860 = arith.constant 0 : i32
          %dma_wait3A_861 = arith.constant 0 : i32
          %dma_wait3A_862 = tpu.memref_slice %arg12[%run_scoped3A, %dma_wait3A_860, %dma_wait3A_861] : memref<2x2x128xf32, #tpu.memory_space<vmem>> -> memref<1x1x128xf32, #tpu.memory_space<vmem>>
          %dma_wait3A_863 = tpu.memref_squeeze %dma_wait3A_862 : memref<1x1x128xf32, #tpu.memory_space<vmem>> -> memref<1x128xf32, #tpu.memory_space<vmem>>
          tpu.wait_dma2 semaphore(%run_scoped3A_835 : memref<!tpu.dma_semaphore, #tpu.memory_space<semaphore_mem>>) src(%dma_wait3A_863 : memref<1x128xf32, #tpu.memory_space<vmem>>) dst(%dma_wait3A_859 : memref<1x128xf32, #tpu.memory_space<vmem_shared>>)
          tpu.yield
        }) : () -> ()
      } else {
      }
      %add3A_457 = arith.constant 16 : i32
      %add3A_458 = arith.addi %add3A_457, %select_n3A : i32
      %eq3A_459 = arith.cmpi eq, %add3A_375, %add3A_458 : i32
      %convert_element_type3A_460 = arith.extui %eq3A_459 : i1 to i32
      %cond3A_461 = arith.constant 0 : i32
      %cond3A_462 = arith.cmpi ne, %convert_element_type3A_460, %cond3A_461 : i32
      scf.if %cond3A_462 {
        %run_scoped3A = arith.constant 1 : i32
        %run_scoped3A_834 = arith.constant 0 : i32
        "tpu.region"() ({
          %run_scoped3A_835 = tpu.sem_alloc : memref<!tpu.dma_semaphore, #tpu.memory_space<semaphore_mem>>
          %dma_start3A_836 = arith.constant 1 : i32
          %dma_start3A_837 = arith.constant 0 : i32
          %dma_start3A_838 = tpu.memref_slice %arg12[%run_scoped3A, %dma_start3A_836, %dma_start3A_837] : memref<2x2x128xf32, #tpu.memory_space<vmem>> -> memref<1x1x128xf32, #tpu.memory_space<vmem>>
          %dma_start3A_839 = tpu.memref_squeeze %dma_start3A_838 : memref<1x1x128xf32, #tpu.memory_space<vmem>> -> memref<1x128xf32, #tpu.memory_space<vmem>>
          %dma_start3A_840 = arith.constant 0 : i32
          %dma_start3A_841 = tpu.memref_slice %arg11[%arg1, %run_scoped3A_834, %select_n3A_69, %dma_start3A_840] : memref<16x4x128x128xf32, #tpu.memory_space<vmem_shared>> -> memref<1x1x1x128xf32, #tpu.memory_space<vmem_shared>>
          %dma_start3A_842 = tpu.memref_squeeze %dma_start3A_841 : memref<1x1x1x128xf32, #tpu.memory_space<vmem_shared>> -> memref<1x128xf32, #tpu.memory_space<vmem_shared>>
          %dma_start3A_843 = arith.constant 0 : i32
          %dma_start3A_844 = tpu.memref_slice %arg11[%arg1, %run_scoped3A_834, %select_n3A_69, %dma_start3A_843] : memref<16x4x128x128xf32, #tpu.memory_space<vmem_shared>> -> memref<1x1x1x128xf32, #tpu.memory_space<vmem_shared>>
          %dma_start3A_845 = tpu.memref_squeeze %dma_start3A_844 : memref<1x1x1x128xf32, #tpu.memory_space<vmem_shared>> -> memref<1x128xf32, #tpu.memory_space<vmem_shared>>
          %dma_start3A_846 = arith.constant 1 : i32
          %dma_start3A_847 = arith.constant 0 : i32
          %dma_start3A_848 = tpu.memref_slice %arg12[%run_scoped3A, %dma_start3A_846, %dma_start3A_847] : memref<2x2x128xf32, #tpu.memory_space<vmem>> -> memref<1x1x128xf32, #tpu.memory_space<vmem>>
          %dma_start3A_849 = tpu.memref_squeeze %dma_start3A_848 : memref<1x1x128xf32, #tpu.memory_space<vmem>> -> memref<1x128xf32, #tpu.memory_space<vmem>>
          tpu.enqueue_dma source(%dma_start3A_849 : memref<1x128xf32, #tpu.memory_space<vmem>>) target(%dma_start3A_845 : memref<1x128xf32, #tpu.memory_space<vmem_shared>>) target_semaphore(%run_scoped3A_835 : memref<!tpu.dma_semaphore, #tpu.memory_space<semaphore_mem>>)
          %dma_wait3A_850 = arith.constant 1 : i32
          %dma_wait3A_851 = arith.constant 0 : i32
          %dma_wait3A_852 = tpu.memref_slice %arg12[%run_scoped3A, %dma_wait3A_850, %dma_wait3A_851] : memref<2x2x128xf32, #tpu.memory_space<vmem>> -> memref<1x1x128xf32, #tpu.memory_space<vmem>>
          %dma_wait3A_853 = tpu.memref_squeeze %dma_wait3A_852 : memref<1x1x128xf32, #tpu.memory_space<vmem>> -> memref<1x128xf32, #tpu.memory_space<vmem>>
          %dma_wait3A_854 = arith.constant 0 : i32
          %dma_wait3A_855 = tpu.memref_slice %arg11[%arg1, %run_scoped3A_834, %select_n3A_69, %dma_wait3A_854] : memref<16x4x128x128xf32, #tpu.memory_space<vmem_shared>> -> memref<1x1x1x128xf32, #tpu.memory_space<vmem_shared>>
          %dma_wait3A_856 = tpu.memref_squeeze %dma_wait3A_855 : memref<1x1x1x128xf32, #tpu.memory_space<vmem_shared>> -> memref<1x128xf32, #tpu.memory_space<vmem_shared>>
          %dma_wait3A_857 = arith.constant 0 : i32
          %dma_wait3A_858 = tpu.memref_slice %arg11[%arg1, %run_scoped3A_834, %select_n3A_69, %dma_wait3A_857] : memref<16x4x128x128xf32, #tpu.memory_space<vmem_shared>> -> memref<1x1x1x128xf32, #tpu.memory_space<vmem_shared>>
          %dma_wait3A_859 = tpu.memref_squeeze %dma_wait3A_858 : memref<1x1x1x128xf32, #tpu.memory_space<vmem_shared>> -> memref<1x128xf32, #tpu.memory_space<vmem_shared>>
          %dma_wait3A_860 = arith.constant 1 : i32
          %dma_wait3A_861 = arith.constant 0 : i32
          %dma_wait3A_862 = tpu.memref_slice %arg12[%run_scoped3A, %dma_wait3A_860, %dma_wait3A_861] : memref<2x2x128xf32, #tpu.memory_space<vmem>> -> memref<1x1x128xf32, #tpu.memory_space<vmem>>
          %dma_wait3A_863 = tpu.memref_squeeze %dma_wait3A_862 : memref<1x1x128xf32, #tpu.memory_space<vmem>> -> memref<1x128xf32, #tpu.memory_space<vmem>>
          tpu.wait_dma2 semaphore(%run_scoped3A_835 : memref<!tpu.dma_semaphore, #tpu.memory_space<semaphore_mem>>) src(%dma_wait3A_863 : memref<1x128xf32, #tpu.memory_space<vmem>>) dst(%dma_wait3A_859 : memref<1x128xf32, #tpu.memory_space<vmem_shared>>)
          tpu.yield
        }) : () -> ()
      } else {
      }
      %mul3A_463 = arith.constant 128 : i32
      %mul3A_464 = arith.muli %add3A_375, %mul3A_463 : i32
      %add3A_465 = arith.addi %mul3A_71, %mul3A_464 : i32
      %multiple_of3A_466 = tpu.assume_multiple %add3A_465, 8 : i32
      %dma_start3A_467 = arith.constant 0 : i32
      %dma_start3A_468 = arith.constant 4 : i32
      %dma_start3A_469 = tpu.memref_slice %arg14[%dma_start3A_468] : memref<8x!tpu.dma_semaphore, #tpu.memory_space<semaphore_mem>> -> memref<1x!tpu.dma_semaphore, #tpu.memory_space<semaphore_mem>>
      %dma_start3A_470 = tpu.memref_squeeze %dma_start3A_469 : memref<1x!tpu.dma_semaphore, #tpu.memory_space<semaphore_mem>> -> memref<!tpu.dma_semaphore, #tpu.memory_space<semaphore_mem>>
      %dma_start3A_471 = arith.constant 0 : i32
      %dma_start3A_472 = tpu.memref_slice %arg8[%multiple_of3A_466, %dma_start3A_471] : memref<131072x128xf32, #tpu.memory_space<hbm>> -> memref<128x128xf32, #tpu.memory_space<hbm>>
      %dma_start3A_473 = arith.constant 0 : i32
      %dma_start3A_474 = arith.constant 0 : i32
      %dma_start3A_475 = tpu.memref_slice %arg11[%arg1, %dma_start3A_467, %dma_start3A_473, %dma_start3A_474] : memref<16x4x128x128xf32, #tpu.memory_space<vmem_shared>> -> memref<1x1x128x128xf32, #tpu.memory_space<vmem_shared>>
      %dma_start3A_476 = tpu.memref_squeeze %dma_start3A_475 : memref<1x1x128x128xf32, #tpu.memory_space<vmem_shared>> -> memref<128x128xf32, #tpu.memory_space<vmem_shared>>
      tpu.enqueue_dma source(%dma_start3A_476 : memref<128x128xf32, #tpu.memory_space<vmem_shared>>) target(%dma_start3A_472 : memref<128x128xf32, #tpu.memory_space<hbm>>) target_semaphore(%dma_start3A_470 : memref<!tpu.dma_semaphore, #tpu.memory_space<semaphore_mem>>)
      %add3A_477 = arith.constant 4 : i32
      %add3A_478 = arith.addi %add3A_375, %add3A_477 : i32
      %sub3A_479 = arith.constant 1 : i32
      %sub3A_480 = arith.subi %add3A_478, %sub3A_479 : i32
      %lt3A_481 = arith.constant 32 : i32
      %lt3A_482 = arith.cmpi slt, %sub3A_480, %lt3A_481 : i32
      %convert_element_type3A_483 = arith.extui %lt3A_482 : i1 to i32
      %cond3A_484 = arith.constant 0 : i32
      %cond3A_485 = arith.cmpi ne, %convert_element_type3A_483, %cond3A_484 : i32
      scf.if %cond3A_485 {
        %ge3A = arith.constant 1 : i32
        %ge3A_834 = arith.cmpi sge, %add3A_375, %ge3A : i32
        %convert_element_type3A_835 = arith.extui %ge3A_834 : i1 to i32
        %cond3A_836 = arith.constant 0 : i32
        %cond3A_837 = arith.cmpi ne, %convert_element_type3A_835, %cond3A_836 : i32
        scf.if %cond3A_837 {
          %sub3A_857 = arith.constant 1 : i32
          %sub3A_858 = arith.subi %add3A_375, %sub3A_857 : i32
          %mul3A_859 = arith.constant 128 : i32
          %mul3A_860 = arith.muli %sub3A_858, %mul3A_859 : i32
          %add3A_861 = arith.addi %mul3A_71, %mul3A_860 : i32
          %multiple_of3A_862 = tpu.assume_multiple %add3A_861, 8 : i32
          %dma_wait3A_863 = arith.constant 3 : i32
          %dma_wait3A_864 = arith.constant 7 : i32
          %dma_wait3A_865 = tpu.memref_slice %arg14[%dma_wait3A_864] : memref<8x!tpu.dma_semaphore, #tpu.memory_space<semaphore_mem>> -> memref<1x!tpu.dma_semaphore, #tpu.memory_space<semaphore_mem>>
          %dma_wait3A_866 = tpu.memref_squeeze %dma_wait3A_865 : memref<1x!tpu.dma_semaphore, #tpu.memory_space<semaphore_mem>> -> memref<!tpu.dma_semaphore, #tpu.memory_space<semaphore_mem>>
          %dma_wait3A_867 = arith.constant 0 : i32
          %dma_wait3A_868 = tpu.memref_slice %arg8[%multiple_of3A_862, %dma_wait3A_867] : memref<131072x128xf32, #tpu.memory_space<hbm>> -> memref<128x128xf32, #tpu.memory_space<hbm>>
          %dma_wait3A_869 = arith.constant 0 : i32
          %dma_wait3A_870 = arith.constant 0 : i32
          %dma_wait3A_871 = tpu.memref_slice %arg11[%arg1, %dma_wait3A_863, %dma_wait3A_869, %dma_wait3A_870] : memref<16x4x128x128xf32, #tpu.memory_space<vmem_shared>> -> memref<1x1x128x128xf32, #tpu.memory_space<vmem_shared>>
          %dma_wait3A_872 = tpu.memref_squeeze %dma_wait3A_871 : memref<1x1x128x128xf32, #tpu.memory_space<vmem_shared>> -> memref<128x128xf32, #tpu.memory_space<vmem_shared>>
          tpu.wait_dma2 semaphore(%dma_wait3A_866 : memref<!tpu.dma_semaphore, #tpu.memory_space<semaphore_mem>>) src(%dma_wait3A_872 : memref<128x128xf32, #tpu.memory_space<vmem_shared>>) dst(%dma_wait3A_868 : memref<128x128xf32, #tpu.memory_space<hbm>>)
        } else {
        }
        %add3A_838 = arith.constant 4 : i32
        %add3A_839 = arith.addi %add3A_375, %add3A_838 : i32
        %sub3A_840 = arith.constant 1 : i32
        %sub3A_841 = arith.subi %add3A_839, %sub3A_840 : i32
        %mul3A_842 = arith.constant 128 : i32
        %mul3A_843 = arith.muli %sub3A_841, %mul3A_842 : i32
        %add3A_844 = arith.addi %mul3A_71, %mul3A_843 : i32
        %multiple_of3A_845 = tpu.assume_multiple %add3A_844, 8 : i32
        %add3A_846 = arith.addi %multiple_of3A, %multiple_of3A_845 : i32
        %dma_start3A_847 = arith.constant 3 : i32
        %dma_start3A_848 = arith.constant 7 : i32
        %dma_start3A_849 = tpu.memref_slice %arg13[%dma_start3A_848] : memref<8x!tpu.dma_semaphore, #tpu.memory_space<semaphore_mem>> -> memref<1x!tpu.dma_semaphore, #tpu.memory_space<semaphore_mem>>
        %dma_start3A_850 = tpu.memref_squeeze %dma_start3A_849 : memref<1x!tpu.dma_semaphore, #tpu.memory_space<semaphore_mem>> -> memref<!tpu.dma_semaphore, #tpu.memory_space<semaphore_mem>>
        %dma_start3A_851 = arith.constant 0 : i32
        %dma_start3A_852 = arith.constant 0 : i32
        %dma_start3A_853 = tpu.memref_slice %arg11[%arg1, %dma_start3A_847, %dma_start3A_851, %dma_start3A_852] : memref<16x4x128x128xf32, #tpu.memory_space<vmem_shared>> -> memref<1x1x128x128xf32, #tpu.memory_space<vmem_shared>>
        %dma_start3A_854 = tpu.memref_squeeze %dma_start3A_853 : memref<1x1x128x128xf32, #tpu.memory_space<vmem_shared>> -> memref<128x128xf32, #tpu.memory_space<vmem_shared>>
        %dma_start3A_855 = arith.constant 0 : i32
        %dma_start3A_856 = tpu.memref_slice %arg3[%add3A_846, %dma_start3A_855] : memref<524288x128xf32, #tpu.memory_space<hbm>> -> memref<128x128xf32, #tpu.memory_space<hbm>>
        tpu.enqueue_dma source(%dma_start3A_856 : memref<128x128xf32, #tpu.memory_space<hbm>>) target(%dma_start3A_854 : memref<128x128xf32, #tpu.memory_space<vmem_shared>>) target_semaphore(%dma_start3A_850 : memref<!tpu.dma_semaphore, #tpu.memory_space<semaphore_mem>>)
      } else {
      }
      %mul3A_486 = arith.constant 4 : i32
      %mul3A_487 = arith.muli %scan3A_371, %mul3A_486 : i32
      %add3A_488 = arith.constant 1 : i32
      %add3A_489 = arith.addi %mul3A_487, %add3A_488 : i32
      %mul3A_490 = arith.constant 128 : i32
      %mul3A_491 = arith.muli %add3A_489, %mul3A_490 : i32
      %add3A_492 = arith.addi %mul3A_71, %mul3A_491 : i32
      %multiple_of3A_493 = tpu.assume_multiple %add3A_492, 8 : i32
      %add3A_494 = arith.addi %multiple_of3A, %multiple_of3A_493 : i32
      %dma_wait3A_495 = arith.constant 1 : i32
      %dma_wait3A_496 = arith.constant 1 : i32
      %dma_wait3A_497 = arith.constant 0 : i32
      %dma_wait3A_498 = arith.constant 0 : i32
      %dma_wait3A_499 = tpu.memref_slice %arg10[%dma_wait3A_495, %dma_wait3A_497, %dma_wait3A_498] : memref<2x128x128xf32, #tpu.memory_space<vmem>> -> memref<1x128x128xf32, #tpu.memory_space<vmem>>
      %dma_wait3A_500 = tpu.memref_squeeze %dma_wait3A_499 : memref<1x128x128xf32, #tpu.memory_space<vmem>> -> memref<128x128xf32, #tpu.memory_space<vmem>>
      %dma_wait3A_501 = arith.constant 0 : i32
      %dma_wait3A_502 = tpu.memref_slice %arg2[%add3A_494, %dma_wait3A_501] : memref<524288x128xf32, #tpu.memory_space<hbm>> -> memref<128x128xf32, #tpu.memory_space<hbm>>
      %dma_wait3A_503 = tpu.memref_slice %arg13[%dma_wait3A_496] : memref<8x!tpu.dma_semaphore, #tpu.memory_space<semaphore_mem>> -> memref<1x!tpu.dma_semaphore, #tpu.memory_space<semaphore_mem>>
      %dma_wait3A_504 = tpu.memref_squeeze %dma_wait3A_503 : memref<1x!tpu.dma_semaphore, #tpu.memory_space<semaphore_mem>> -> memref<!tpu.dma_semaphore, #tpu.memory_space<semaphore_mem>>
      %dma_wait3A_505 = arith.constant 0 : i32
      %dma_wait3A_506 = arith.constant 0 : i32
      %dma_wait3A_507 = tpu.memref_slice %arg10[%dma_wait3A_495, %dma_wait3A_505, %dma_wait3A_506] : memref<2x128x128xf32, #tpu.memory_space<vmem>> -> memref<1x128x128xf32, #tpu.memory_space<vmem>>
      %dma_wait3A_508 = tpu.memref_squeeze %dma_wait3A_507 : memref<1x128x128xf32, #tpu.memory_space<vmem>> -> memref<128x128xf32, #tpu.memory_space<vmem>>
      %dma_wait3A_509 = arith.constant 0 : i32
      %dma_wait3A_510 = tpu.memref_slice %arg2[%add3A_494, %dma_wait3A_509] : memref<524288x128xf32, #tpu.memory_space<hbm>> -> memref<128x128xf32, #tpu.memory_space<hbm>>
      tpu.wait_dma2 semaphore(%dma_wait3A_504 : memref<!tpu.dma_semaphore, #tpu.memory_space<semaphore_mem>>) src(%dma_wait3A_510 : memref<128x128xf32, #tpu.memory_space<hbm>>) dst(%dma_wait3A_508 : memref<128x128xf32, #tpu.memory_space<vmem>>)
      %add3A_511 = arith.constant 0 : i32
      %add3A_512 = arith.addi %add3A_511, %select_n3A : i32
      %eq3A_513 = arith.cmpi eq, %add3A_489, %add3A_512 : i32
      %convert_element_type3A_514 = arith.extui %eq3A_513 : i1 to i32
      %cond3A_515 = arith.constant 0 : i32
      %cond3A_516 = arith.cmpi ne, %convert_element_type3A_514, %cond3A_515 : i32
      scf.if %cond3A_516 {
        %swap3A = arith.constant 1 : i32
        %swap3A_834 = arith.index_cast %swap3A : i32 to index
        %swap3A_835 = arith.index_cast %select_n3A_69 : i32 to index
        %swap3A_836 = arith.constant 0 : index
        %swap3A_837 = tpu.vector_load %arg10[%swap3A_834, %swap3A_835, %swap3A_836] {strides = array<i32>} : memref<2x128x128xf32, #tpu.memory_space<vmem>>, vector<1x1x16xf32>,
        %swap3A_838 = vector.shape_cast %swap3A_837 : vector<1x1x16xf32> to vector<16xf32>
        %swap3A_839 = vector.shape_cast %get3A_109 : vector<16xf32> to vector<1x1x16xf32>
        tpu.vector_store %arg10[%swap3A_834, %swap3A_835, %swap3A_836], %swap3A_839 {strides = array<i32>} : memref<2x128x128xf32, #tpu.memory_space<vmem>>, vector<1x1x16xf32>,
        %swap3A_840 = arith.constant 1 : i32
        %swap3A_841 = arith.index_cast %swap3A_840 : i32 to index
        %swap3A_842 = arith.index_cast %select_n3A_69 : i32 to index
        %swap3A_843 = arith.constant 16 : index
        %swap3A_844 = tpu.vector_load %arg10[%swap3A_841, %swap3A_842, %swap3A_843] {strides = array<i32>} : memref<2x128x128xf32, #tpu.memory_space<vmem>>, vector<1x1x16xf32>,
        %swap3A_845 = vector.shape_cast %swap3A_844 : vector<1x1x16xf32> to vector<16xf32>
        %swap3A_846 = vector.shape_cast %get3A_116 : vector<16xf32> to vector<1x1x16xf32>
        tpu.vector_store %arg10[%swap3A_841, %swap3A_842, %swap3A_843], %swap3A_846 {strides = array<i32>} : memref<2x128x128xf32, #tpu.memory_space<vmem>>, vector<1x1x16xf32>,
        %swap3A_847 = arith.constant 1 : i32
        %swap3A_848 = arith.index_cast %swap3A_847 : i32 to index
        %swap3A_849 = arith.index_cast %select_n3A_69 : i32 to index
        %swap3A_850 = arith.constant 32 : index
        %swap3A_851 = tpu.vector_load %arg10[%swap3A_848, %swap3A_849, %swap3A_850] {strides = array<i32>} : memref<2x128x128xf32, #tpu.memory_space<vmem>>, vector<1x1x16xf32>,
        %swap3A_852 = vector.shape_cast %swap3A_851 : vector<1x1x16xf32> to vector<16xf32>
        %swap3A_853 = vector.shape_cast %get3A_123 : vector<16xf32> to vector<1x1x16xf32>
        tpu.vector_store %arg10[%swap3A_848, %swap3A_849, %swap3A_850], %swap3A_853 {strides = array<i32>} : memref<2x128x128xf32, #tpu.memory_space<vmem>>, vector<1x1x16xf32>,
        %swap3A_854 = arith.constant 1 : i32
        %swap3A_855 = arith.index_cast %swap3A_854 : i32 to index
        %swap3A_856 = arith.index_cast %select_n3A_69 : i32 to index
        %swap3A_857 = arith.constant 48 : index
        %swap3A_858 = tpu.vector_load %arg10[%swap3A_855, %swap3A_856, %swap3A_857] {strides = array<i32>} : memref<2x128x128xf32, #tpu.memory_space<vmem>>, vector<1x1x16xf32>,
        %swap3A_859 = vector.shape_cast %swap3A_858 : vector<1x1x16xf32> to vector<16xf32>
        %swap3A_860 = vector.shape_cast %get3A_130 : vector<16xf32> to vector<1x1x16xf32>
        tpu.vector_store %arg10[%swap3A_855, %swap3A_856, %swap3A_857], %swap3A_860 {strides = array<i32>} : memref<2x128x128xf32, #tpu.memory_space<vmem>>, vector<1x1x16xf32>,
        %swap3A_861 = arith.constant 1 : i32
        %swap3A_862 = arith.index_cast %swap3A_861 : i32 to index
        %swap3A_863 = arith.index_cast %select_n3A_69 : i32 to index
        %swap3A_864 = arith.constant 64 : index
        %swap3A_865 = tpu.vector_load %arg10[%swap3A_862, %swap3A_863, %swap3A_864] {strides = array<i32>} : memref<2x128x128xf32, #tpu.memory_space<vmem>>, vector<1x1x16xf32>,
        %swap3A_866 = vector.shape_cast %swap3A_865 : vector<1x1x16xf32> to vector<16xf32>
        %swap3A_867 = vector.shape_cast %get3A_137 : vector<16xf32> to vector<1x1x16xf32>
        tpu.vector_store %arg10[%swap3A_862, %swap3A_863, %swap3A_864], %swap3A_867 {strides = array<i32>} : memref<2x128x128xf32, #tpu.memory_space<vmem>>, vector<1x1x16xf32>,
        %swap3A_868 = arith.constant 1 : i32
        %swap3A_869 = arith.index_cast %swap3A_868 : i32 to index
        %swap3A_870 = arith.index_cast %select_n3A_69 : i32 to index
        %swap3A_871 = arith.constant 80 : index
        %swap3A_872 = tpu.vector_load %arg10[%swap3A_869, %swap3A_870, %swap3A_871] {strides = array<i32>} : memref<2x128x128xf32, #tpu.memory_space<vmem>>, vector<1x1x16xf32>,
        %swap3A_873 = vector.shape_cast %swap3A_872 : vector<1x1x16xf32> to vector<16xf32>
        %swap3A_874 = vector.shape_cast %get3A_144 : vector<16xf32> to vector<1x1x16xf32>
        tpu.vector_store %arg10[%swap3A_869, %swap3A_870, %swap3A_871], %swap3A_874 {strides = array<i32>} : memref<2x128x128xf32, #tpu.memory_space<vmem>>, vector<1x1x16xf32>,
        %swap3A_875 = arith.constant 1 : i32
        %swap3A_876 = arith.index_cast %swap3A_875 : i32 to index
        %swap3A_877 = arith.index_cast %select_n3A_69 : i32 to index
        %swap3A_878 = arith.constant 96 : index
        %swap3A_879 = tpu.vector_load %arg10[%swap3A_876, %swap3A_877, %swap3A_878] {strides = array<i32>} : memref<2x128x128xf32, #tpu.memory_space<vmem>>, vector<1x1x16xf32>,
        %swap3A_880 = vector.shape_cast %swap3A_879 : vector<1x1x16xf32> to vector<16xf32>
        %swap3A_881 = vector.shape_cast %get3A_151 : vector<16xf32> to vector<1x1x16xf32>
        tpu.vector_store %arg10[%swap3A_876, %swap3A_877, %swap3A_878], %swap3A_881 {strides = array<i32>} : memref<2x128x128xf32, #tpu.memory_space<vmem>>, vector<1x1x16xf32>,
        %swap3A_882 = arith.constant 1 : i32
        %swap3A_883 = arith.index_cast %swap3A_882 : i32 to index
        %swap3A_884 = arith.index_cast %select_n3A_69 : i32 to index
        %swap3A_885 = arith.constant 112 : index
        %swap3A_886 = tpu.vector_load %arg10[%swap3A_883, %swap3A_884, %swap3A_885] {strides = array<i32>} : memref<2x128x128xf32, #tpu.memory_space<vmem>>, vector<1x1x16xf32>,
        %swap3A_887 = vector.shape_cast %swap3A_886 : vector<1x1x16xf32> to vector<16xf32>
        %swap3A_888 = vector.shape_cast %get3A_158 : vector<16xf32> to vector<1x1x16xf32>
        tpu.vector_store %arg10[%swap3A_883, %swap3A_884, %swap3A_885], %swap3A_888 {strides = array<i32>} : memref<2x128x128xf32, #tpu.memory_space<vmem>>, vector<1x1x16xf32>,
      } else {
      }
      %add3A_517 = arith.constant 16 : i32
      %add3A_518 = arith.addi %add3A_517, %select_n3A : i32
      %eq3A_519 = arith.cmpi eq, %add3A_489, %add3A_518 : i32
      %convert_element_type3A_520 = arith.extui %eq3A_519 : i1 to i32
      %cond3A_521 = arith.constant 0 : i32
      %cond3A_522 = arith.cmpi ne, %convert_element_type3A_520, %cond3A_521 : i32
      scf.if %cond3A_522 {
        %swap3A = arith.constant 1 : i32
        %swap3A_834 = arith.index_cast %swap3A : i32 to index
        %swap3A_835 = arith.index_cast %select_n3A_69 : i32 to index
        %swap3A_836 = arith.constant 0 : index
        %swap3A_837 = tpu.vector_load %arg10[%swap3A_834, %swap3A_835, %swap3A_836] {strides = array<i32>} : memref<2x128x128xf32, #tpu.memory_space<vmem>>, vector<1x1x16xf32>,
        %swap3A_838 = vector.shape_cast %swap3A_837 : vector<1x1x16xf32> to vector<16xf32>
        %swap3A_839 = vector.shape_cast %get3A_165 : vector<16xf32> to vector<1x1x16xf32>
        tpu.vector_store %arg10[%swap3A_834, %swap3A_835, %swap3A_836], %swap3A_839 {strides = array<i32>} : memref<2x128x128xf32, #tpu.memory_space<vmem>>, vector<1x1x16xf32>,
        %swap3A_840 = arith.constant 1 : i32
        %swap3A_841 = arith.index_cast %swap3A_840 : i32 to index
        %swap3A_842 = arith.index_cast %select_n3A_69 : i32 to index
        %swap3A_843 = arith.constant 16 : index
        %swap3A_844 = tpu.vector_load %arg10[%swap3A_841, %swap3A_842, %swap3A_843] {strides = array<i32>} : memref<2x128x128xf32, #tpu.memory_space<vmem>>, vector<1x1x16xf32>,
        %swap3A_845 = vector.shape_cast %swap3A_844 : vector<1x1x16xf32> to vector<16xf32>
        %swap3A_846 = vector.shape_cast %get3A_172 : vector<16xf32> to vector<1x1x16xf32>
        tpu.vector_store %arg10[%swap3A_841, %swap3A_842, %swap3A_843], %swap3A_846 {strides = array<i32>} : memref<2x128x128xf32, #tpu.memory_space<vmem>>, vector<1x1x16xf32>,
        %swap3A_847 = arith.constant 1 : i32
        %swap3A_848 = arith.index_cast %swap3A_847 : i32 to index
        %swap3A_849 = arith.index_cast %select_n3A_69 : i32 to index
        %swap3A_850 = arith.constant 32 : index
        %swap3A_851 = tpu.vector_load %arg10[%swap3A_848, %swap3A_849, %swap3A_850] {strides = array<i32>} : memref<2x128x128xf32, #tpu.memory_space<vmem>>, vector<1x1x16xf32>,
        %swap3A_852 = vector.shape_cast %swap3A_851 : vector<1x1x16xf32> to vector<16xf32>
        %swap3A_853 = vector.shape_cast %get3A_179 : vector<16xf32> to vector<1x1x16xf32>
        tpu.vector_store %arg10[%swap3A_848, %swap3A_849, %swap3A_850], %swap3A_853 {strides = array<i32>} : memref<2x128x128xf32, #tpu.memory_space<vmem>>, vector<1x1x16xf32>,
        %swap3A_854 = arith.constant 1 : i32
        %swap3A_855 = arith.index_cast %swap3A_854 : i32 to index
        %swap3A_856 = arith.index_cast %select_n3A_69 : i32 to index
        %swap3A_857 = arith.constant 48 : index
        %swap3A_858 = tpu.vector_load %arg10[%swap3A_855, %swap3A_856, %swap3A_857] {strides = array<i32>} : memref<2x128x128xf32, #tpu.memory_space<vmem>>, vector<1x1x16xf32>,
        %swap3A_859 = vector.shape_cast %swap3A_858 : vector<1x1x16xf32> to vector<16xf32>
        %swap3A_860 = vector.shape_cast %get3A_186 : vector<16xf32> to vector<1x1x16xf32>
        tpu.vector_store %arg10[%swap3A_855, %swap3A_856, %swap3A_857], %swap3A_860 {strides = array<i32>} : memref<2x128x128xf32, #tpu.memory_space<vmem>>, vector<1x1x16xf32>,
        %swap3A_861 = arith.constant 1 : i32
        %swap3A_862 = arith.index_cast %swap3A_861 : i32 to index
        %swap3A_863 = arith.index_cast %select_n3A_69 : i32 to index
        %swap3A_864 = arith.constant 64 : index
        %swap3A_865 = tpu.vector_load %arg10[%swap3A_862, %swap3A_863, %swap3A_864] {strides = array<i32>} : memref<2x128x128xf32, #tpu.memory_space<vmem>>, vector<1x1x16xf32>,
        %swap3A_866 = vector.shape_cast %swap3A_865 : vector<1x1x16xf32> to vector<16xf32>
        %swap3A_867 = vector.shape_cast %get3A_193 : vector<16xf32> to vector<1x1x16xf32>
        tpu.vector_store %arg10[%swap3A_862, %swap3A_863, %swap3A_864], %swap3A_867 {strides = array<i32>} : memref<2x128x128xf32, #tpu.memory_space<vmem>>, vector<1x1x16xf32>,
        %swap3A_868 = arith.constant 1 : i32
        %swap3A_869 = arith.index_cast %swap3A_868 : i32 to index
        %swap3A_870 = arith.index_cast %select_n3A_69 : i32 to index
        %swap3A_871 = arith.constant 80 : index
        %swap3A_872 = tpu.vector_load %arg10[%swap3A_869, %swap3A_870, %swap3A_871] {strides = array<i32>} : memref<2x128x128xf32, #tpu.memory_space<vmem>>, vector<1x1x16xf32>,
        %swap3A_873 = vector.shape_cast %swap3A_872 : vector<1x1x16xf32> to vector<16xf32>
        %swap3A_874 = vector.shape_cast %get3A_200 : vector<16xf32> to vector<1x1x16xf32>
        tpu.vector_store %arg10[%swap3A_869, %swap3A_870, %swap3A_871], %swap3A_874 {strides = array<i32>} : memref<2x128x128xf32, #tpu.memory_space<vmem>>, vector<1x1x16xf32>,
        %swap3A_875 = arith.constant 1 : i32
        %swap3A_876 = arith.index_cast %swap3A_875 : i32 to index
        %swap3A_877 = arith.index_cast %select_n3A_69 : i32 to index
        %swap3A_878 = arith.constant 96 : index
        %swap3A_879 = tpu.vector_load %arg10[%swap3A_876, %swap3A_877, %swap3A_878] {strides = array<i32>} : memref<2x128x128xf32, #tpu.memory_space<vmem>>, vector<1x1x16xf32>,
        %swap3A_880 = vector.shape_cast %swap3A_879 : vector<1x1x16xf32> to vector<16xf32>
        %swap3A_881 = vector.shape_cast %get3A_207 : vector<16xf32> to vector<1x1x16xf32>
        tpu.vector_store %arg10[%swap3A_876, %swap3A_877, %swap3A_878], %swap3A_881 {strides = array<i32>} : memref<2x128x128xf32, #tpu.memory_space<vmem>>, vector<1x1x16xf32>,
        %swap3A_882 = arith.constant 1 : i32
        %swap3A_883 = arith.index_cast %swap3A_882 : i32 to index
        %swap3A_884 = arith.index_cast %select_n3A_69 : i32 to index
        %swap3A_885 = arith.constant 112 : index
        %swap3A_886 = tpu.vector_load %arg10[%swap3A_883, %swap3A_884, %swap3A_885] {strides = array<i32>} : memref<2x128x128xf32, #tpu.memory_space<vmem>>, vector<1x1x16xf32>,
        %swap3A_887 = vector.shape_cast %swap3A_886 : vector<1x1x16xf32> to vector<16xf32>
        %swap3A_888 = vector.shape_cast %get3A_214 : vector<16xf32> to vector<1x1x16xf32>
        tpu.vector_store %arg10[%swap3A_883, %swap3A_884, %swap3A_885], %swap3A_888 {strides = array<i32>} : memref<2x128x128xf32, #tpu.memory_space<vmem>>, vector<1x1x16xf32>,
      } else {
      }
      %mul3A_523 = arith.constant 128 : i32
      %mul3A_524 = arith.muli %add3A_489, %mul3A_523 : i32
      %add3A_525 = arith.addi %mul3A_71, %mul3A_524 : i32
      %multiple_of3A_526 = tpu.assume_multiple %add3A_525, 8 : i32
      %dma_start3A_527 = arith.constant 1 : i32
      %dma_start3A_528 = arith.constant 1 : i32
      %dma_start3A_529 = arith.constant 0 : i32
      %dma_start3A_530 = arith.constant 0 : i32
      %dma_start3A_531 = tpu.memref_slice %arg10[%dma_start3A_527, %dma_start3A_529, %dma_start3A_530] : memref<2x128x128xf32, #tpu.memory_space<vmem>> -> memref<1x128x128xf32, #tpu.memory_space<vmem>>
      %dma_start3A_532 = tpu.memref_squeeze %dma_start3A_531 : memref<1x128x128xf32, #tpu.memory_space<vmem>> -> memref<128x128xf32, #tpu.memory_space<vmem>>
      %dma_start3A_533 = arith.constant 0 : i32
      %dma_start3A_534 = tpu.memref_slice %arg7[%multiple_of3A_526, %dma_start3A_533] : memref<131072x128xf32, #tpu.memory_space<hbm>> -> memref<128x128xf32, #tpu.memory_space<hbm>>
      %dma_start3A_535 = tpu.memref_slice %arg14[%dma_start3A_528] : memref<8x!tpu.dma_semaphore, #tpu.memory_space<semaphore_mem>> -> memref<1x!tpu.dma_semaphore, #tpu.memory_space<semaphore_mem>>
      %dma_start3A_536 = tpu.memref_squeeze %dma_start3A_535 : memref<1x!tpu.dma_semaphore, #tpu.memory_space<semaphore_mem>> -> memref<!tpu.dma_semaphore, #tpu.memory_space<semaphore_mem>>
      %dma_start3A_537 = arith.constant 0 : i32
      %dma_start3A_538 = tpu.memref_slice %arg7[%multiple_of3A_526, %dma_start3A_537] : memref<131072x128xf32, #tpu.memory_space<hbm>> -> memref<128x128xf32, #tpu.memory_space<hbm>>
      %dma_start3A_539 = arith.constant 0 : i32
      %dma_start3A_540 = arith.constant 0 : i32
      %dma_start3A_541 = tpu.memref_slice %arg10[%dma_start3A_527, %dma_start3A_539, %dma_start3A_540] : memref<2x128x128xf32, #tpu.memory_space<vmem>> -> memref<1x128x128xf32, #tpu.memory_space<vmem>>
      %dma_start3A_542 = tpu.memref_squeeze %dma_start3A_541 : memref<1x128x128xf32, #tpu.memory_space<vmem>> -> memref<128x128xf32, #tpu.memory_space<vmem>>
      tpu.enqueue_dma source(%dma_start3A_542 : memref<128x128xf32, #tpu.memory_space<vmem>>) target(%dma_start3A_538 : memref<128x128xf32, #tpu.memory_space<hbm>>) target_semaphore(%dma_start3A_536 : memref<!tpu.dma_semaphore, #tpu.memory_space<semaphore_mem>>)
      %add3A_543 = arith.constant 2 : i32
      %add3A_544 = arith.addi %add3A_489, %add3A_543 : i32
      %sub3A_545 = arith.constant 1 : i32
      %sub3A_546 = arith.subi %add3A_544, %sub3A_545 : i32
      %lt3A_547 = arith.constant 32 : i32
      %lt3A_548 = arith.cmpi slt, %sub3A_546, %lt3A_547 : i32
      %convert_element_type3A_549 = arith.extui %lt3A_548 : i1 to i32
      %cond3A_550 = arith.constant 0 : i32
      %cond3A_551 = arith.cmpi ne, %convert_element_type3A_549, %cond3A_550 : i32
      scf.if %cond3A_551 {
        %ge3A = arith.constant 1 : i32
        %ge3A_834 = arith.cmpi sge, %add3A_489, %ge3A : i32
        %convert_element_type3A_835 = arith.extui %ge3A_834 : i1 to i32
        %cond3A_836 = arith.constant 0 : i32
        %cond3A_837 = arith.cmpi ne, %convert_element_type3A_835, %cond3A_836 : i32
        scf.if %cond3A_837 {
          %sub3A_863 = arith.constant 1 : i32
          %sub3A_864 = arith.subi %add3A_489, %sub3A_863 : i32
          %mul3A_865 = arith.constant 128 : i32
          %mul3A_866 = arith.muli %sub3A_864, %mul3A_865 : i32
          %add3A_867 = arith.addi %mul3A_71, %mul3A_866 : i32
          %multiple_of3A_868 = tpu.assume_multiple %add3A_867, 8 : i32
          %dma_wait3A_869 = arith.constant 0 : i32
          %dma_wait3A_870 = arith.constant 0 : i32
          %dma_wait3A_871 = arith.constant 0 : i32
          %dma_wait3A_872 = arith.constant 0 : i32
          %dma_wait3A_873 = tpu.memref_slice %arg10[%dma_wait3A_869, %dma_wait3A_871, %dma_wait3A_872] : memref<2x128x128xf32, #tpu.memory_space<vmem>> -> memref<1x128x128xf32, #tpu.memory_space<vmem>>
          %dma_wait3A_874 = tpu.memref_squeeze %dma_wait3A_873 : memref<1x128x128xf32, #tpu.memory_space<vmem>> -> memref<128x128xf32, #tpu.memory_space<vmem>>
          %dma_wait3A_875 = arith.constant 0 : i32
          %dma_wait3A_876 = tpu.memref_slice %arg7[%multiple_of3A_868, %dma_wait3A_875] : memref<131072x128xf32, #tpu.memory_space<hbm>> -> memref<128x128xf32, #tpu.memory_space<hbm>>
          %dma_wait3A_877 = tpu.memref_slice %arg14[%dma_wait3A_870] : memref<8x!tpu.dma_semaphore, #tpu.memory_space<semaphore_mem>> -> memref<1x!tpu.dma_semaphore, #tpu.memory_space<semaphore_mem>>
          %dma_wait3A_878 = tpu.memref_squeeze %dma_wait3A_877 : memref<1x!tpu.dma_semaphore, #tpu.memory_space<semaphore_mem>> -> memref<!tpu.dma_semaphore, #tpu.memory_space<semaphore_mem>>
          %dma_wait3A_879 = arith.constant 0 : i32
          %dma_wait3A_880 = tpu.memref_slice %arg7[%multiple_of3A_868, %dma_wait3A_879] : memref<131072x128xf32, #tpu.memory_space<hbm>> -> memref<128x128xf32, #tpu.memory_space<hbm>>
          %dma_wait3A_881 = arith.constant 0 : i32
          %dma_wait3A_882 = arith.constant 0 : i32
          %dma_wait3A_883 = tpu.memref_slice %arg10[%dma_wait3A_869, %dma_wait3A_881, %dma_wait3A_882] : memref<2x128x128xf32, #tpu.memory_space<vmem>> -> memref<1x128x128xf32, #tpu.memory_space<vmem>>
          %dma_wait3A_884 = tpu.memref_squeeze %dma_wait3A_883 : memref<1x128x128xf32, #tpu.memory_space<vmem>> -> memref<128x128xf32, #tpu.memory_space<vmem>>
          tpu.wait_dma2 semaphore(%dma_wait3A_878 : memref<!tpu.dma_semaphore, #tpu.memory_space<semaphore_mem>>) src(%dma_wait3A_884 : memref<128x128xf32, #tpu.memory_space<vmem>>) dst(%dma_wait3A_880 : memref<128x128xf32, #tpu.memory_space<hbm>>)
        } else {
        }
        %add3A_838 = arith.constant 2 : i32
        %add3A_839 = arith.addi %add3A_489, %add3A_838 : i32
        %sub3A_840 = arith.constant 1 : i32
        %sub3A_841 = arith.subi %add3A_839, %sub3A_840 : i32
        %mul3A_842 = arith.constant 128 : i32
        %mul3A_843 = arith.muli %sub3A_841, %mul3A_842 : i32
        %add3A_844 = arith.addi %mul3A_71, %mul3A_843 : i32
        %multiple_of3A_845 = tpu.assume_multiple %add3A_844, 8 : i32
        %add3A_846 = arith.addi %multiple_of3A, %multiple_of3A_845 : i32
        %dma_start3A_847 = arith.constant 0 : i32
        %dma_start3A_848 = arith.constant 0 : i32
        %dma_start3A_849 = arith.constant 0 : i32
        %dma_start3A_850 = arith.constant 0 : i32
        %dma_start3A_851 = tpu.memref_slice %arg10[%dma_start3A_847, %dma_start3A_849, %dma_start3A_850] : memref<2x128x128xf32, #tpu.memory_space<vmem>> -> memref<1x128x128xf32, #tpu.memory_space<vmem>>
        %dma_start3A_852 = tpu.memref_squeeze %dma_start3A_851 : memref<1x128x128xf32, #tpu.memory_space<vmem>> -> memref<128x128xf32, #tpu.memory_space<vmem>>
        %dma_start3A_853 = arith.constant 0 : i32
        %dma_start3A_854 = tpu.memref_slice %arg2[%add3A_846, %dma_start3A_853] : memref<524288x128xf32, #tpu.memory_space<hbm>> -> memref<128x128xf32, #tpu.memory_space<hbm>>
        %dma_start3A_855 = tpu.memref_slice %arg13[%dma_start3A_848] : memref<8x!tpu.dma_semaphore, #tpu.memory_space<semaphore_mem>> -> memref<1x!tpu.dma_semaphore, #tpu.memory_space<semaphore_mem>>
        %dma_start3A_856 = tpu.memref_squeeze %dma_start3A_855 : memref<1x!tpu.dma_semaphore, #tpu.memory_space<semaphore_mem>> -> memref<!tpu.dma_semaphore, #tpu.memory_space<semaphore_mem>>
        %dma_start3A_857 = arith.constant 0 : i32
        %dma_start3A_858 = arith.constant 0 : i32
        %dma_start3A_859 = tpu.memref_slice %arg10[%dma_start3A_847, %dma_start3A_857, %dma_start3A_858] : memref<2x128x128xf32, #tpu.memory_space<vmem>> -> memref<1x128x128xf32, #tpu.memory_space<vmem>>
        %dma_start3A_860 = tpu.memref_squeeze %dma_start3A_859 : memref<1x128x128xf32, #tpu.memory_space<vmem>> -> memref<128x128xf32, #tpu.memory_space<vmem>>
        %dma_start3A_861 = arith.constant 0 : i32
        %dma_start3A_862 = tpu.memref_slice %arg2[%add3A_846, %dma_start3A_861] : memref<524288x128xf32, #tpu.memory_space<hbm>> -> memref<128x128xf32, #tpu.memory_space<hbm>>
        tpu.enqueue_dma source(%dma_start3A_862 : memref<128x128xf32, #tpu.memory_space<hbm>>) target(%dma_start3A_860 : memref<128x128xf32, #tpu.memory_space<vmem>>) target_semaphore(%dma_start3A_856 : memref<!tpu.dma_semaphore, #tpu.memory_space<semaphore_mem>>)
      } else {
      }
      %mul3A_552 = arith.constant 128 : i32
      %mul3A_553 = arith.muli %add3A_489, %mul3A_552 : i32
      %add3A_554 = arith.addi %mul3A_71, %mul3A_553 : i32
      %multiple_of3A_555 = tpu.assume_multiple %add3A_554, 8 : i32
      %add3A_556 = arith.addi %multiple_of3A, %multiple_of3A_555 : i32
      %dma_wait3A_557 = arith.constant 1 : i32
      %dma_wait3A_558 = arith.constant 5 : i32
      %dma_wait3A_559 = tpu.memref_slice %arg13[%dma_wait3A_558] : memref<8x!tpu.dma_semaphore, #tpu.memory_space<semaphore_mem>> -> memref<1x!tpu.dma_semaphore, #tpu.memory_space<semaphore_mem>>
      %dma_wait3A_560 = tpu.memref_squeeze %dma_wait3A_559 : memref<1x!tpu.dma_semaphore, #tpu.memory_space<semaphore_mem>> -> memref<!tpu.dma_semaphore, #tpu.memory_space<semaphore_mem>>
      %dma_wait3A_561 = arith.constant 0 : i32
      %dma_wait3A_562 = arith.constant 0 : i32
      %dma_wait3A_563 = tpu.memref_slice %arg11[%arg1, %dma_wait3A_557, %dma_wait3A_561, %dma_wait3A_562] : memref<16x4x128x128xf32, #tpu.memory_space<vmem_shared>> -> memref<1x1x128x128xf32, #tpu.memory_space<vmem_shared>>
      %dma_wait3A_564 = tpu.memref_squeeze %dma_wait3A_563 : memref<1x1x128x128xf32, #tpu.memory_space<vmem_shared>> -> memref<128x128xf32, #tpu.memory_space<vmem_shared>>
      %dma_wait3A_565 = arith.constant 0 : i32
      %dma_wait3A_566 = tpu.memref_slice %arg3[%add3A_556, %dma_wait3A_565] : memref<524288x128xf32, #tpu.memory_space<hbm>> -> memref<128x128xf32, #tpu.memory_space<hbm>>
      tpu.wait_dma2 semaphore(%dma_wait3A_560 : memref<!tpu.dma_semaphore, #tpu.memory_space<semaphore_mem>>) src(%dma_wait3A_566 : memref<128x128xf32, #tpu.memory_space<hbm>>) dst(%dma_wait3A_564 : memref<128x128xf32, #tpu.memory_space<vmem_shared>>)
      %add3A_567 = arith.constant 0 : i32
      %add3A_568 = arith.addi %add3A_567, %select_n3A : i32
      %eq3A_569 = arith.cmpi eq, %add3A_489, %add3A_568 : i32
      %convert_element_type3A_570 = arith.extui %eq3A_569 : i1 to i32
      %cond3A_571 = arith.constant 0 : i32
      %cond3A_572 = arith.cmpi ne, %convert_element_type3A_570, %cond3A_571 : i32
      scf.if %cond3A_572 {
        %run_scoped3A = arith.constant 1 : i32
        %run_scoped3A_834 = arith.constant 1 : i32
        "tpu.region"() ({
          %run_scoped3A_835 = tpu.sem_alloc : memref<!tpu.dma_semaphore, #tpu.memory_space<semaphore_mem>>
          %dma_start3A_836 = arith.constant 0 : i32
          %dma_start3A_837 = arith.constant 0 : i32
          %dma_start3A_838 = tpu.memref_slice %arg12[%run_scoped3A, %dma_start3A_836, %dma_start3A_837] : memref<2x2x128xf32, #tpu.memory_space<vmem>> -> memref<1x1x128xf32, #tpu.memory_space<vmem>>
          %dma_start3A_839 = tpu.memref_squeeze %dma_start3A_838 : memref<1x1x128xf32, #tpu.memory_space<vmem>> -> memref<1x128xf32, #tpu.memory_space<vmem>>
          %dma_start3A_840 = arith.constant 0 : i32
          %dma_start3A_841 = tpu.memref_slice %arg11[%arg1, %run_scoped3A_834, %select_n3A_69, %dma_start3A_840] : memref<16x4x128x128xf32, #tpu.memory_space<vmem_shared>> -> memref<1x1x1x128xf32, #tpu.memory_space<vmem_shared>>
          %dma_start3A_842 = tpu.memref_squeeze %dma_start3A_841 : memref<1x1x1x128xf32, #tpu.memory_space<vmem_shared>> -> memref<1x128xf32, #tpu.memory_space<vmem_shared>>
          %dma_start3A_843 = arith.constant 0 : i32
          %dma_start3A_844 = tpu.memref_slice %arg11[%arg1, %run_scoped3A_834, %select_n3A_69, %dma_start3A_843] : memref<16x4x128x128xf32, #tpu.memory_space<vmem_shared>> -> memref<1x1x1x128xf32, #tpu.memory_space<vmem_shared>>
          %dma_start3A_845 = tpu.memref_squeeze %dma_start3A_844 : memref<1x1x1x128xf32, #tpu.memory_space<vmem_shared>> -> memref<1x128xf32, #tpu.memory_space<vmem_shared>>
          %dma_start3A_846 = arith.constant 0 : i32
          %dma_start3A_847 = arith.constant 0 : i32
          %dma_start3A_848 = tpu.memref_slice %arg12[%run_scoped3A, %dma_start3A_846, %dma_start3A_847] : memref<2x2x128xf32, #tpu.memory_space<vmem>> -> memref<1x1x128xf32, #tpu.memory_space<vmem>>
          %dma_start3A_849 = tpu.memref_squeeze %dma_start3A_848 : memref<1x1x128xf32, #tpu.memory_space<vmem>> -> memref<1x128xf32, #tpu.memory_space<vmem>>
          tpu.enqueue_dma source(%dma_start3A_849 : memref<1x128xf32, #tpu.memory_space<vmem>>) target(%dma_start3A_845 : memref<1x128xf32, #tpu.memory_space<vmem_shared>>) target_semaphore(%run_scoped3A_835 : memref<!tpu.dma_semaphore, #tpu.memory_space<semaphore_mem>>)
          %dma_wait3A_850 = arith.constant 0 : i32
          %dma_wait3A_851 = arith.constant 0 : i32
          %dma_wait3A_852 = tpu.memref_slice %arg12[%run_scoped3A, %dma_wait3A_850, %dma_wait3A_851] : memref<2x2x128xf32, #tpu.memory_space<vmem>> -> memref<1x1x128xf32, #tpu.memory_space<vmem>>
          %dma_wait3A_853 = tpu.memref_squeeze %dma_wait3A_852 : memref<1x1x128xf32, #tpu.memory_space<vmem>> -> memref<1x128xf32, #tpu.memory_space<vmem>>
          %dma_wait3A_854 = arith.constant 0 : i32
          %dma_wait3A_855 = tpu.memref_slice %arg11[%arg1, %run_scoped3A_834, %select_n3A_69, %dma_wait3A_854] : memref<16x4x128x128xf32, #tpu.memory_space<vmem_shared>> -> memref<1x1x1x128xf32, #tpu.memory_space<vmem_shared>>
          %dma_wait3A_856 = tpu.memref_squeeze %dma_wait3A_855 : memref<1x1x1x128xf32, #tpu.memory_space<vmem_shared>> -> memref<1x128xf32, #tpu.memory_space<vmem_shared>>
          %dma_wait3A_857 = arith.constant 0 : i32
          %dma_wait3A_858 = tpu.memref_slice %arg11[%arg1, %run_scoped3A_834, %select_n3A_69, %dma_wait3A_857] : memref<16x4x128x128xf32, #tpu.memory_space<vmem_shared>> -> memref<1x1x1x128xf32, #tpu.memory_space<vmem_shared>>
          %dma_wait3A_859 = tpu.memref_squeeze %dma_wait3A_858 : memref<1x1x1x128xf32, #tpu.memory_space<vmem_shared>> -> memref<1x128xf32, #tpu.memory_space<vmem_shared>>
          %dma_wait3A_860 = arith.constant 0 : i32
          %dma_wait3A_861 = arith.constant 0 : i32
          %dma_wait3A_862 = tpu.memref_slice %arg12[%run_scoped3A, %dma_wait3A_860, %dma_wait3A_861] : memref<2x2x128xf32, #tpu.memory_space<vmem>> -> memref<1x1x128xf32, #tpu.memory_space<vmem>>
          %dma_wait3A_863 = tpu.memref_squeeze %dma_wait3A_862 : memref<1x1x128xf32, #tpu.memory_space<vmem>> -> memref<1x128xf32, #tpu.memory_space<vmem>>
          tpu.wait_dma2 semaphore(%run_scoped3A_835 : memref<!tpu.dma_semaphore, #tpu.memory_space<semaphore_mem>>) src(%dma_wait3A_863 : memref<1x128xf32, #tpu.memory_space<vmem>>) dst(%dma_wait3A_859 : memref<1x128xf32, #tpu.memory_space<vmem_shared>>)
          tpu.yield
        }) : () -> ()
      } else {
      }
      %add3A_573 = arith.constant 16 : i32
      %add3A_574 = arith.addi %add3A_573, %select_n3A : i32
      %eq3A_575 = arith.cmpi eq, %add3A_489, %add3A_574 : i32
      %convert_element_type3A_576 = arith.extui %eq3A_575 : i1 to i32
      %cond3A_577 = arith.constant 0 : i32
      %cond3A_578 = arith.cmpi ne, %convert_element_type3A_576, %cond3A_577 : i32
      scf.if %cond3A_578 {
        %run_scoped3A = arith.constant 1 : i32
        %run_scoped3A_834 = arith.constant 1 : i32
        "tpu.region"() ({
          %run_scoped3A_835 = tpu.sem_alloc : memref<!tpu.dma_semaphore, #tpu.memory_space<semaphore_mem>>
          %dma_start3A_836 = arith.constant 1 : i32
          %dma_start3A_837 = arith.constant 0 : i32
          %dma_start3A_838 = tpu.memref_slice %arg12[%run_scoped3A, %dma_start3A_836, %dma_start3A_837] : memref<2x2x128xf32, #tpu.memory_space<vmem>> -> memref<1x1x128xf32, #tpu.memory_space<vmem>>
          %dma_start3A_839 = tpu.memref_squeeze %dma_start3A_838 : memref<1x1x128xf32, #tpu.memory_space<vmem>> -> memref<1x128xf32, #tpu.memory_space<vmem>>
          %dma_start3A_840 = arith.constant 0 : i32
          %dma_start3A_841 = tpu.memref_slice %arg11[%arg1, %run_scoped3A_834, %select_n3A_69, %dma_start3A_840] : memref<16x4x128x128xf32, #tpu.memory_space<vmem_shared>> -> memref<1x1x1x128xf32, #tpu.memory_space<vmem_shared>>
          %dma_start3A_842 = tpu.memref_squeeze %dma_start3A_841 : memref<1x1x1x128xf32, #tpu.memory_space<vmem_shared>> -> memref<1x128xf32, #tpu.memory_space<vmem_shared>>
          %dma_start3A_843 = arith.constant 0 : i32
          %dma_start3A_844 = tpu.memref_slice %arg11[%arg1, %run_scoped3A_834, %select_n3A_69, %dma_start3A_843] : memref<16x4x128x128xf32, #tpu.memory_space<vmem_shared>> -> memref<1x1x1x128xf32, #tpu.memory_space<vmem_shared>>
          %dma_start3A_845 = tpu.memref_squeeze %dma_start3A_844 : memref<1x1x1x128xf32, #tpu.memory_space<vmem_shared>> -> memref<1x128xf32, #tpu.memory_space<vmem_shared>>
          %dma_start3A_846 = arith.constant 1 : i32
          %dma_start3A_847 = arith.constant 0 : i32
          %dma_start3A_848 = tpu.memref_slice %arg12[%run_scoped3A, %dma_start3A_846, %dma_start3A_847] : memref<2x2x128xf32, #tpu.memory_space<vmem>> -> memref<1x1x128xf32, #tpu.memory_space<vmem>>
          %dma_start3A_849 = tpu.memref_squeeze %dma_start3A_848 : memref<1x1x128xf32, #tpu.memory_space<vmem>> -> memref<1x128xf32, #tpu.memory_space<vmem>>
          tpu.enqueue_dma source(%dma_start3A_849 : memref<1x128xf32, #tpu.memory_space<vmem>>) target(%dma_start3A_845 : memref<1x128xf32, #tpu.memory_space<vmem_shared>>) target_semaphore(%run_scoped3A_835 : memref<!tpu.dma_semaphore, #tpu.memory_space<semaphore_mem>>)
          %dma_wait3A_850 = arith.constant 1 : i32
          %dma_wait3A_851 = arith.constant 0 : i32
          %dma_wait3A_852 = tpu.memref_slice %arg12[%run_scoped3A, %dma_wait3A_850, %dma_wait3A_851] : memref<2x2x128xf32, #tpu.memory_space<vmem>> -> memref<1x1x128xf32, #tpu.memory_space<vmem>>
          %dma_wait3A_853 = tpu.memref_squeeze %dma_wait3A_852 : memref<1x1x128xf32, #tpu.memory_space<vmem>> -> memref<1x128xf32, #tpu.memory_space<vmem>>
          %dma_wait3A_854 = arith.constant 0 : i32
          %dma_wait3A_855 = tpu.memref_slice %arg11[%arg1, %run_scoped3A_834, %select_n3A_69, %dma_wait3A_854] : memref<16x4x128x128xf32, #tpu.memory_space<vmem_shared>> -> memref<1x1x1x128xf32, #tpu.memory_space<vmem_shared>>
          %dma_wait3A_856 = tpu.memref_squeeze %dma_wait3A_855 : memref<1x1x1x128xf32, #tpu.memory_space<vmem_shared>> -> memref<1x128xf32, #tpu.memory_space<vmem_shared>>
          %dma_wait3A_857 = arith.constant 0 : i32
          %dma_wait3A_858 = tpu.memref_slice %arg11[%arg1, %run_scoped3A_834, %select_n3A_69, %dma_wait3A_857] : memref<16x4x128x128xf32, #tpu.memory_space<vmem_shared>> -> memref<1x1x1x128xf32, #tpu.memory_space<vmem_shared>>
          %dma_wait3A_859 = tpu.memref_squeeze %dma_wait3A_858 : memref<1x1x1x128xf32, #tpu.memory_space<vmem_shared>> -> memref<1x128xf32, #tpu.memory_space<vmem_shared>>
          %dma_wait3A_860 = arith.constant 1 : i32
          %dma_wait3A_861 = arith.constant 0 : i32
          %dma_wait3A_862 = tpu.memref_slice %arg12[%run_scoped3A, %dma_wait3A_860, %dma_wait3A_861] : memref<2x2x128xf32, #tpu.memory_space<vmem>> -> memref<1x1x128xf32, #tpu.memory_space<vmem>>
          %dma_wait3A_863 = tpu.memref_squeeze %dma_wait3A_862 : memref<1x1x128xf32, #tpu.memory_space<vmem>> -> memref<1x128xf32, #tpu.memory_space<vmem>>
          tpu.wait_dma2 semaphore(%run_scoped3A_835 : memref<!tpu.dma_semaphore, #tpu.memory_space<semaphore_mem>>) src(%dma_wait3A_863 : memref<1x128xf32, #tpu.memory_space<vmem>>) dst(%dma_wait3A_859 : memref<1x128xf32, #tpu.memory_space<vmem_shared>>)
          tpu.yield
        }) : () -> ()
      } else {
      }
      %mul3A_579 = arith.constant 128 : i32
      %mul3A_580 = arith.muli %add3A_489, %mul3A_579 : i32
      %add3A_581 = arith.addi %mul3A_71, %mul3A_580 : i32
      %multiple_of3A_582 = tpu.assume_multiple %add3A_581, 8 : i32
      %dma_start3A_583 = arith.constant 1 : i32
      %dma_start3A_584 = arith.constant 5 : i32
      %dma_start3A_585 = tpu.memref_slice %arg14[%dma_start3A_584] : memref<8x!tpu.dma_semaphore, #tpu.memory_space<semaphore_mem>> -> memref<1x!tpu.dma_semaphore, #tpu.memory_space<semaphore_mem>>
      %dma_start3A_586 = tpu.memref_squeeze %dma_start3A_585 : memref<1x!tpu.dma_semaphore, #tpu.memory_space<semaphore_mem>> -> memref<!tpu.dma_semaphore, #tpu.memory_space<semaphore_mem>>
      %dma_start3A_587 = arith.constant 0 : i32
      %dma_start3A_588 = tpu.memref_slice %arg8[%multiple_of3A_582, %dma_start3A_587] : memref<131072x128xf32, #tpu.memory_space<hbm>> -> memref<128x128xf32, #tpu.memory_space<hbm>>
      %dma_start3A_589 = arith.constant 0 : i32
      %dma_start3A_590 = arith.constant 0 : i32
      %dma_start3A_591 = tpu.memref_slice %arg11[%arg1, %dma_start3A_583, %dma_start3A_589, %dma_start3A_590] : memref<16x4x128x128xf32, #tpu.memory_space<vmem_shared>> -> memref<1x1x128x128xf32, #tpu.memory_space<vmem_shared>>
      %dma_start3A_592 = tpu.memref_squeeze %dma_start3A_591 : memref<1x1x128x128xf32, #tpu.memory_space<vmem_shared>> -> memref<128x128xf32, #tpu.memory_space<vmem_shared>>
      tpu.enqueue_dma source(%dma_start3A_592 : memref<128x128xf32, #tpu.memory_space<vmem_shared>>) target(%dma_start3A_588 : memref<128x128xf32, #tpu.memory_space<hbm>>) target_semaphore(%dma_start3A_586 : memref<!tpu.dma_semaphore, #tpu.memory_space<semaphore_mem>>)
      %add3A_593 = arith.constant 4 : i32
      %add3A_594 = arith.addi %add3A_489, %add3A_593 : i32
      %sub3A_595 = arith.constant 1 : i32
      %sub3A_596 = arith.subi %add3A_594, %sub3A_595 : i32
      %lt3A_597 = arith.constant 32 : i32
      %lt3A_598 = arith.cmpi slt, %sub3A_596, %lt3A_597 : i32
      %convert_element_type3A_599 = arith.extui %lt3A_598 : i1 to i32
      %cond3A_600 = arith.constant 0 : i32
      %cond3A_601 = arith.cmpi ne, %convert_element_type3A_599, %cond3A_600 : i32
      scf.if %cond3A_601 {
        %ge3A = arith.constant 1 : i32
        %ge3A_834 = arith.cmpi sge, %add3A_489, %ge3A : i32
        %convert_element_type3A_835 = arith.extui %ge3A_834 : i1 to i32
        %cond3A_836 = arith.constant 0 : i32
        %cond3A_837 = arith.cmpi ne, %convert_element_type3A_835, %cond3A_836 : i32
        scf.if %cond3A_837 {
          %sub3A_857 = arith.constant 1 : i32
          %sub3A_858 = arith.subi %add3A_489, %sub3A_857 : i32
          %mul3A_859 = arith.constant 128 : i32
          %mul3A_860 = arith.muli %sub3A_858, %mul3A_859 : i32
          %add3A_861 = arith.addi %mul3A_71, %mul3A_860 : i32
          %multiple_of3A_862 = tpu.assume_multiple %add3A_861, 8 : i32
          %dma_wait3A_863 = arith.constant 0 : i32
          %dma_wait3A_864 = arith.constant 4 : i32
          %dma_wait3A_865 = tpu.memref_slice %arg14[%dma_wait3A_864] : memref<8x!tpu.dma_semaphore, #tpu.memory_space<semaphore_mem>> -> memref<1x!tpu.dma_semaphore, #tpu.memory_space<semaphore_mem>>
          %dma_wait3A_866 = tpu.memref_squeeze %dma_wait3A_865 : memref<1x!tpu.dma_semaphore, #tpu.memory_space<semaphore_mem>> -> memref<!tpu.dma_semaphore, #tpu.memory_space<semaphore_mem>>
          %dma_wait3A_867 = arith.constant 0 : i32
          %dma_wait3A_868 = tpu.memref_slice %arg8[%multiple_of3A_862, %dma_wait3A_867] : memref<131072x128xf32, #tpu.memory_space<hbm>> -> memref<128x128xf32, #tpu.memory_space<hbm>>
          %dma_wait3A_869 = arith.constant 0 : i32
          %dma_wait3A_870 = arith.constant 0 : i32
          %dma_wait3A_871 = tpu.memref_slice %arg11[%arg1, %dma_wait3A_863, %dma_wait3A_869, %dma_wait3A_870] : memref<16x4x128x128xf32, #tpu.memory_space<vmem_shared>> -> memref<1x1x128x128xf32, #tpu.memory_space<vmem_shared>>
          %dma_wait3A_872 = tpu.memref_squeeze %dma_wait3A_871 : memref<1x1x128x128xf32, #tpu.memory_space<vmem_shared>> -> memref<128x128xf32, #tpu.memory_space<vmem_shared>>
          tpu.wait_dma2 semaphore(%dma_wait3A_866 : memref<!tpu.dma_semaphore, #tpu.memory_space<semaphore_mem>>) src(%dma_wait3A_872 : memref<128x128xf32, #tpu.memory_space<vmem_shared>>) dst(%dma_wait3A_868 : memref<128x128xf32, #tpu.memory_space<hbm>>)
        } else {
        }
        %add3A_838 = arith.constant 4 : i32
        %add3A_839 = arith.addi %add3A_489, %add3A_838 : i32
        %sub3A_840 = arith.constant 1 : i32
        %sub3A_841 = arith.subi %add3A_839, %sub3A_840 : i32
        %mul3A_842 = arith.constant 128 : i32
        %mul3A_843 = arith.muli %sub3A_841, %mul3A_842 : i32
        %add3A_844 = arith.addi %mul3A_71, %mul3A_843 : i32
        %multiple_of3A_845 = tpu.assume_multiple %add3A_844, 8 : i32
        %add3A_846 = arith.addi %multiple_of3A, %multiple_of3A_845 : i32
        %dma_start3A_847 = arith.constant 0 : i32
        %dma_start3A_848 = arith.constant 4 : i32
        %dma_start3A_849 = tpu.memref_slice %arg13[%dma_start3A_848] : memref<8x!tpu.dma_semaphore, #tpu.memory_space<semaphore_mem>> -> memref<1x!tpu.dma_semaphore, #tpu.memory_space<semaphore_mem>>
        %dma_start3A_850 = tpu.memref_squeeze %dma_start3A_849 : memref<1x!tpu.dma_semaphore, #tpu.memory_space<semaphore_mem>> -> memref<!tpu.dma_semaphore, #tpu.memory_space<semaphore_mem>>
        %dma_start3A_851 = arith.constant 0 : i32
        %dma_start3A_852 = arith.constant 0 : i32
        %dma_start3A_853 = tpu.memref_slice %arg11[%arg1, %dma_start3A_847, %dma_start3A_851, %dma_start3A_852] : memref<16x4x128x128xf32, #tpu.memory_space<vmem_shared>> -> memref<1x1x128x128xf32, #tpu.memory_space<vmem_shared>>
        %dma_start3A_854 = tpu.memref_squeeze %dma_start3A_853 : memref<1x1x128x128xf32, #tpu.memory_space<vmem_shared>> -> memref<128x128xf32, #tpu.memory_space<vmem_shared>>
        %dma_start3A_855 = arith.constant 0 : i32
        %dma_start3A_856 = tpu.memref_slice %arg3[%add3A_846, %dma_start3A_855] : memref<524288x128xf32, #tpu.memory_space<hbm>> -> memref<128x128xf32, #tpu.memory_space<hbm>>
        tpu.enqueue_dma source(%dma_start3A_856 : memref<128x128xf32, #tpu.memory_space<hbm>>) target(%dma_start3A_854 : memref<128x128xf32, #tpu.memory_space<vmem_shared>>) target_semaphore(%dma_start3A_850 : memref<!tpu.dma_semaphore, #tpu.memory_space<semaphore_mem>>)
      } else {
      }
      %mul3A_602 = arith.constant 4 : i32
      %mul3A_603 = arith.muli %scan3A_371, %mul3A_602 : i32
      %add3A_604 = arith.constant 2 : i32
      %add3A_605 = arith.addi %mul3A_603, %add3A_604 : i32
      %mul3A_606 = arith.constant 128 : i32
      %mul3A_607 = arith.muli %add3A_605, %mul3A_606 : i32
      %add3A_608 = arith.addi %mul3A_71, %mul3A_607 : i32
      %multiple_of3A_609 = tpu.assume_multiple %add3A_608, 8 : i32
      %add3A_610 = arith.addi %multiple_of3A, %multiple_of3A_609 : i32
      %dma_wait3A_611 = arith.constant 0 : i32
      %dma_wait3A_612 = arith.constant 0 : i32
      %dma_wait3A_613 = arith.constant 0 : i32
      %dma_wait3A_614 = arith.constant 0 : i32
      %dma_wait3A_615 = tpu.memref_slice %arg10[%dma_wait3A_611, %dma_wait3A_613, %dma_wait3A_614] : memref<2x128x128xf32, #tpu.memory_space<vmem>> -> memref<1x128x128xf32, #tpu.memory_space<vmem>>
      %dma_wait3A_616 = tpu.memref_squeeze %dma_wait3A_615 : memref<1x128x128xf32, #tpu.memory_space<vmem>> -> memref<128x128xf32, #tpu.memory_space<vmem>>
      %dma_wait3A_617 = arith.constant 0 : i32
      %dma_wait3A_618 = tpu.memref_slice %arg2[%add3A_610, %dma_wait3A_617] : memref<524288x128xf32, #tpu.memory_space<hbm>> -> memref<128x128xf32, #tpu.memory_space<hbm>>
      %dma_wait3A_619 = tpu.memref_slice %arg13[%dma_wait3A_612] : memref<8x!tpu.dma_semaphore, #tpu.memory_space<semaphore_mem>> -> memref<1x!tpu.dma_semaphore, #tpu.memory_space<semaphore_mem>>
      %dma_wait3A_620 = tpu.memref_squeeze %dma_wait3A_619 : memref<1x!tpu.dma_semaphore, #tpu.memory_space<semaphore_mem>> -> memref<!tpu.dma_semaphore, #tpu.memory_space<semaphore_mem>>
      %dma_wait3A_621 = arith.constant 0 : i32
      %dma_wait3A_622 = arith.constant 0 : i32
      %dma_wait3A_623 = tpu.memref_slice %arg10[%dma_wait3A_611, %dma_wait3A_621, %dma_wait3A_622] : memref<2x128x128xf32, #tpu.memory_space<vmem>> -> memref<1x128x128xf32, #tpu.memory_space<vmem>>
      %dma_wait3A_624 = tpu.memref_squeeze %dma_wait3A_623 : memref<1x128x128xf32, #tpu.memory_space<vmem>> -> memref<128x128xf32, #tpu.memory_space<vmem>>
      %dma_wait3A_625 = arith.constant 0 : i32
      %dma_wait3A_626 = tpu.memref_slice %arg2[%add3A_610, %dma_wait3A_625] : memref<524288x128xf32, #tpu.memory_space<hbm>> -> memref<128x128xf32, #tpu.memory_space<hbm>>
      tpu.wait_dma2 semaphore(%dma_wait3A_620 : memref<!tpu.dma_semaphore, #tpu.memory_space<semaphore_mem>>) src(%dma_wait3A_626 : memref<128x128xf32, #tpu.memory_space<hbm>>) dst(%dma_wait3A_624 : memref<128x128xf32, #tpu.memory_space<vmem>>)
      %add3A_627 = arith.constant 0 : i32
      %add3A_628 = arith.addi %add3A_627, %select_n3A : i32
      %eq3A_629 = arith.cmpi eq, %add3A_605, %add3A_628 : i32
      %convert_element_type3A_630 = arith.extui %eq3A_629 : i1 to i32
      %cond3A_631 = arith.constant 0 : i32
      %cond3A_632 = arith.cmpi ne, %convert_element_type3A_630, %cond3A_631 : i32
      scf.if %cond3A_632 {
        %swap3A = arith.constant 0 : i32
        %swap3A_834 = arith.index_cast %swap3A : i32 to index
        %swap3A_835 = arith.index_cast %select_n3A_69 : i32 to index
        %swap3A_836 = arith.constant 0 : index
        %swap3A_837 = tpu.vector_load %arg10[%swap3A_834, %swap3A_835, %swap3A_836] {strides = array<i32>} : memref<2x128x128xf32, #tpu.memory_space<vmem>>, vector<1x1x16xf32>,
        %swap3A_838 = vector.shape_cast %swap3A_837 : vector<1x1x16xf32> to vector<16xf32>
        %swap3A_839 = vector.shape_cast %get3A_109 : vector<16xf32> to vector<1x1x16xf32>
        tpu.vector_store %arg10[%swap3A_834, %swap3A_835, %swap3A_836], %swap3A_839 {strides = array<i32>} : memref<2x128x128xf32, #tpu.memory_space<vmem>>, vector<1x1x16xf32>,
        %swap3A_840 = arith.constant 0 : i32
        %swap3A_841 = arith.index_cast %swap3A_840 : i32 to index
        %swap3A_842 = arith.index_cast %select_n3A_69 : i32 to index
        %swap3A_843 = arith.constant 16 : index
        %swap3A_844 = tpu.vector_load %arg10[%swap3A_841, %swap3A_842, %swap3A_843] {strides = array<i32>} : memref<2x128x128xf32, #tpu.memory_space<vmem>>, vector<1x1x16xf32>,
        %swap3A_845 = vector.shape_cast %swap3A_844 : vector<1x1x16xf32> to vector<16xf32>
        %swap3A_846 = vector.shape_cast %get3A_116 : vector<16xf32> to vector<1x1x16xf32>
        tpu.vector_store %arg10[%swap3A_841, %swap3A_842, %swap3A_843], %swap3A_846 {strides = array<i32>} : memref<2x128x128xf32, #tpu.memory_space<vmem>>, vector<1x1x16xf32>,
        %swap3A_847 = arith.constant 0 : i32
        %swap3A_848 = arith.index_cast %swap3A_847 : i32 to index
        %swap3A_849 = arith.index_cast %select_n3A_69 : i32 to index
        %swap3A_850 = arith.constant 32 : index
        %swap3A_851 = tpu.vector_load %arg10[%swap3A_848, %swap3A_849, %swap3A_850] {strides = array<i32>} : memref<2x128x128xf32, #tpu.memory_space<vmem>>, vector<1x1x16xf32>,
        %swap3A_852 = vector.shape_cast %swap3A_851 : vector<1x1x16xf32> to vector<16xf32>
        %swap3A_853 = vector.shape_cast %get3A_123 : vector<16xf32> to vector<1x1x16xf32>
        tpu.vector_store %arg10[%swap3A_848, %swap3A_849, %swap3A_850], %swap3A_853 {strides = array<i32>} : memref<2x128x128xf32, #tpu.memory_space<vmem>>, vector<1x1x16xf32>,
        %swap3A_854 = arith.constant 0 : i32
        %swap3A_855 = arith.index_cast %swap3A_854 : i32 to index
        %swap3A_856 = arith.index_cast %select_n3A_69 : i32 to index
        %swap3A_857 = arith.constant 48 : index
        %swap3A_858 = tpu.vector_load %arg10[%swap3A_855, %swap3A_856, %swap3A_857] {strides = array<i32>} : memref<2x128x128xf32, #tpu.memory_space<vmem>>, vector<1x1x16xf32>,
        %swap3A_859 = vector.shape_cast %swap3A_858 : vector<1x1x16xf32> to vector<16xf32>
        %swap3A_860 = vector.shape_cast %get3A_130 : vector<16xf32> to vector<1x1x16xf32>
        tpu.vector_store %arg10[%swap3A_855, %swap3A_856, %swap3A_857], %swap3A_860 {strides = array<i32>} : memref<2x128x128xf32, #tpu.memory_space<vmem>>, vector<1x1x16xf32>,
        %swap3A_861 = arith.constant 0 : i32
        %swap3A_862 = arith.index_cast %swap3A_861 : i32 to index
        %swap3A_863 = arith.index_cast %select_n3A_69 : i32 to index
        %swap3A_864 = arith.constant 64 : index
        %swap3A_865 = tpu.vector_load %arg10[%swap3A_862, %swap3A_863, %swap3A_864] {strides = array<i32>} : memref<2x128x128xf32, #tpu.memory_space<vmem>>, vector<1x1x16xf32>,
        %swap3A_866 = vector.shape_cast %swap3A_865 : vector<1x1x16xf32> to vector<16xf32>
        %swap3A_867 = vector.shape_cast %get3A_137 : vector<16xf32> to vector<1x1x16xf32>
        tpu.vector_store %arg10[%swap3A_862, %swap3A_863, %swap3A_864], %swap3A_867 {strides = array<i32>} : memref<2x128x128xf32, #tpu.memory_space<vmem>>, vector<1x1x16xf32>,
        %swap3A_868 = arith.constant 0 : i32
        %swap3A_869 = arith.index_cast %swap3A_868 : i32 to index
        %swap3A_870 = arith.index_cast %select_n3A_69 : i32 to index
        %swap3A_871 = arith.constant 80 : index
        %swap3A_872 = tpu.vector_load %arg10[%swap3A_869, %swap3A_870, %swap3A_871] {strides = array<i32>} : memref<2x128x128xf32, #tpu.memory_space<vmem>>, vector<1x1x16xf32>,
        %swap3A_873 = vector.shape_cast %swap3A_872 : vector<1x1x16xf32> to vector<16xf32>
        %swap3A_874 = vector.shape_cast %get3A_144 : vector<16xf32> to vector<1x1x16xf32>
        tpu.vector_store %arg10[%swap3A_869, %swap3A_870, %swap3A_871], %swap3A_874 {strides = array<i32>} : memref<2x128x128xf32, #tpu.memory_space<vmem>>, vector<1x1x16xf32>,
        %swap3A_875 = arith.constant 0 : i32
        %swap3A_876 = arith.index_cast %swap3A_875 : i32 to index
        %swap3A_877 = arith.index_cast %select_n3A_69 : i32 to index
        %swap3A_878 = arith.constant 96 : index
        %swap3A_879 = tpu.vector_load %arg10[%swap3A_876, %swap3A_877, %swap3A_878] {strides = array<i32>} : memref<2x128x128xf32, #tpu.memory_space<vmem>>, vector<1x1x16xf32>,
        %swap3A_880 = vector.shape_cast %swap3A_879 : vector<1x1x16xf32> to vector<16xf32>
        %swap3A_881 = vector.shape_cast %get3A_151 : vector<16xf32> to vector<1x1x16xf32>
        tpu.vector_store %arg10[%swap3A_876, %swap3A_877, %swap3A_878], %swap3A_881 {strides = array<i32>} : memref<2x128x128xf32, #tpu.memory_space<vmem>>, vector<1x1x16xf32>,
        %swap3A_882 = arith.constant 0 : i32
        %swap3A_883 = arith.index_cast %swap3A_882 : i32 to index
        %swap3A_884 = arith.index_cast %select_n3A_69 : i32 to index
        %swap3A_885 = arith.constant 112 : index
        %swap3A_886 = tpu.vector_load %arg10[%swap3A_883, %swap3A_884, %swap3A_885] {strides = array<i32>} : memref<2x128x128xf32, #tpu.memory_space<vmem>>, vector<1x1x16xf32>,
        %swap3A_887 = vector.shape_cast %swap3A_886 : vector<1x1x16xf32> to vector<16xf32>
        %swap3A_888 = vector.shape_cast %get3A_158 : vector<16xf32> to vector<1x1x16xf32>
        tpu.vector_store %arg10[%swap3A_883, %swap3A_884, %swap3A_885], %swap3A_888 {strides = array<i32>} : memref<2x128x128xf32, #tpu.memory_space<vmem>>, vector<1x1x16xf32>,
      } else {
      }
      %add3A_633 = arith.constant 16 : i32
      %add3A_634 = arith.addi %add3A_633, %select_n3A : i32
      %eq3A_635 = arith.cmpi eq, %add3A_605, %add3A_634 : i32
      %convert_element_type3A_636 = arith.extui %eq3A_635 : i1 to i32
      %cond3A_637 = arith.constant 0 : i32
      %cond3A_638 = arith.cmpi ne, %convert_element_type3A_636, %cond3A_637 : i32
      scf.if %cond3A_638 {
        %swap3A = arith.constant 0 : i32
        %swap3A_834 = arith.index_cast %swap3A : i32 to index
        %swap3A_835 = arith.index_cast %select_n3A_69 : i32 to index
        %swap3A_836 = arith.constant 0 : index
        %swap3A_837 = tpu.vector_load %arg10[%swap3A_834, %swap3A_835, %swap3A_836] {strides = array<i32>} : memref<2x128x128xf32, #tpu.memory_space<vmem>>, vector<1x1x16xf32>,
        %swap3A_838 = vector.shape_cast %swap3A_837 : vector<1x1x16xf32> to vector<16xf32>
        %swap3A_839 = vector.shape_cast %get3A_165 : vector<16xf32> to vector<1x1x16xf32>
        tpu.vector_store %arg10[%swap3A_834, %swap3A_835, %swap3A_836], %swap3A_839 {strides = array<i32>} : memref<2x128x128xf32, #tpu.memory_space<vmem>>, vector<1x1x16xf32>,
        %swap3A_840 = arith.constant 0 : i32
        %swap3A_841 = arith.index_cast %swap3A_840 : i32 to index
        %swap3A_842 = arith.index_cast %select_n3A_69 : i32 to index
        %swap3A_843 = arith.constant 16 : index
        %swap3A_844 = tpu.vector_load %arg10[%swap3A_841, %swap3A_842, %swap3A_843] {strides = array<i32>} : memref<2x128x128xf32, #tpu.memory_space<vmem>>, vector<1x1x16xf32>,
        %swap3A_845 = vector.shape_cast %swap3A_844 : vector<1x1x16xf32> to vector<16xf32>
        %swap3A_846 = vector.shape_cast %get3A_172 : vector<16xf32> to vector<1x1x16xf32>
        tpu.vector_store %arg10[%swap3A_841, %swap3A_842, %swap3A_843], %swap3A_846 {strides = array<i32>} : memref<2x128x128xf32, #tpu.memory_space<vmem>>, vector<1x1x16xf32>,
        %swap3A_847 = arith.constant 0 : i32
        %swap3A_848 = arith.index_cast %swap3A_847 : i32 to index
        %swap3A_849 = arith.index_cast %select_n3A_69 : i32 to index
        %swap3A_850 = arith.constant 32 : index
        %swap3A_851 = tpu.vector_load %arg10[%swap3A_848, %swap3A_849, %swap3A_850] {strides = array<i32>} : memref<2x128x128xf32, #tpu.memory_space<vmem>>, vector<1x1x16xf32>,
        %swap3A_852 = vector.shape_cast %swap3A_851 : vector<1x1x16xf32> to vector<16xf32>
        %swap3A_853 = vector.shape_cast %get3A_179 : vector<16xf32> to vector<1x1x16xf32>
        tpu.vector_store %arg10[%swap3A_848, %swap3A_849, %swap3A_850], %swap3A_853 {strides = array<i32>} : memref<2x128x128xf32, #tpu.memory_space<vmem>>, vector<1x1x16xf32>,
        %swap3A_854 = arith.constant 0 : i32
        %swap3A_855 = arith.index_cast %swap3A_854 : i32 to index
        %swap3A_856 = arith.index_cast %select_n3A_69 : i32 to index
        %swap3A_857 = arith.constant 48 : index
        %swap3A_858 = tpu.vector_load %arg10[%swap3A_855, %swap3A_856, %swap3A_857] {strides = array<i32>} : memref<2x128x128xf32, #tpu.memory_space<vmem>>, vector<1x1x16xf32>,
        %swap3A_859 = vector.shape_cast %swap3A_858 : vector<1x1x16xf32> to vector<16xf32>
        %swap3A_860 = vector.shape_cast %get3A_186 : vector<16xf32> to vector<1x1x16xf32>
        tpu.vector_store %arg10[%swap3A_855, %swap3A_856, %swap3A_857], %swap3A_860 {strides = array<i32>} : memref<2x128x128xf32, #tpu.memory_space<vmem>>, vector<1x1x16xf32>,
        %swap3A_861 = arith.constant 0 : i32
        %swap3A_862 = arith.index_cast %swap3A_861 : i32 to index
        %swap3A_863 = arith.index_cast %select_n3A_69 : i32 to index
        %swap3A_864 = arith.constant 64 : index
        %swap3A_865 = tpu.vector_load %arg10[%swap3A_862, %swap3A_863, %swap3A_864] {strides = array<i32>} : memref<2x128x128xf32, #tpu.memory_space<vmem>>, vector<1x1x16xf32>,
        %swap3A_866 = vector.shape_cast %swap3A_865 : vector<1x1x16xf32> to vector<16xf32>
        %swap3A_867 = vector.shape_cast %get3A_193 : vector<16xf32> to vector<1x1x16xf32>
        tpu.vector_store %arg10[%swap3A_862, %swap3A_863, %swap3A_864], %swap3A_867 {strides = array<i32>} : memref<2x128x128xf32, #tpu.memory_space<vmem>>, vector<1x1x16xf32>,
        %swap3A_868 = arith.constant 0 : i32
        %swap3A_869 = arith.index_cast %swap3A_868 : i32 to index
        %swap3A_870 = arith.index_cast %select_n3A_69 : i32 to index
        %swap3A_871 = arith.constant 80 : index
        %swap3A_872 = tpu.vector_load %arg10[%swap3A_869, %swap3A_870, %swap3A_871] {strides = array<i32>} : memref<2x128x128xf32, #tpu.memory_space<vmem>>, vector<1x1x16xf32>,
        %swap3A_873 = vector.shape_cast %swap3A_872 : vector<1x1x16xf32> to vector<16xf32>
        %swap3A_874 = vector.shape_cast %get3A_200 : vector<16xf32> to vector<1x1x16xf32>
        tpu.vector_store %arg10[%swap3A_869, %swap3A_870, %swap3A_871], %swap3A_874 {strides = array<i32>} : memref<2x128x128xf32, #tpu.memory_space<vmem>>, vector<1x1x16xf32>,
        %swap3A_875 = arith.constant 0 : i32
        %swap3A_876 = arith.index_cast %swap3A_875 : i32 to index
        %swap3A_877 = arith.index_cast %select_n3A_69 : i32 to index
        %swap3A_878 = arith.constant 96 : index
        %swap3A_879 = tpu.vector_load %arg10[%swap3A_876, %swap3A_877, %swap3A_878] {strides = array<i32>} : memref<2x128x128xf32, #tpu.memory_space<vmem>>, vector<1x1x16xf32>,
        %swap3A_880 = vector.shape_cast %swap3A_879 : vector<1x1x16xf32> to vector<16xf32>
        %swap3A_881 = vector.shape_cast %get3A_207 : vector<16xf32> to vector<1x1x16xf32>
        tpu.vector_store %arg10[%swap3A_876, %swap3A_877, %swap3A_878], %swap3A_881 {strides = array<i32>} : memref<2x128x128xf32, #tpu.memory_space<vmem>>, vector<1x1x16xf32>,
        %swap3A_882 = arith.constant 0 : i32
        %swap3A_883 = arith.index_cast %swap3A_882 : i32 to index
        %swap3A_884 = arith.index_cast %select_n3A_69 : i32 to index
        %swap3A_885 = arith.constant 112 : index
        %swap3A_886 = tpu.vector_load %arg10[%swap3A_883, %swap3A_884, %swap3A_885] {strides = array<i32>} : memref<2x128x128xf32, #tpu.memory_space<vmem>>, vector<1x1x16xf32>,
        %swap3A_887 = vector.shape_cast %swap3A_886 : vector<1x1x16xf32> to vector<16xf32>
        %swap3A_888 = vector.shape_cast %get3A_214 : vector<16xf32> to vector<1x1x16xf32>
        tpu.vector_store %arg10[%swap3A_883, %swap3A_884, %swap3A_885], %swap3A_888 {strides = array<i32>} : memref<2x128x128xf32, #tpu.memory_space<vmem>>, vector<1x1x16xf32>,
      } else {
      }
      %mul3A_639 = arith.constant 128 : i32
      %mul3A_640 = arith.muli %add3A_605, %mul3A_639 : i32
      %add3A_641 = arith.addi %mul3A_71, %mul3A_640 : i32
      %multiple_of3A_642 = tpu.assume_multiple %add3A_641, 8 : i32
      %dma_start3A_643 = arith.constant 0 : i32
      %dma_start3A_644 = arith.constant 0 : i32
      %dma_start3A_645 = arith.constant 0 : i32
      %dma_start3A_646 = arith.constant 0 : i32
      %dma_start3A_647 = tpu.memref_slice %arg10[%dma_start3A_643, %dma_start3A_645, %dma_start3A_646] : memref<2x128x128xf32, #tpu.memory_space<vmem>> -> memref<1x128x128xf32, #tpu.memory_space<vmem>>
      %dma_start3A_648 = tpu.memref_squeeze %dma_start3A_647 : memref<1x128x128xf32, #tpu.memory_space<vmem>> -> memref<128x128xf32, #tpu.memory_space<vmem>>
      %dma_start3A_649 = arith.constant 0 : i32
      %dma_start3A_650 = tpu.memref_slice %arg7[%multiple_of3A_642, %dma_start3A_649] : memref<131072x128xf32, #tpu.memory_space<hbm>> -> memref<128x128xf32, #tpu.memory_space<hbm>>
      %dma_start3A_651 = tpu.memref_slice %arg14[%dma_start3A_644] : memref<8x!tpu.dma_semaphore, #tpu.memory_space<semaphore_mem>> -> memref<1x!tpu.dma_semaphore, #tpu.memory_space<semaphore_mem>>
      %dma_start3A_652 = tpu.memref_squeeze %dma_start3A_651 : memref<1x!tpu.dma_semaphore, #tpu.memory_space<semaphore_mem>> -> memref<!tpu.dma_semaphore, #tpu.memory_space<semaphore_mem>>
      %dma_start3A_653 = arith.constant 0 : i32
      %dma_start3A_654 = tpu.memref_slice %arg7[%multiple_of3A_642, %dma_start3A_653] : memref<131072x128xf32, #tpu.memory_space<hbm>> -> memref<128x128xf32, #tpu.memory_space<hbm>>
      %dma_start3A_655 = arith.constant 0 : i32
      %dma_start3A_656 = arith.constant 0 : i32
      %dma_start3A_657 = tpu.memref_slice %arg10[%dma_start3A_643, %dma_start3A_655, %dma_start3A_656] : memref<2x128x128xf32, #tpu.memory_space<vmem>> -> memref<1x128x128xf32, #tpu.memory_space<vmem>>
      %dma_start3A_658 = tpu.memref_squeeze %dma_start3A_657 : memref<1x128x128xf32, #tpu.memory_space<vmem>> -> memref<128x128xf32, #tpu.memory_space<vmem>>
      tpu.enqueue_dma source(%dma_start3A_658 : memref<128x128xf32, #tpu.memory_space<vmem>>) target(%dma_start3A_654 : memref<128x128xf32, #tpu.memory_space<hbm>>) target_semaphore(%dma_start3A_652 : memref<!tpu.dma_semaphore, #tpu.memory_space<semaphore_mem>>)
      %add3A_659 = arith.constant 2 : i32
      %add3A_660 = arith.addi %add3A_605, %add3A_659 : i32
      %sub3A_661 = arith.constant 1 : i32
      %sub3A_662 = arith.subi %add3A_660, %sub3A_661 : i32
      %lt3A_663 = arith.constant 32 : i32
      %lt3A_664 = arith.cmpi slt, %sub3A_662, %lt3A_663 : i32
      %convert_element_type3A_665 = arith.extui %lt3A_664 : i1 to i32
      %cond3A_666 = arith.constant 0 : i32
      %cond3A_667 = arith.cmpi ne, %convert_element_type3A_665, %cond3A_666 : i32
      scf.if %cond3A_667 {
        %ge3A = arith.constant 1 : i32
        %ge3A_834 = arith.cmpi sge, %add3A_605, %ge3A : i32
        %convert_element_type3A_835 = arith.extui %ge3A_834 : i1 to i32
        %cond3A_836 = arith.constant 0 : i32
        %cond3A_837 = arith.cmpi ne, %convert_element_type3A_835, %cond3A_836 : i32
        scf.if %cond3A_837 {
          %sub3A_863 = arith.constant 1 : i32
          %sub3A_864 = arith.subi %add3A_605, %sub3A_863 : i32
          %mul3A_865 = arith.constant 128 : i32
          %mul3A_866 = arith.muli %sub3A_864, %mul3A_865 : i32
          %add3A_867 = arith.addi %mul3A_71, %mul3A_866 : i32
          %multiple_of3A_868 = tpu.assume_multiple %add3A_867, 8 : i32
          %dma_wait3A_869 = arith.constant 1 : i32
          %dma_wait3A_870 = arith.constant 1 : i32
          %dma_wait3A_871 = arith.constant 0 : i32
          %dma_wait3A_872 = arith.constant 0 : i32
          %dma_wait3A_873 = tpu.memref_slice %arg10[%dma_wait3A_869, %dma_wait3A_871, %dma_wait3A_872] : memref<2x128x128xf32, #tpu.memory_space<vmem>> -> memref<1x128x128xf32, #tpu.memory_space<vmem>>
          %dma_wait3A_874 = tpu.memref_squeeze %dma_wait3A_873 : memref<1x128x128xf32, #tpu.memory_space<vmem>> -> memref<128x128xf32, #tpu.memory_space<vmem>>
          %dma_wait3A_875 = arith.constant 0 : i32
          %dma_wait3A_876 = tpu.memref_slice %arg7[%multiple_of3A_868, %dma_wait3A_875] : memref<131072x128xf32, #tpu.memory_space<hbm>> -> memref<128x128xf32, #tpu.memory_space<hbm>>
          %dma_wait3A_877 = tpu.memref_slice %arg14[%dma_wait3A_870] : memref<8x!tpu.dma_semaphore, #tpu.memory_space<semaphore_mem>> -> memref<1x!tpu.dma_semaphore, #tpu.memory_space<semaphore_mem>>
          %dma_wait3A_878 = tpu.memref_squeeze %dma_wait3A_877 : memref<1x!tpu.dma_semaphore, #tpu.memory_space<semaphore_mem>> -> memref<!tpu.dma_semaphore, #tpu.memory_space<semaphore_mem>>
          %dma_wait3A_879 = arith.constant 0 : i32
          %dma_wait3A_880 = tpu.memref_slice %arg7[%multiple_of3A_868, %dma_wait3A_879] : memref<131072x128xf32, #tpu.memory_space<hbm>> -> memref<128x128xf32, #tpu.memory_space<hbm>>
          %dma_wait3A_881 = arith.constant 0 : i32
          %dma_wait3A_882 = arith.constant 0 : i32
          %dma_wait3A_883 = tpu.memref_slice %arg10[%dma_wait3A_869, %dma_wait3A_881, %dma_wait3A_882] : memref<2x128x128xf32, #tpu.memory_space<vmem>> -> memref<1x128x128xf32, #tpu.memory_space<vmem>>
          %dma_wait3A_884 = tpu.memref_squeeze %dma_wait3A_883 : memref<1x128x128xf32, #tpu.memory_space<vmem>> -> memref<128x128xf32, #tpu.memory_space<vmem>>
          tpu.wait_dma2 semaphore(%dma_wait3A_878 : memref<!tpu.dma_semaphore, #tpu.memory_space<semaphore_mem>>) src(%dma_wait3A_884 : memref<128x128xf32, #tpu.memory_space<vmem>>) dst(%dma_wait3A_880 : memref<128x128xf32, #tpu.memory_space<hbm>>)
        } else {
        }
        %add3A_838 = arith.constant 2 : i32
        %add3A_839 = arith.addi %add3A_605, %add3A_838 : i32
        %sub3A_840 = arith.constant 1 : i32
        %sub3A_841 = arith.subi %add3A_839, %sub3A_840 : i32
        %mul3A_842 = arith.constant 128 : i32
        %mul3A_843 = arith.muli %sub3A_841, %mul3A_842 : i32
        %add3A_844 = arith.addi %mul3A_71, %mul3A_843 : i32
        %multiple_of3A_845 = tpu.assume_multiple %add3A_844, 8 : i32
        %add3A_846 = arith.addi %multiple_of3A, %multiple_of3A_845 : i32
        %dma_start3A_847 = arith.constant 1 : i32
        %dma_start3A_848 = arith.constant 1 : i32
        %dma_start3A_849 = arith.constant 0 : i32
        %dma_start3A_850 = arith.constant 0 : i32
        %dma_start3A_851 = tpu.memref_slice %arg10[%dma_start3A_847, %dma_start3A_849, %dma_start3A_850] : memref<2x128x128xf32, #tpu.memory_space<vmem>> -> memref<1x128x128xf32, #tpu.memory_space<vmem>>
        %dma_start3A_852 = tpu.memref_squeeze %dma_start3A_851 : memref<1x128x128xf32, #tpu.memory_space<vmem>> -> memref<128x128xf32, #tpu.memory_space<vmem>>
        %dma_start3A_853 = arith.constant 0 : i32
        %dma_start3A_854 = tpu.memref_slice %arg2[%add3A_846, %dma_start3A_853] : memref<524288x128xf32, #tpu.memory_space<hbm>> -> memref<128x128xf32, #tpu.memory_space<hbm>>
        %dma_start3A_855 = tpu.memref_slice %arg13[%dma_start3A_848] : memref<8x!tpu.dma_semaphore, #tpu.memory_space<semaphore_mem>> -> memref<1x!tpu.dma_semaphore, #tpu.memory_space<semaphore_mem>>
        %dma_start3A_856 = tpu.memref_squeeze %dma_start3A_855 : memref<1x!tpu.dma_semaphore, #tpu.memory_space<semaphore_mem>> -> memref<!tpu.dma_semaphore, #tpu.memory_space<semaphore_mem>>
        %dma_start3A_857 = arith.constant 0 : i32
        %dma_start3A_858 = arith.constant 0 : i32
        %dma_start3A_859 = tpu.memref_slice %arg10[%dma_start3A_847, %dma_start3A_857, %dma_start3A_858] : memref<2x128x128xf32, #tpu.memory_space<vmem>> -> memref<1x128x128xf32, #tpu.memory_space<vmem>>
        %dma_start3A_860 = tpu.memref_squeeze %dma_start3A_859 : memref<1x128x128xf32, #tpu.memory_space<vmem>> -> memref<128x128xf32, #tpu.memory_space<vmem>>
        %dma_start3A_861 = arith.constant 0 : i32
        %dma_start3A_862 = tpu.memref_slice %arg2[%add3A_846, %dma_start3A_861] : memref<524288x128xf32, #tpu.memory_space<hbm>> -> memref<128x128xf32, #tpu.memory_space<hbm>>
        tpu.enqueue_dma source(%dma_start3A_862 : memref<128x128xf32, #tpu.memory_space<hbm>>) target(%dma_start3A_860 : memref<128x128xf32, #tpu.memory_space<vmem>>) target_semaphore(%dma_start3A_856 : memref<!tpu.dma_semaphore, #tpu.memory_space<semaphore_mem>>)
      } else {
      }
      %mul3A_668 = arith.constant 128 : i32
      %mul3A_669 = arith.muli %add3A_605, %mul3A_668 : i32
      %add3A_670 = arith.addi %mul3A_71, %mul3A_669 : i32
      %multiple_of3A_671 = tpu.assume_multiple %add3A_670, 8 : i32
      %add3A_672 = arith.addi %multiple_of3A, %multiple_of3A_671 : i32
      %dma_wait3A_673 = arith.constant 2 : i32
      %dma_wait3A_674 = arith.constant 6 : i32
      %dma_wait3A_675 = tpu.memref_slice %arg13[%dma_wait3A_674] : memref<8x!tpu.dma_semaphore, #tpu.memory_space<semaphore_mem>> -> memref<1x!tpu.dma_semaphore, #tpu.memory_space<semaphore_mem>>
      %dma_wait3A_676 = tpu.memref_squeeze %dma_wait3A_675 : memref<1x!tpu.dma_semaphore, #tpu.memory_space<semaphore_mem>> -> memref<!tpu.dma_semaphore, #tpu.memory_space<semaphore_mem>>
      %dma_wait3A_677 = arith.constant 0 : i32
      %dma_wait3A_678 = arith.constant 0 : i32
      %dma_wait3A_679 = tpu.memref_slice %arg11[%arg1, %dma_wait3A_673, %dma_wait3A_677, %dma_wait3A_678] : memref<16x4x128x128xf32, #tpu.memory_space<vmem_shared>> -> memref<1x1x128x128xf32, #tpu.memory_space<vmem_shared>>
      %dma_wait3A_680 = tpu.memref_squeeze %dma_wait3A_679 : memref<1x1x128x128xf32, #tpu.memory_space<vmem_shared>> -> memref<128x128xf32, #tpu.memory_space<vmem_shared>>
      %dma_wait3A_681 = arith.constant 0 : i32
      %dma_wait3A_682 = tpu.memref_slice %arg3[%add3A_672, %dma_wait3A_681] : memref<524288x128xf32, #tpu.memory_space<hbm>> -> memref<128x128xf32, #tpu.memory_space<hbm>>
      tpu.wait_dma2 semaphore(%dma_wait3A_676 : memref<!tpu.dma_semaphore, #tpu.memory_space<semaphore_mem>>) src(%dma_wait3A_682 : memref<128x128xf32, #tpu.memory_space<hbm>>) dst(%dma_wait3A_680 : memref<128x128xf32, #tpu.memory_space<vmem_shared>>)
      %add3A_683 = arith.constant 0 : i32
      %add3A_684 = arith.addi %add3A_683, %select_n3A : i32
      %eq3A_685 = arith.cmpi eq, %add3A_605, %add3A_684 : i32
      %convert_element_type3A_686 = arith.extui %eq3A_685 : i1 to i32
      %cond3A_687 = arith.constant 0 : i32
      %cond3A_688 = arith.cmpi ne, %convert_element_type3A_686, %cond3A_687 : i32
      scf.if %cond3A_688 {
        %run_scoped3A = arith.constant 1 : i32
        %run_scoped3A_834 = arith.constant 2 : i32
        "tpu.region"() ({
          %run_scoped3A_835 = tpu.sem_alloc : memref<!tpu.dma_semaphore, #tpu.memory_space<semaphore_mem>>
          %dma_start3A_836 = arith.constant 0 : i32
          %dma_start3A_837 = arith.constant 0 : i32
          %dma_start3A_838 = tpu.memref_slice %arg12[%run_scoped3A, %dma_start3A_836, %dma_start3A_837] : memref<2x2x128xf32, #tpu.memory_space<vmem>> -> memref<1x1x128xf32, #tpu.memory_space<vmem>>
          %dma_start3A_839 = tpu.memref_squeeze %dma_start3A_838 : memref<1x1x128xf32, #tpu.memory_space<vmem>> -> memref<1x128xf32, #tpu.memory_space<vmem>>
          %dma_start3A_840 = arith.constant 0 : i32
          %dma_start3A_841 = tpu.memref_slice %arg11[%arg1, %run_scoped3A_834, %select_n3A_69, %dma_start3A_840] : memref<16x4x128x128xf32, #tpu.memory_space<vmem_shared>> -> memref<1x1x1x128xf32, #tpu.memory_space<vmem_shared>>
          %dma_start3A_842 = tpu.memref_squeeze %dma_start3A_841 : memref<1x1x1x128xf32, #tpu.memory_space<vmem_shared>> -> memref<1x128xf32, #tpu.memory_space<vmem_shared>>
          %dma_start3A_843 = arith.constant 0 : i32
          %dma_start3A_844 = tpu.memref_slice %arg11[%arg1, %run_scoped3A_834, %select_n3A_69, %dma_start3A_843] : memref<16x4x128x128xf32, #tpu.memory_space<vmem_shared>> -> memref<1x1x1x128xf32, #tpu.memory_space<vmem_shared>>
          %dma_start3A_845 = tpu.memref_squeeze %dma_start3A_844 : memref<1x1x1x128xf32, #tpu.memory_space<vmem_shared>> -> memref<1x128xf32, #tpu.memory_space<vmem_shared>>
          %dma_start3A_846 = arith.constant 0 : i32
          %dma_start3A_847 = arith.constant 0 : i32
          %dma_start3A_848 = tpu.memref_slice %arg12[%run_scoped3A, %dma_start3A_846, %dma_start3A_847] : memref<2x2x128xf32, #tpu.memory_space<vmem>> -> memref<1x1x128xf32, #tpu.memory_space<vmem>>
          %dma_start3A_849 = tpu.memref_squeeze %dma_start3A_848 : memref<1x1x128xf32, #tpu.memory_space<vmem>> -> memref<1x128xf32, #tpu.memory_space<vmem>>
          tpu.enqueue_dma source(%dma_start3A_849 : memref<1x128xf32, #tpu.memory_space<vmem>>) target(%dma_start3A_845 : memref<1x128xf32, #tpu.memory_space<vmem_shared>>) target_semaphore(%run_scoped3A_835 : memref<!tpu.dma_semaphore, #tpu.memory_space<semaphore_mem>>)
          %dma_wait3A_850 = arith.constant 0 : i32
          %dma_wait3A_851 = arith.constant 0 : i32
          %dma_wait3A_852 = tpu.memref_slice %arg12[%run_scoped3A, %dma_wait3A_850, %dma_wait3A_851] : memref<2x2x128xf32, #tpu.memory_space<vmem>> -> memref<1x1x128xf32, #tpu.memory_space<vmem>>
          %dma_wait3A_853 = tpu.memref_squeeze %dma_wait3A_852 : memref<1x1x128xf32, #tpu.memory_space<vmem>> -> memref<1x128xf32, #tpu.memory_space<vmem>>
          %dma_wait3A_854 = arith.constant 0 : i32
          %dma_wait3A_855 = tpu.memref_slice %arg11[%arg1, %run_scoped3A_834, %select_n3A_69, %dma_wait3A_854] : memref<16x4x128x128xf32, #tpu.memory_space<vmem_shared>> -> memref<1x1x1x128xf32, #tpu.memory_space<vmem_shared>>
          %dma_wait3A_856 = tpu.memref_squeeze %dma_wait3A_855 : memref<1x1x1x128xf32, #tpu.memory_space<vmem_shared>> -> memref<1x128xf32, #tpu.memory_space<vmem_shared>>
          %dma_wait3A_857 = arith.constant 0 : i32
          %dma_wait3A_858 = tpu.memref_slice %arg11[%arg1, %run_scoped3A_834, %select_n3A_69, %dma_wait3A_857] : memref<16x4x128x128xf32, #tpu.memory_space<vmem_shared>> -> memref<1x1x1x128xf32, #tpu.memory_space<vmem_shared>>
          %dma_wait3A_859 = tpu.memref_squeeze %dma_wait3A_858 : memref<1x1x1x128xf32, #tpu.memory_space<vmem_shared>> -> memref<1x128xf32, #tpu.memory_space<vmem_shared>>
          %dma_wait3A_860 = arith.constant 0 : i32
          %dma_wait3A_861 = arith.constant 0 : i32
          %dma_wait3A_862 = tpu.memref_slice %arg12[%run_scoped3A, %dma_wait3A_860, %dma_wait3A_861] : memref<2x2x128xf32, #tpu.memory_space<vmem>> -> memref<1x1x128xf32, #tpu.memory_space<vmem>>
          %dma_wait3A_863 = tpu.memref_squeeze %dma_wait3A_862 : memref<1x1x128xf32, #tpu.memory_space<vmem>> -> memref<1x128xf32, #tpu.memory_space<vmem>>
          tpu.wait_dma2 semaphore(%run_scoped3A_835 : memref<!tpu.dma_semaphore, #tpu.memory_space<semaphore_mem>>) src(%dma_wait3A_863 : memref<1x128xf32, #tpu.memory_space<vmem>>) dst(%dma_wait3A_859 : memref<1x128xf32, #tpu.memory_space<vmem_shared>>)
          tpu.yield
        }) : () -> ()
      } else {
      }
      %add3A_689 = arith.constant 16 : i32
      %add3A_690 = arith.addi %add3A_689, %select_n3A : i32
      %eq3A_691 = arith.cmpi eq, %add3A_605, %add3A_690 : i32
      %convert_element_type3A_692 = arith.extui %eq3A_691 : i1 to i32
      %cond3A_693 = arith.constant 0 : i32
      %cond3A_694 = arith.cmpi ne, %convert_element_type3A_692, %cond3A_693 : i32
      scf.if %cond3A_694 {
        %run_scoped3A = arith.constant 1 : i32
        %run_scoped3A_834 = arith.constant 2 : i32
        "tpu.region"() ({
          %run_scoped3A_835 = tpu.sem_alloc : memref<!tpu.dma_semaphore, #tpu.memory_space<semaphore_mem>>
          %dma_start3A_836 = arith.constant 1 : i32
          %dma_start3A_837 = arith.constant 0 : i32
          %dma_start3A_838 = tpu.memref_slice %arg12[%run_scoped3A, %dma_start3A_836, %dma_start3A_837] : memref<2x2x128xf32, #tpu.memory_space<vmem>> -> memref<1x1x128xf32, #tpu.memory_space<vmem>>
          %dma_start3A_839 = tpu.memref_squeeze %dma_start3A_838 : memref<1x1x128xf32, #tpu.memory_space<vmem>> -> memref<1x128xf32, #tpu.memory_space<vmem>>
          %dma_start3A_840 = arith.constant 0 : i32
          %dma_start3A_841 = tpu.memref_slice %arg11[%arg1, %run_scoped3A_834, %select_n3A_69, %dma_start3A_840] : memref<16x4x128x128xf32, #tpu.memory_space<vmem_shared>> -> memref<1x1x1x128xf32, #tpu.memory_space<vmem_shared>>
          %dma_start3A_842 = tpu.memref_squeeze %dma_start3A_841 : memref<1x1x1x128xf32, #tpu.memory_space<vmem_shared>> -> memref<1x128xf32, #tpu.memory_space<vmem_shared>>
          %dma_start3A_843 = arith.constant 0 : i32
          %dma_start3A_844 = tpu.memref_slice %arg11[%arg1, %run_scoped3A_834, %select_n3A_69, %dma_start3A_843] : memref<16x4x128x128xf32, #tpu.memory_space<vmem_shared>> -> memref<1x1x1x128xf32, #tpu.memory_space<vmem_shared>>
          %dma_start3A_845 = tpu.memref_squeeze %dma_start3A_844 : memref<1x1x1x128xf32, #tpu.memory_space<vmem_shared>> -> memref<1x128xf32, #tpu.memory_space<vmem_shared>>
          %dma_start3A_846 = arith.constant 1 : i32
          %dma_start3A_847 = arith.constant 0 : i32
          %dma_start3A_848 = tpu.memref_slice %arg12[%run_scoped3A, %dma_start3A_846, %dma_start3A_847] : memref<2x2x128xf32, #tpu.memory_space<vmem>> -> memref<1x1x128xf32, #tpu.memory_space<vmem>>
          %dma_start3A_849 = tpu.memref_squeeze %dma_start3A_848 : memref<1x1x128xf32, #tpu.memory_space<vmem>> -> memref<1x128xf32, #tpu.memory_space<vmem>>
          tpu.enqueue_dma source(%dma_start3A_849 : memref<1x128xf32, #tpu.memory_space<vmem>>) target(%dma_start3A_845 : memref<1x128xf32, #tpu.memory_space<vmem_shared>>) target_semaphore(%run_scoped3A_835 : memref<!tpu.dma_semaphore, #tpu.memory_space<semaphore_mem>>)
          %dma_wait3A_850 = arith.constant 1 : i32
          %dma_wait3A_851 = arith.constant 0 : i32
          %dma_wait3A_852 = tpu.memref_slice %arg12[%run_scoped3A, %dma_wait3A_850, %dma_wait3A_851] : memref<2x2x128xf32, #tpu.memory_space<vmem>> -> memref<1x1x128xf32, #tpu.memory_space<vmem>>
          %dma_wait3A_853 = tpu.memref_squeeze %dma_wait3A_852 : memref<1x1x128xf32, #tpu.memory_space<vmem>> -> memref<1x128xf32, #tpu.memory_space<vmem>>
          %dma_wait3A_854 = arith.constant 0 : i32
          %dma_wait3A_855 = tpu.memref_slice %arg11[%arg1, %run_scoped3A_834, %select_n3A_69, %dma_wait3A_854] : memref<16x4x128x128xf32, #tpu.memory_space<vmem_shared>> -> memref<1x1x1x128xf32, #tpu.memory_space<vmem_shared>>
          %dma_wait3A_856 = tpu.memref_squeeze %dma_wait3A_855 : memref<1x1x1x128xf32, #tpu.memory_space<vmem_shared>> -> memref<1x128xf32, #tpu.memory_space<vmem_shared>>
          %dma_wait3A_857 = arith.constant 0 : i32
          %dma_wait3A_858 = tpu.memref_slice %arg11[%arg1, %run_scoped3A_834, %select_n3A_69, %dma_wait3A_857] : memref<16x4x128x128xf32, #tpu.memory_space<vmem_shared>> -> memref<1x1x1x128xf32, #tpu.memory_space<vmem_shared>>
          %dma_wait3A_859 = tpu.memref_squeeze %dma_wait3A_858 : memref<1x1x1x128xf32, #tpu.memory_space<vmem_shared>> -> memref<1x128xf32, #tpu.memory_space<vmem_shared>>
          %dma_wait3A_860 = arith.constant 1 : i32
          %dma_wait3A_861 = arith.constant 0 : i32
          %dma_wait3A_862 = tpu.memref_slice %arg12[%run_scoped3A, %dma_wait3A_860, %dma_wait3A_861] : memref<2x2x128xf32, #tpu.memory_space<vmem>> -> memref<1x1x128xf32, #tpu.memory_space<vmem>>
          %dma_wait3A_863 = tpu.memref_squeeze %dma_wait3A_862 : memref<1x1x128xf32, #tpu.memory_space<vmem>> -> memref<1x128xf32, #tpu.memory_space<vmem>>
          tpu.wait_dma2 semaphore(%run_scoped3A_835 : memref<!tpu.dma_semaphore, #tpu.memory_space<semaphore_mem>>) src(%dma_wait3A_863 : memref<1x128xf32, #tpu.memory_space<vmem>>) dst(%dma_wait3A_859 : memref<1x128xf32, #tpu.memory_space<vmem_shared>>)
          tpu.yield
        }) : () -> ()
      } else {
      }
      %mul3A_695 = arith.constant 128 : i32
      %mul3A_696 = arith.muli %add3A_605, %mul3A_695 : i32
      %add3A_697 = arith.addi %mul3A_71, %mul3A_696 : i32
      %multiple_of3A_698 = tpu.assume_multiple %add3A_697, 8 : i32
      %dma_start3A_699 = arith.constant 2 : i32
      %dma_start3A_700 = arith.constant 6 : i32
      %dma_start3A_701 = tpu.memref_slice %arg14[%dma_start3A_700] : memref<8x!tpu.dma_semaphore, #tpu.memory_space<semaphore_mem>> -> memref<1x!tpu.dma_semaphore, #tpu.memory_space<semaphore_mem>>
      %dma_start3A_702 = tpu.memref_squeeze %dma_start3A_701 : memref<1x!tpu.dma_semaphore, #tpu.memory_space<semaphore_mem>> -> memref<!tpu.dma_semaphore, #tpu.memory_space<semaphore_mem>>
      %dma_start3A_703 = arith.constant 0 : i32
      %dma_start3A_704 = tpu.memref_slice %arg8[%multiple_of3A_698, %dma_start3A_703] : memref<131072x128xf32, #tpu.memory_space<hbm>> -> memref<128x128xf32, #tpu.memory_space<hbm>>
      %dma_start3A_705 = arith.constant 0 : i32
      %dma_start3A_706 = arith.constant 0 : i32
      %dma_start3A_707 = tpu.memref_slice %arg11[%arg1, %dma_start3A_699, %dma_start3A_705, %dma_start3A_706] : memref<16x4x128x128xf32, #tpu.memory_space<vmem_shared>> -> memref<1x1x128x128xf32, #tpu.memory_space<vmem_shared>>
      %dma_start3A_708 = tpu.memref_squeeze %dma_start3A_707 : memref<1x1x128x128xf32, #tpu.memory_space<vmem_shared>> -> memref<128x128xf32, #tpu.memory_space<vmem_shared>>
      tpu.enqueue_dma source(%dma_start3A_708 : memref<128x128xf32, #tpu.memory_space<vmem_shared>>) target(%dma_start3A_704 : memref<128x128xf32, #tpu.memory_space<hbm>>) target_semaphore(%dma_start3A_702 : memref<!tpu.dma_semaphore, #tpu.memory_space<semaphore_mem>>)
      %add3A_709 = arith.constant 4 : i32
      %add3A_710 = arith.addi %add3A_605, %add3A_709 : i32
      %sub3A_711 = arith.constant 1 : i32
      %sub3A_712 = arith.subi %add3A_710, %sub3A_711 : i32
      %lt3A_713 = arith.constant 32 : i32
      %lt3A_714 = arith.cmpi slt, %sub3A_712, %lt3A_713 : i32
      %convert_element_type3A_715 = arith.extui %lt3A_714 : i1 to i32
      %cond3A_716 = arith.constant 0 : i32
      %cond3A_717 = arith.cmpi ne, %convert_element_type3A_715, %cond3A_716 : i32
      scf.if %cond3A_717 {
        %ge3A = arith.constant 1 : i32
        %ge3A_834 = arith.cmpi sge, %add3A_605, %ge3A : i32
        %convert_element_type3A_835 = arith.extui %ge3A_834 : i1 to i32
        %cond3A_836 = arith.constant 0 : i32
        %cond3A_837 = arith.cmpi ne, %convert_element_type3A_835, %cond3A_836 : i32
        scf.if %cond3A_837 {
          %sub3A_857 = arith.constant 1 : i32
          %sub3A_858 = arith.subi %add3A_605, %sub3A_857 : i32
          %mul3A_859 = arith.constant 128 : i32
          %mul3A_860 = arith.muli %sub3A_858, %mul3A_859 : i32
          %add3A_861 = arith.addi %mul3A_71, %mul3A_860 : i32
          %multiple_of3A_862 = tpu.assume_multiple %add3A_861, 8 : i32
          %dma_wait3A_863 = arith.constant 1 : i32
          %dma_wait3A_864 = arith.constant 5 : i32
          %dma_wait3A_865 = tpu.memref_slice %arg14[%dma_wait3A_864] : memref<8x!tpu.dma_semaphore, #tpu.memory_space<semaphore_mem>> -> memref<1x!tpu.dma_semaphore, #tpu.memory_space<semaphore_mem>>
          %dma_wait3A_866 = tpu.memref_squeeze %dma_wait3A_865 : memref<1x!tpu.dma_semaphore, #tpu.memory_space<semaphore_mem>> -> memref<!tpu.dma_semaphore, #tpu.memory_space<semaphore_mem>>
          %dma_wait3A_867 = arith.constant 0 : i32
          %dma_wait3A_868 = tpu.memref_slice %arg8[%multiple_of3A_862, %dma_wait3A_867] : memref<131072x128xf32, #tpu.memory_space<hbm>> -> memref<128x128xf32, #tpu.memory_space<hbm>>
          %dma_wait3A_869 = arith.constant 0 : i32
          %dma_wait3A_870 = arith.constant 0 : i32
          %dma_wait3A_871 = tpu.memref_slice %arg11[%arg1, %dma_wait3A_863, %dma_wait3A_869, %dma_wait3A_870] : memref<16x4x128x128xf32, #tpu.memory_space<vmem_shared>> -> memref<1x1x128x128xf32, #tpu.memory_space<vmem_shared>>
          %dma_wait3A_872 = tpu.memref_squeeze %dma_wait3A_871 : memref<1x1x128x128xf32, #tpu.memory_space<vmem_shared>> -> memref<128x128xf32, #tpu.memory_space<vmem_shared>>
          tpu.wait_dma2 semaphore(%dma_wait3A_866 : memref<!tpu.dma_semaphore, #tpu.memory_space<semaphore_mem>>) src(%dma_wait3A_872 : memref<128x128xf32, #tpu.memory_space<vmem_shared>>) dst(%dma_wait3A_868 : memref<128x128xf32, #tpu.memory_space<hbm>>)
        } else {
        }
        %add3A_838 = arith.constant 4 : i32
        %add3A_839 = arith.addi %add3A_605, %add3A_838 : i32
        %sub3A_840 = arith.constant 1 : i32
        %sub3A_841 = arith.subi %add3A_839, %sub3A_840 : i32
        %mul3A_842 = arith.constant 128 : i32
        %mul3A_843 = arith.muli %sub3A_841, %mul3A_842 : i32
        %add3A_844 = arith.addi %mul3A_71, %mul3A_843 : i32
        %multiple_of3A_845 = tpu.assume_multiple %add3A_844, 8 : i32
        %add3A_846 = arith.addi %multiple_of3A, %multiple_of3A_845 : i32
        %dma_start3A_847 = arith.constant 1 : i32
        %dma_start3A_848 = arith.constant 5 : i32
        %dma_start3A_849 = tpu.memref_slice %arg13[%dma_start3A_848] : memref<8x!tpu.dma_semaphore, #tpu.memory_space<semaphore_mem>> -> memref<1x!tpu.dma_semaphore, #tpu.memory_space<semaphore_mem>>
        %dma_start3A_850 = tpu.memref_squeeze %dma_start3A_849 : memref<1x!tpu.dma_semaphore, #tpu.memory_space<semaphore_mem>> -> memref<!tpu.dma_semaphore, #tpu.memory_space<semaphore_mem>>
        %dma_start3A_851 = arith.constant 0 : i32
        %dma_start3A_852 = arith.constant 0 : i32
        %dma_start3A_853 = tpu.memref_slice %arg11[%arg1, %dma_start3A_847, %dma_start3A_851, %dma_start3A_852] : memref<16x4x128x128xf32, #tpu.memory_space<vmem_shared>> -> memref<1x1x128x128xf32, #tpu.memory_space<vmem_shared>>
        %dma_start3A_854 = tpu.memref_squeeze %dma_start3A_853 : memref<1x1x128x128xf32, #tpu.memory_space<vmem_shared>> -> memref<128x128xf32, #tpu.memory_space<vmem_shared>>
        %dma_start3A_855 = arith.constant 0 : i32
        %dma_start3A_856 = tpu.memref_slice %arg3[%add3A_846, %dma_start3A_855] : memref<524288x128xf32, #tpu.memory_space<hbm>> -> memref<128x128xf32, #tpu.memory_space<hbm>>
        tpu.enqueue_dma source(%dma_start3A_856 : memref<128x128xf32, #tpu.memory_space<hbm>>) target(%dma_start3A_854 : memref<128x128xf32, #tpu.memory_space<vmem_shared>>) target_semaphore(%dma_start3A_850 : memref<!tpu.dma_semaphore, #tpu.memory_space<semaphore_mem>>)
      } else {
      }
      %mul3A_718 = arith.constant 4 : i32
      %mul3A_719 = arith.muli %scan3A_371, %mul3A_718 : i32
      %add3A_720 = arith.constant 3 : i32
      %add3A_721 = arith.addi %mul3A_719, %add3A_720 : i32
      %mul3A_722 = arith.constant 128 : i32
      %mul3A_723 = arith.muli %add3A_721, %mul3A_722 : i32
      %add3A_724 = arith.addi %mul3A_71, %mul3A_723 : i32
      %multiple_of3A_725 = tpu.assume_multiple %add3A_724, 8 : i32
      %add3A_726 = arith.addi %multiple_of3A, %multiple_of3A_725 : i32
      %dma_wait3A_727 = arith.constant 1 : i32
      %dma_wait3A_728 = arith.constant 1 : i32
      %dma_wait3A_729 = arith.constant 0 : i32
      %dma_wait3A_730 = arith.constant 0 : i32
      %dma_wait3A_731 = tpu.memref_slice %arg10[%dma_wait3A_727, %dma_wait3A_729, %dma_wait3A_730] : memref<2x128x128xf32, #tpu.memory_space<vmem>> -> memref<1x128x128xf32, #tpu.memory_space<vmem>>
      %dma_wait3A_732 = tpu.memref_squeeze %dma_wait3A_731 : memref<1x128x128xf32, #tpu.memory_space<vmem>> -> memref<128x128xf32, #tpu.memory_space<vmem>>
      %dma_wait3A_733 = arith.constant 0 : i32
      %dma_wait3A_734 = tpu.memref_slice %arg2[%add3A_726, %dma_wait3A_733] : memref<524288x128xf32, #tpu.memory_space<hbm>> -> memref<128x128xf32, #tpu.memory_space<hbm>>
      %dma_wait3A_735 = tpu.memref_slice %arg13[%dma_wait3A_728] : memref<8x!tpu.dma_semaphore, #tpu.memory_space<semaphore_mem>> -> memref<1x!tpu.dma_semaphore, #tpu.memory_space<semaphore_mem>>
      %dma_wait3A_736 = tpu.memref_squeeze %dma_wait3A_735 : memref<1x!tpu.dma_semaphore, #tpu.memory_space<semaphore_mem>> -> memref<!tpu.dma_semaphore, #tpu.memory_space<semaphore_mem>>
      %dma_wait3A_737 = arith.constant 0 : i32
      %dma_wait3A_738 = arith.constant 0 : i32
      %dma_wait3A_739 = tpu.memref_slice %arg10[%dma_wait3A_727, %dma_wait3A_737, %dma_wait3A_738] : memref<2x128x128xf32, #tpu.memory_space<vmem>> -> memref<1x128x128xf32, #tpu.memory_space<vmem>>
      %dma_wait3A_740 = tpu.memref_squeeze %dma_wait3A_739 : memref<1x128x128xf32, #tpu.memory_space<vmem>> -> memref<128x128xf32, #tpu.memory_space<vmem>>
      %dma_wait3A_741 = arith.constant 0 : i32
      %dma_wait3A_742 = tpu.memref_slice %arg2[%add3A_726, %dma_wait3A_741] : memref<524288x128xf32, #tpu.memory_space<hbm>> -> memref<128x128xf32, #tpu.memory_space<hbm>>
      tpu.wait_dma2 semaphore(%dma_wait3A_736 : memref<!tpu.dma_semaphore, #tpu.memory_space<semaphore_mem>>) src(%dma_wait3A_742 : memref<128x128xf32, #tpu.memory_space<hbm>>) dst(%dma_wait3A_740 : memref<128x128xf32, #tpu.memory_space<vmem>>)
      %add3A_743 = arith.constant 0 : i32
      %add3A_744 = arith.addi %add3A_743, %select_n3A : i32
      %eq3A_745 = arith.cmpi eq, %add3A_721, %add3A_744 : i32
      %convert_element_type3A_746 = arith.extui %eq3A_745 : i1 to i32
      %cond3A_747 = arith.constant 0 : i32
      %cond3A_748 = arith.cmpi ne, %convert_element_type3A_746, %cond3A_747 : i32
      scf.if %cond3A_748 {
        %swap3A = arith.constant 1 : i32
        %swap3A_834 = arith.index_cast %swap3A : i32 to index
        %swap3A_835 = arith.index_cast %select_n3A_69 : i32 to index
        %swap3A_836 = arith.constant 0 : index
        %swap3A_837 = tpu.vector_load %arg10[%swap3A_834, %swap3A_835, %swap3A_836] {strides = array<i32>} : memref<2x128x128xf32, #tpu.memory_space<vmem>>, vector<1x1x16xf32>,
        %swap3A_838 = vector.shape_cast %swap3A_837 : vector<1x1x16xf32> to vector<16xf32>
        %swap3A_839 = vector.shape_cast %get3A_109 : vector<16xf32> to vector<1x1x16xf32>
        tpu.vector_store %arg10[%swap3A_834, %swap3A_835, %swap3A_836], %swap3A_839 {strides = array<i32>} : memref<2x128x128xf32, #tpu.memory_space<vmem>>, vector<1x1x16xf32>,
        %swap3A_840 = arith.constant 1 : i32
        %swap3A_841 = arith.index_cast %swap3A_840 : i32 to index
        %swap3A_842 = arith.index_cast %select_n3A_69 : i32 to index
        %swap3A_843 = arith.constant 16 : index
        %swap3A_844 = tpu.vector_load %arg10[%swap3A_841, %swap3A_842, %swap3A_843] {strides = array<i32>} : memref<2x128x128xf32, #tpu.memory_space<vmem>>, vector<1x1x16xf32>,
        %swap3A_845 = vector.shape_cast %swap3A_844 : vector<1x1x16xf32> to vector<16xf32>
        %swap3A_846 = vector.shape_cast %get3A_116 : vector<16xf32> to vector<1x1x16xf32>
        tpu.vector_store %arg10[%swap3A_841, %swap3A_842, %swap3A_843], %swap3A_846 {strides = array<i32>} : memref<2x128x128xf32, #tpu.memory_space<vmem>>, vector<1x1x16xf32>,
        %swap3A_847 = arith.constant 1 : i32
        %swap3A_848 = arith.index_cast %swap3A_847 : i32 to index
        %swap3A_849 = arith.index_cast %select_n3A_69 : i32 to index
        %swap3A_850 = arith.constant 32 : index
        %swap3A_851 = tpu.vector_load %arg10[%swap3A_848, %swap3A_849, %swap3A_850] {strides = array<i32>} : memref<2x128x128xf32, #tpu.memory_space<vmem>>, vector<1x1x16xf32>,
        %swap3A_852 = vector.shape_cast %swap3A_851 : vector<1x1x16xf32> to vector<16xf32>
        %swap3A_853 = vector.shape_cast %get3A_123 : vector<16xf32> to vector<1x1x16xf32>
        tpu.vector_store %arg10[%swap3A_848, %swap3A_849, %swap3A_850], %swap3A_853 {strides = array<i32>} : memref<2x128x128xf32, #tpu.memory_space<vmem>>, vector<1x1x16xf32>,
        %swap3A_854 = arith.constant 1 : i32
        %swap3A_855 = arith.index_cast %swap3A_854 : i32 to index
        %swap3A_856 = arith.index_cast %select_n3A_69 : i32 to index
        %swap3A_857 = arith.constant 48 : index
        %swap3A_858 = tpu.vector_load %arg10[%swap3A_855, %swap3A_856, %swap3A_857] {strides = array<i32>} : memref<2x128x128xf32, #tpu.memory_space<vmem>>, vector<1x1x16xf32>,
        %swap3A_859 = vector.shape_cast %swap3A_858 : vector<1x1x16xf32> to vector<16xf32>
        %swap3A_860 = vector.shape_cast %get3A_130 : vector<16xf32> to vector<1x1x16xf32>
        tpu.vector_store %arg10[%swap3A_855, %swap3A_856, %swap3A_857], %swap3A_860 {strides = array<i32>} : memref<2x128x128xf32, #tpu.memory_space<vmem>>, vector<1x1x16xf32>,
        %swap3A_861 = arith.constant 1 : i32
        %swap3A_862 = arith.index_cast %swap3A_861 : i32 to index
        %swap3A_863 = arith.index_cast %select_n3A_69 : i32 to index
        %swap3A_864 = arith.constant 64 : index
        %swap3A_865 = tpu.vector_load %arg10[%swap3A_862, %swap3A_863, %swap3A_864] {strides = array<i32>} : memref<2x128x128xf32, #tpu.memory_space<vmem>>, vector<1x1x16xf32>,
        %swap3A_866 = vector.shape_cast %swap3A_865 : vector<1x1x16xf32> to vector<16xf32>
        %swap3A_867 = vector.shape_cast %get3A_137 : vector<16xf32> to vector<1x1x16xf32>
        tpu.vector_store %arg10[%swap3A_862, %swap3A_863, %swap3A_864], %swap3A_867 {strides = array<i32>} : memref<2x128x128xf32, #tpu.memory_space<vmem>>, vector<1x1x16xf32>,
        %swap3A_868 = arith.constant 1 : i32
        %swap3A_869 = arith.index_cast %swap3A_868 : i32 to index
        %swap3A_870 = arith.index_cast %select_n3A_69 : i32 to index
        %swap3A_871 = arith.constant 80 : index
        %swap3A_872 = tpu.vector_load %arg10[%swap3A_869, %swap3A_870, %swap3A_871] {strides = array<i32>} : memref<2x128x128xf32, #tpu.memory_space<vmem>>, vector<1x1x16xf32>,
        %swap3A_873 = vector.shape_cast %swap3A_872 : vector<1x1x16xf32> to vector<16xf32>
        %swap3A_874 = vector.shape_cast %get3A_144 : vector<16xf32> to vector<1x1x16xf32>
        tpu.vector_store %arg10[%swap3A_869, %swap3A_870, %swap3A_871], %swap3A_874 {strides = array<i32>} : memref<2x128x128xf32, #tpu.memory_space<vmem>>, vector<1x1x16xf32>,
        %swap3A_875 = arith.constant 1 : i32
        %swap3A_876 = arith.index_cast %swap3A_875 : i32 to index
        %swap3A_877 = arith.index_cast %select_n3A_69 : i32 to index
        %swap3A_878 = arith.constant 96 : index
        %swap3A_879 = tpu.vector_load %arg10[%swap3A_876, %swap3A_877, %swap3A_878] {strides = array<i32>} : memref<2x128x128xf32, #tpu.memory_space<vmem>>, vector<1x1x16xf32>,
        %swap3A_880 = vector.shape_cast %swap3A_879 : vector<1x1x16xf32> to vector<16xf32>
        %swap3A_881 = vector.shape_cast %get3A_151 : vector<16xf32> to vector<1x1x16xf32>
        tpu.vector_store %arg10[%swap3A_876, %swap3A_877, %swap3A_878], %swap3A_881 {strides = array<i32>} : memref<2x128x128xf32, #tpu.memory_space<vmem>>, vector<1x1x16xf32>,
        %swap3A_882 = arith.constant 1 : i32
        %swap3A_883 = arith.index_cast %swap3A_882 : i32 to index
        %swap3A_884 = arith.index_cast %select_n3A_69 : i32 to index
        %swap3A_885 = arith.constant 112 : index
        %swap3A_886 = tpu.vector_load %arg10[%swap3A_883, %swap3A_884, %swap3A_885] {strides = array<i32>} : memref<2x128x128xf32, #tpu.memory_space<vmem>>, vector<1x1x16xf32>,
        %swap3A_887 = vector.shape_cast %swap3A_886 : vector<1x1x16xf32> to vector<16xf32>
        %swap3A_888 = vector.shape_cast %get3A_158 : vector<16xf32> to vector<1x1x16xf32>
        tpu.vector_store %arg10[%swap3A_883, %swap3A_884, %swap3A_885], %swap3A_888 {strides = array<i32>} : memref<2x128x128xf32, #tpu.memory_space<vmem>>, vector<1x1x16xf32>,
      } else {
      }
      %add3A_749 = arith.constant 16 : i32
      %add3A_750 = arith.addi %add3A_749, %select_n3A : i32
      %eq3A_751 = arith.cmpi eq, %add3A_721, %add3A_750 : i32
      %convert_element_type3A_752 = arith.extui %eq3A_751 : i1 to i32
      %cond3A_753 = arith.constant 0 : i32
      %cond3A_754 = arith.cmpi ne, %convert_element_type3A_752, %cond3A_753 : i32
      scf.if %cond3A_754 {
        %swap3A = arith.constant 1 : i32
        %swap3A_834 = arith.index_cast %swap3A : i32 to index
        %swap3A_835 = arith.index_cast %select_n3A_69 : i32 to index
        %swap3A_836 = arith.constant 0 : index
        %swap3A_837 = tpu.vector_load %arg10[%swap3A_834, %swap3A_835, %swap3A_836] {strides = array<i32>} : memref<2x128x128xf32, #tpu.memory_space<vmem>>, vector<1x1x16xf32>,
        %swap3A_838 = vector.shape_cast %swap3A_837 : vector<1x1x16xf32> to vector<16xf32>
        %swap3A_839 = vector.shape_cast %get3A_165 : vector<16xf32> to vector<1x1x16xf32>
        tpu.vector_store %arg10[%swap3A_834, %swap3A_835, %swap3A_836], %swap3A_839 {strides = array<i32>} : memref<2x128x128xf32, #tpu.memory_space<vmem>>, vector<1x1x16xf32>,
        %swap3A_840 = arith.constant 1 : i32
        %swap3A_841 = arith.index_cast %swap3A_840 : i32 to index
        %swap3A_842 = arith.index_cast %select_n3A_69 : i32 to index
        %swap3A_843 = arith.constant 16 : index
        %swap3A_844 = tpu.vector_load %arg10[%swap3A_841, %swap3A_842, %swap3A_843] {strides = array<i32>} : memref<2x128x128xf32, #tpu.memory_space<vmem>>, vector<1x1x16xf32>,
        %swap3A_845 = vector.shape_cast %swap3A_844 : vector<1x1x16xf32> to vector<16xf32>
        %swap3A_846 = vector.shape_cast %get3A_172 : vector<16xf32> to vector<1x1x16xf32>
        tpu.vector_store %arg10[%swap3A_841, %swap3A_842, %swap3A_843], %swap3A_846 {strides = array<i32>} : memref<2x128x128xf32, #tpu.memory_space<vmem>>, vector<1x1x16xf32>,
        %swap3A_847 = arith.constant 1 : i32
        %swap3A_848 = arith.index_cast %swap3A_847 : i32 to index
        %swap3A_849 = arith.index_cast %select_n3A_69 : i32 to index
        %swap3A_850 = arith.constant 32 : index
        %swap3A_851 = tpu.vector_load %arg10[%swap3A_848, %swap3A_849, %swap3A_850] {strides = array<i32>} : memref<2x128x128xf32, #tpu.memory_space<vmem>>, vector<1x1x16xf32>,
        %swap3A_852 = vector.shape_cast %swap3A_851 : vector<1x1x16xf32> to vector<16xf32>
        %swap3A_853 = vector.shape_cast %get3A_179 : vector<16xf32> to vector<1x1x16xf32>
        tpu.vector_store %arg10[%swap3A_848, %swap3A_849, %swap3A_850], %swap3A_853 {strides = array<i32>} : memref<2x128x128xf32, #tpu.memory_space<vmem>>, vector<1x1x16xf32>,
        %swap3A_854 = arith.constant 1 : i32
        %swap3A_855 = arith.index_cast %swap3A_854 : i32 to index
        %swap3A_856 = arith.index_cast %select_n3A_69 : i32 to index
        %swap3A_857 = arith.constant 48 : index
        %swap3A_858 = tpu.vector_load %arg10[%swap3A_855, %swap3A_856, %swap3A_857] {strides = array<i32>} : memref<2x128x128xf32, #tpu.memory_space<vmem>>, vector<1x1x16xf32>,
        %swap3A_859 = vector.shape_cast %swap3A_858 : vector<1x1x16xf32> to vector<16xf32>
        %swap3A_860 = vector.shape_cast %get3A_186 : vector<16xf32> to vector<1x1x16xf32>
        tpu.vector_store %arg10[%swap3A_855, %swap3A_856, %swap3A_857], %swap3A_860 {strides = array<i32>} : memref<2x128x128xf32, #tpu.memory_space<vmem>>, vector<1x1x16xf32>,
        %swap3A_861 = arith.constant 1 : i32
        %swap3A_862 = arith.index_cast %swap3A_861 : i32 to index
        %swap3A_863 = arith.index_cast %select_n3A_69 : i32 to index
        %swap3A_864 = arith.constant 64 : index
        %swap3A_865 = tpu.vector_load %arg10[%swap3A_862, %swap3A_863, %swap3A_864] {strides = array<i32>} : memref<2x128x128xf32, #tpu.memory_space<vmem>>, vector<1x1x16xf32>,
        %swap3A_866 = vector.shape_cast %swap3A_865 : vector<1x1x16xf32> to vector<16xf32>
        %swap3A_867 = vector.shape_cast %get3A_193 : vector<16xf32> to vector<1x1x16xf32>
        tpu.vector_store %arg10[%swap3A_862, %swap3A_863, %swap3A_864], %swap3A_867 {strides = array<i32>} : memref<2x128x128xf32, #tpu.memory_space<vmem>>, vector<1x1x16xf32>,
        %swap3A_868 = arith.constant 1 : i32
        %swap3A_869 = arith.index_cast %swap3A_868 : i32 to index
        %swap3A_870 = arith.index_cast %select_n3A_69 : i32 to index
        %swap3A_871 = arith.constant 80 : index
        %swap3A_872 = tpu.vector_load %arg10[%swap3A_869, %swap3A_870, %swap3A_871] {strides = array<i32>} : memref<2x128x128xf32, #tpu.memory_space<vmem>>, vector<1x1x16xf32>,
        %swap3A_873 = vector.shape_cast %swap3A_872 : vector<1x1x16xf32> to vector<16xf32>
        %swap3A_874 = vector.shape_cast %get3A_200 : vector<16xf32> to vector<1x1x16xf32>
        tpu.vector_store %arg10[%swap3A_869, %swap3A_870, %swap3A_871], %swap3A_874 {strides = array<i32>} : memref<2x128x128xf32, #tpu.memory_space<vmem>>, vector<1x1x16xf32>,
        %swap3A_875 = arith.constant 1 : i32
        %swap3A_876 = arith.index_cast %swap3A_875 : i32 to index
        %swap3A_877 = arith.index_cast %select_n3A_69 : i32 to index
        %swap3A_878 = arith.constant 96 : index
        %swap3A_879 = tpu.vector_load %arg10[%swap3A_876, %swap3A_877, %swap3A_878] {strides = array<i32>} : memref<2x128x128xf32, #tpu.memory_space<vmem>>, vector<1x1x16xf32>,
        %swap3A_880 = vector.shape_cast %swap3A_879 : vector<1x1x16xf32> to vector<16xf32>
        %swap3A_881 = vector.shape_cast %get3A_207 : vector<16xf32> to vector<1x1x16xf32>
        tpu.vector_store %arg10[%swap3A_876, %swap3A_877, %swap3A_878], %swap3A_881 {strides = array<i32>} : memref<2x128x128xf32, #tpu.memory_space<vmem>>, vector<1x1x16xf32>,
        %swap3A_882 = arith.constant 1 : i32
        %swap3A_883 = arith.index_cast %swap3A_882 : i32 to index
        %swap3A_884 = arith.index_cast %select_n3A_69 : i32 to index
        %swap3A_885 = arith.constant 112 : index
        %swap3A_886 = tpu.vector_load %arg10[%swap3A_883, %swap3A_884, %swap3A_885] {strides = array<i32>} : memref<2x128x128xf32, #tpu.memory_space<vmem>>, vector<1x1x16xf32>,
        %swap3A_887 = vector.shape_cast %swap3A_886 : vector<1x1x16xf32> to vector<16xf32>
        %swap3A_888 = vector.shape_cast %get3A_214 : vector<16xf32> to vector<1x1x16xf32>
        tpu.vector_store %arg10[%swap3A_883, %swap3A_884, %swap3A_885], %swap3A_888 {strides = array<i32>} : memref<2x128x128xf32, #tpu.memory_space<vmem>>, vector<1x1x16xf32>,
      } else {
      }
      %mul3A_755 = arith.constant 128 : i32
      %mul3A_756 = arith.muli %add3A_721, %mul3A_755 : i32
      %add3A_757 = arith.addi %mul3A_71, %mul3A_756 : i32
      %multiple_of3A_758 = tpu.assume_multiple %add3A_757, 8 : i32
      %dma_start3A_759 = arith.constant 1 : i32
      %dma_start3A_760 = arith.constant 1 : i32
      %dma_start3A_761 = arith.constant 0 : i32
      %dma_start3A_762 = arith.constant 0 : i32
      %dma_start3A_763 = tpu.memref_slice %arg10[%dma_start3A_759, %dma_start3A_761, %dma_start3A_762] : memref<2x128x128xf32, #tpu.memory_space<vmem>> -> memref<1x128x128xf32, #tpu.memory_space<vmem>>
      %dma_start3A_764 = tpu.memref_squeeze %dma_start3A_763 : memref<1x128x128xf32, #tpu.memory_space<vmem>> -> memref<128x128xf32, #tpu.memory_space<vmem>>
      %dma_start3A_765 = arith.constant 0 : i32
      %dma_start3A_766 = tpu.memref_slice %arg7[%multiple_of3A_758, %dma_start3A_765] : memref<131072x128xf32, #tpu.memory_space<hbm>> -> memref<128x128xf32, #tpu.memory_space<hbm>>
      %dma_start3A_767 = tpu.memref_slice %arg14[%dma_start3A_760] : memref<8x!tpu.dma_semaphore, #tpu.memory_space<semaphore_mem>> -> memref<1x!tpu.dma_semaphore, #tpu.memory_space<semaphore_mem>>
      %dma_start3A_768 = tpu.memref_squeeze %dma_start3A_767 : memref<1x!tpu.dma_semaphore, #tpu.memory_space<semaphore_mem>> -> memref<!tpu.dma_semaphore, #tpu.memory_space<semaphore_mem>>
      %dma_start3A_769 = arith.constant 0 : i32
      %dma_start3A_770 = tpu.memref_slice %arg7[%multiple_of3A_758, %dma_start3A_769] : memref<131072x128xf32, #tpu.memory_space<hbm>> -> memref<128x128xf32, #tpu.memory_space<hbm>>
      %dma_start3A_771 = arith.constant 0 : i32
      %dma_start3A_772 = arith.constant 0 : i32
      %dma_start3A_773 = tpu.memref_slice %arg10[%dma_start3A_759, %dma_start3A_771, %dma_start3A_772] : memref<2x128x128xf32, #tpu.memory_space<vmem>> -> memref<1x128x128xf32, #tpu.memory_space<vmem>>
      %dma_start3A_774 = tpu.memref_squeeze %dma_start3A_773 : memref<1x128x128xf32, #tpu.memory_space<vmem>> -> memref<128x128xf32, #tpu.memory_space<vmem>>
      tpu.enqueue_dma source(%dma_start3A_774 : memref<128x128xf32, #tpu.memory_space<vmem>>) target(%dma_start3A_770 : memref<128x128xf32, #tpu.memory_space<hbm>>) target_semaphore(%dma_start3A_768 : memref<!tpu.dma_semaphore, #tpu.memory_space<semaphore_mem>>)
      %add3A_775 = arith.constant 2 : i32
      %add3A_776 = arith.addi %add3A_721, %add3A_775 : i32
      %sub3A_777 = arith.constant 1 : i32
      %sub3A_778 = arith.subi %add3A_776, %sub3A_777 : i32
      %lt3A_779 = arith.constant 32 : i32
      %lt3A_780 = arith.cmpi slt, %sub3A_778, %lt3A_779 : i32
      %convert_element_type3A_781 = arith.extui %lt3A_780 : i1 to i32
      %cond3A_782 = arith.constant 0 : i32
      %cond3A_783 = arith.cmpi ne, %convert_element_type3A_781, %cond3A_782 : i32
      scf.if %cond3A_783 {
        %ge3A = arith.constant 1 : i32
        %ge3A_834 = arith.cmpi sge, %add3A_721, %ge3A : i32
        %convert_element_type3A_835 = arith.extui %ge3A_834 : i1 to i32
        %cond3A_836 = arith.constant 0 : i32
        %cond3A_837 = arith.cmpi ne, %convert_element_type3A_835, %cond3A_836 : i32
        scf.if %cond3A_837 {
          %sub3A_863 = arith.constant 1 : i32
          %sub3A_864 = arith.subi %add3A_721, %sub3A_863 : i32
          %mul3A_865 = arith.constant 128 : i32
          %mul3A_866 = arith.muli %sub3A_864, %mul3A_865 : i32
          %add3A_867 = arith.addi %mul3A_71, %mul3A_866 : i32
          %multiple_of3A_868 = tpu.assume_multiple %add3A_867, 8 : i32
          %dma_wait3A_869 = arith.constant 0 : i32
          %dma_wait3A_870 = arith.constant 0 : i32
          %dma_wait3A_871 = arith.constant 0 : i32
          %dma_wait3A_872 = arith.constant 0 : i32
          %dma_wait3A_873 = tpu.memref_slice %arg10[%dma_wait3A_869, %dma_wait3A_871, %dma_wait3A_872] : memref<2x128x128xf32, #tpu.memory_space<vmem>> -> memref<1x128x128xf32, #tpu.memory_space<vmem>>
          %dma_wait3A_874 = tpu.memref_squeeze %dma_wait3A_873 : memref<1x128x128xf32, #tpu.memory_space<vmem>> -> memref<128x128xf32, #tpu.memory_space<vmem>>
          %dma_wait3A_875 = arith.constant 0 : i32
          %dma_wait3A_876 = tpu.memref_slice %arg7[%multiple_of3A_868, %dma_wait3A_875] : memref<131072x128xf32, #tpu.memory_space<hbm>> -> memref<128x128xf32, #tpu.memory_space<hbm>>
          %dma_wait3A_877 = tpu.memref_slice %arg14[%dma_wait3A_870] : memref<8x!tpu.dma_semaphore, #tpu.memory_space<semaphore_mem>> -> memref<1x!tpu.dma_semaphore, #tpu.memory_space<semaphore_mem>>
          %dma_wait3A_878 = tpu.memref_squeeze %dma_wait3A_877 : memref<1x!tpu.dma_semaphore, #tpu.memory_space<semaphore_mem>> -> memref<!tpu.dma_semaphore, #tpu.memory_space<semaphore_mem>>
          %dma_wait3A_879 = arith.constant 0 : i32
          %dma_wait3A_880 = tpu.memref_slice %arg7[%multiple_of3A_868, %dma_wait3A_879] : memref<131072x128xf32, #tpu.memory_space<hbm>> -> memref<128x128xf32, #tpu.memory_space<hbm>>
          %dma_wait3A_881 = arith.constant 0 : i32
          %dma_wait3A_882 = arith.constant 0 : i32
          %dma_wait3A_883 = tpu.memref_slice %arg10[%dma_wait3A_869, %dma_wait3A_881, %dma_wait3A_882] : memref<2x128x128xf32, #tpu.memory_space<vmem>> -> memref<1x128x128xf32, #tpu.memory_space<vmem>>
          %dma_wait3A_884 = tpu.memref_squeeze %dma_wait3A_883 : memref<1x128x128xf32, #tpu.memory_space<vmem>> -> memref<128x128xf32, #tpu.memory_space<vmem>>
          tpu.wait_dma2 semaphore(%dma_wait3A_878 : memref<!tpu.dma_semaphore, #tpu.memory_space<semaphore_mem>>) src(%dma_wait3A_884 : memref<128x128xf32, #tpu.memory_space<vmem>>) dst(%dma_wait3A_880 : memref<128x128xf32, #tpu.memory_space<hbm>>)
        } else {
        }
        %add3A_838 = arith.constant 2 : i32
        %add3A_839 = arith.addi %add3A_721, %add3A_838 : i32
        %sub3A_840 = arith.constant 1 : i32
        %sub3A_841 = arith.subi %add3A_839, %sub3A_840 : i32
        %mul3A_842 = arith.constant 128 : i32
        %mul3A_843 = arith.muli %sub3A_841, %mul3A_842 : i32
        %add3A_844 = arith.addi %mul3A_71, %mul3A_843 : i32
        %multiple_of3A_845 = tpu.assume_multiple %add3A_844, 8 : i32
        %add3A_846 = arith.addi %multiple_of3A, %multiple_of3A_845 : i32
        %dma_start3A_847 = arith.constant 0 : i32
        %dma_start3A_848 = arith.constant 0 : i32
        %dma_start3A_849 = arith.constant 0 : i32
        %dma_start3A_850 = arith.constant 0 : i32
        %dma_start3A_851 = tpu.memref_slice %arg10[%dma_start3A_847, %dma_start3A_849, %dma_start3A_850] : memref<2x128x128xf32, #tpu.memory_space<vmem>> -> memref<1x128x128xf32, #tpu.memory_space<vmem>>
        %dma_start3A_852 = tpu.memref_squeeze %dma_start3A_851 : memref<1x128x128xf32, #tpu.memory_space<vmem>> -> memref<128x128xf32, #tpu.memory_space<vmem>>
        %dma_start3A_853 = arith.constant 0 : i32
        %dma_start3A_854 = tpu.memref_slice %arg2[%add3A_846, %dma_start3A_853] : memref<524288x128xf32, #tpu.memory_space<hbm>> -> memref<128x128xf32, #tpu.memory_space<hbm>>
        %dma_start3A_855 = tpu.memref_slice %arg13[%dma_start3A_848] : memref<8x!tpu.dma_semaphore, #tpu.memory_space<semaphore_mem>> -> memref<1x!tpu.dma_semaphore, #tpu.memory_space<semaphore_mem>>
        %dma_start3A_856 = tpu.memref_squeeze %dma_start3A_855 : memref<1x!tpu.dma_semaphore, #tpu.memory_space<semaphore_mem>> -> memref<!tpu.dma_semaphore, #tpu.memory_space<semaphore_mem>>
        %dma_start3A_857 = arith.constant 0 : i32
        %dma_start3A_858 = arith.constant 0 : i32
        %dma_start3A_859 = tpu.memref_slice %arg10[%dma_start3A_847, %dma_start3A_857, %dma_start3A_858] : memref<2x128x128xf32, #tpu.memory_space<vmem>> -> memref<1x128x128xf32, #tpu.memory_space<vmem>>
        %dma_start3A_860 = tpu.memref_squeeze %dma_start3A_859 : memref<1x128x128xf32, #tpu.memory_space<vmem>> -> memref<128x128xf32, #tpu.memory_space<vmem>>
        %dma_start3A_861 = arith.constant 0 : i32
        %dma_start3A_862 = tpu.memref_slice %arg2[%add3A_846, %dma_start3A_861] : memref<524288x128xf32, #tpu.memory_space<hbm>> -> memref<128x128xf32, #tpu.memory_space<hbm>>
        tpu.enqueue_dma source(%dma_start3A_862 : memref<128x128xf32, #tpu.memory_space<hbm>>) target(%dma_start3A_860 : memref<128x128xf32, #tpu.memory_space<vmem>>) target_semaphore(%dma_start3A_856 : memref<!tpu.dma_semaphore, #tpu.memory_space<semaphore_mem>>)
      } else {
      }
      %mul3A_784 = arith.constant 128 : i32
      %mul3A_785 = arith.muli %add3A_721, %mul3A_784 : i32
      %add3A_786 = arith.addi %mul3A_71, %mul3A_785 : i32
      %multiple_of3A_787 = tpu.assume_multiple %add3A_786, 8 : i32
      %add3A_788 = arith.addi %multiple_of3A, %multiple_of3A_787 : i32
      %dma_wait3A_789 = arith.constant 3 : i32
      %dma_wait3A_790 = arith.constant 7 : i32
      %dma_wait3A_791 = tpu.memref_slice %arg13[%dma_wait3A_790] : memref<8x!tpu.dma_semaphore, #tpu.memory_space<semaphore_mem>> -> memref<1x!tpu.dma_semaphore, #tpu.memory_space<semaphore_mem>>
      %dma_wait3A_792 = tpu.memref_squeeze %dma_wait3A_791 : memref<1x!tpu.dma_semaphore, #tpu.memory_space<semaphore_mem>> -> memref<!tpu.dma_semaphore, #tpu.memory_space<semaphore_mem>>
      %dma_wait3A_793 = arith.constant 0 : i32
      %dma_wait3A_794 = arith.constant 0 : i32
      %dma_wait3A_795 = tpu.memref_slice %arg11[%arg1, %dma_wait3A_789, %dma_wait3A_793, %dma_wait3A_794] : memref<16x4x128x128xf32, #tpu.memory_space<vmem_shared>> -> memref<1x1x128x128xf32, #tpu.memory_space<vmem_shared>>
      %dma_wait3A_796 = tpu.memref_squeeze %dma_wait3A_795 : memref<1x1x128x128xf32, #tpu.memory_space<vmem_shared>> -> memref<128x128xf32, #tpu.memory_space<vmem_shared>>
      %dma_wait3A_797 = arith.constant 0 : i32
      %dma_wait3A_798 = tpu.memref_slice %arg3[%add3A_788, %dma_wait3A_797] : memref<524288x128xf32, #tpu.memory_space<hbm>> -> memref<128x128xf32, #tpu.memory_space<hbm>>
      tpu.wait_dma2 semaphore(%dma_wait3A_792 : memref<!tpu.dma_semaphore, #tpu.memory_space<semaphore_mem>>) src(%dma_wait3A_798 : memref<128x128xf32, #tpu.memory_space<hbm>>) dst(%dma_wait3A_796 : memref<128x128xf32, #tpu.memory_space<vmem_shared>>)
      %add3A_799 = arith.constant 0 : i32
      %add3A_800 = arith.addi %add3A_799, %select_n3A : i32
      %eq3A_801 = arith.cmpi eq, %add3A_721, %add3A_800 : i32
      %convert_element_type3A_802 = arith.extui %eq3A_801 : i1 to i32
      %cond3A_803 = arith.constant 0 : i32
      %cond3A_804 = arith.cmpi ne, %convert_element_type3A_802, %cond3A_803 : i32
      scf.if %cond3A_804 {
        %run_scoped3A = arith.constant 1 : i32
        %run_scoped3A_834 = arith.constant 3 : i32
        "tpu.region"() ({
          %run_scoped3A_835 = tpu.sem_alloc : memref<!tpu.dma_semaphore, #tpu.memory_space<semaphore_mem>>
          %dma_start3A_836 = arith.constant 0 : i32
          %dma_start3A_837 = arith.constant 0 : i32
          %dma_start3A_838 = tpu.memref_slice %arg12[%run_scoped3A, %dma_start3A_836, %dma_start3A_837] : memref<2x2x128xf32, #tpu.memory_space<vmem>> -> memref<1x1x128xf32, #tpu.memory_space<vmem>>
          %dma_start3A_839 = tpu.memref_squeeze %dma_start3A_838 : memref<1x1x128xf32, #tpu.memory_space<vmem>> -> memref<1x128xf32, #tpu.memory_space<vmem>>
          %dma_start3A_840 = arith.constant 0 : i32
          %dma_start3A_841 = tpu.memref_slice %arg11[%arg1, %run_scoped3A_834, %select_n3A_69, %dma_start3A_840] : memref<16x4x128x128xf32, #tpu.memory_space<vmem_shared>> -> memref<1x1x1x128xf32, #tpu.memory_space<vmem_shared>>
          %dma_start3A_842 = tpu.memref_squeeze %dma_start3A_841 : memref<1x1x1x128xf32, #tpu.memory_space<vmem_shared>> -> memref<1x128xf32, #tpu.memory_space<vmem_shared>>
          %dma_start3A_843 = arith.constant 0 : i32
          %dma_start3A_844 = tpu.memref_slice %arg11[%arg1, %run_scoped3A_834, %select_n3A_69, %dma_start3A_843] : memref<16x4x128x128xf32, #tpu.memory_space<vmem_shared>> -> memref<1x1x1x128xf32, #tpu.memory_space<vmem_shared>>
          %dma_start3A_845 = tpu.memref_squeeze %dma_start3A_844 : memref<1x1x1x128xf32, #tpu.memory_space<vmem_shared>> -> memref<1x128xf32, #tpu.memory_space<vmem_shared>>
          %dma_start3A_846 = arith.constant 0 : i32
          %dma_start3A_847 = arith.constant 0 : i32
          %dma_start3A_848 = tpu.memref_slice %arg12[%run_scoped3A, %dma_start3A_846, %dma_start3A_847] : memref<2x2x128xf32, #tpu.memory_space<vmem>> -> memref<1x1x128xf32, #tpu.memory_space<vmem>>
          %dma_start3A_849 = tpu.memref_squeeze %dma_start3A_848 : memref<1x1x128xf32, #tpu.memory_space<vmem>> -> memref<1x128xf32, #tpu.memory_space<vmem>>
          tpu.enqueue_dma source(%dma_start3A_849 : memref<1x128xf32, #tpu.memory_space<vmem>>) target(%dma_start3A_845 : memref<1x128xf32, #tpu.memory_space<vmem_shared>>) target_semaphore(%run_scoped3A_835 : memref<!tpu.dma_semaphore, #tpu.memory_space<semaphore_mem>>)
          %dma_wait3A_850 = arith.constant 0 : i32
          %dma_wait3A_851 = arith.constant 0 : i32
          %dma_wait3A_852 = tpu.memref_slice %arg12[%run_scoped3A, %dma_wait3A_850, %dma_wait3A_851] : memref<2x2x128xf32, #tpu.memory_space<vmem>> -> memref<1x1x128xf32, #tpu.memory_space<vmem>>
          %dma_wait3A_853 = tpu.memref_squeeze %dma_wait3A_852 : memref<1x1x128xf32, #tpu.memory_space<vmem>> -> memref<1x128xf32, #tpu.memory_space<vmem>>
          %dma_wait3A_854 = arith.constant 0 : i32
          %dma_wait3A_855 = tpu.memref_slice %arg11[%arg1, %run_scoped3A_834, %select_n3A_69, %dma_wait3A_854] : memref<16x4x128x128xf32, #tpu.memory_space<vmem_shared>> -> memref<1x1x1x128xf32, #tpu.memory_space<vmem_shared>>
          %dma_wait3A_856 = tpu.memref_squeeze %dma_wait3A_855 : memref<1x1x1x128xf32, #tpu.memory_space<vmem_shared>> -> memref<1x128xf32, #tpu.memory_space<vmem_shared>>
          %dma_wait3A_857 = arith.constant 0 : i32
          %dma_wait3A_858 = tpu.memref_slice %arg11[%arg1, %run_scoped3A_834, %select_n3A_69, %dma_wait3A_857] : memref<16x4x128x128xf32, #tpu.memory_space<vmem_shared>> -> memref<1x1x1x128xf32, #tpu.memory_space<vmem_shared>>
          %dma_wait3A_859 = tpu.memref_squeeze %dma_wait3A_858 : memref<1x1x1x128xf32, #tpu.memory_space<vmem_shared>> -> memref<1x128xf32, #tpu.memory_space<vmem_shared>>
          %dma_wait3A_860 = arith.constant 0 : i32
          %dma_wait3A_861 = arith.constant 0 : i32
          %dma_wait3A_862 = tpu.memref_slice %arg12[%run_scoped3A, %dma_wait3A_860, %dma_wait3A_861] : memref<2x2x128xf32, #tpu.memory_space<vmem>> -> memref<1x1x128xf32, #tpu.memory_space<vmem>>
          %dma_wait3A_863 = tpu.memref_squeeze %dma_wait3A_862 : memref<1x1x128xf32, #tpu.memory_space<vmem>> -> memref<1x128xf32, #tpu.memory_space<vmem>>
          tpu.wait_dma2 semaphore(%run_scoped3A_835 : memref<!tpu.dma_semaphore, #tpu.memory_space<semaphore_mem>>) src(%dma_wait3A_863 : memref<1x128xf32, #tpu.memory_space<vmem>>) dst(%dma_wait3A_859 : memref<1x128xf32, #tpu.memory_space<vmem_shared>>)
          tpu.yield
        }) : () -> ()
      } else {
      }
      %add3A_805 = arith.constant 16 : i32
      %add3A_806 = arith.addi %add3A_805, %select_n3A : i32
      %eq3A_807 = arith.cmpi eq, %add3A_721, %add3A_806 : i32
      %convert_element_type3A_808 = arith.extui %eq3A_807 : i1 to i32
      %cond3A_809 = arith.constant 0 : i32
      %cond3A_810 = arith.cmpi ne, %convert_element_type3A_808, %cond3A_809 : i32
      scf.if %cond3A_810 {
        %run_scoped3A = arith.constant 1 : i32
        %run_scoped3A_834 = arith.constant 3 : i32
        "tpu.region"() ({
          %run_scoped3A_835 = tpu.sem_alloc : memref<!tpu.dma_semaphore, #tpu.memory_space<semaphore_mem>>
          %dma_start3A_836 = arith.constant 1 : i32
          %dma_start3A_837 = arith.constant 0 : i32
          %dma_start3A_838 = tpu.memref_slice %arg12[%run_scoped3A, %dma_start3A_836, %dma_start3A_837] : memref<2x2x128xf32, #tpu.memory_space<vmem>> -> memref<1x1x128xf32, #tpu.memory_space<vmem>>
          %dma_start3A_839 = tpu.memref_squeeze %dma_start3A_838 : memref<1x1x128xf32, #tpu.memory_space<vmem>> -> memref<1x128xf32, #tpu.memory_space<vmem>>
          %dma_start3A_840 = arith.constant 0 : i32
          %dma_start3A_841 = tpu.memref_slice %arg11[%arg1, %run_scoped3A_834, %select_n3A_69, %dma_start3A_840] : memref<16x4x128x128xf32, #tpu.memory_space<vmem_shared>> -> memref<1x1x1x128xf32, #tpu.memory_space<vmem_shared>>
          %dma_start3A_842 = tpu.memref_squeeze %dma_start3A_841 : memref<1x1x1x128xf32, #tpu.memory_space<vmem_shared>> -> memref<1x128xf32, #tpu.memory_space<vmem_shared>>
          %dma_start3A_843 = arith.constant 0 : i32
          %dma_start3A_844 = tpu.memref_slice %arg11[%arg1, %run_scoped3A_834, %select_n3A_69, %dma_start3A_843] : memref<16x4x128x128xf32, #tpu.memory_space<vmem_shared>> -> memref<1x1x1x128xf32, #tpu.memory_space<vmem_shared>>
          %dma_start3A_845 = tpu.memref_squeeze %dma_start3A_844 : memref<1x1x1x128xf32, #tpu.memory_space<vmem_shared>> -> memref<1x128xf32, #tpu.memory_space<vmem_shared>>
          %dma_start3A_846 = arith.constant 1 : i32
          %dma_start3A_847 = arith.constant 0 : i32
          %dma_start3A_848 = tpu.memref_slice %arg12[%run_scoped3A, %dma_start3A_846, %dma_start3A_847] : memref<2x2x128xf32, #tpu.memory_space<vmem>> -> memref<1x1x128xf32, #tpu.memory_space<vmem>>
          %dma_start3A_849 = tpu.memref_squeeze %dma_start3A_848 : memref<1x1x128xf32, #tpu.memory_space<vmem>> -> memref<1x128xf32, #tpu.memory_space<vmem>>
          tpu.enqueue_dma source(%dma_start3A_849 : memref<1x128xf32, #tpu.memory_space<vmem>>) target(%dma_start3A_845 : memref<1x128xf32, #tpu.memory_space<vmem_shared>>) target_semaphore(%run_scoped3A_835 : memref<!tpu.dma_semaphore, #tpu.memory_space<semaphore_mem>>)
          %dma_wait3A_850 = arith.constant 1 : i32
          %dma_wait3A_851 = arith.constant 0 : i32
          %dma_wait3A_852 = tpu.memref_slice %arg12[%run_scoped3A, %dma_wait3A_850, %dma_wait3A_851] : memref<2x2x128xf32, #tpu.memory_space<vmem>> -> memref<1x1x128xf32, #tpu.memory_space<vmem>>
          %dma_wait3A_853 = tpu.memref_squeeze %dma_wait3A_852 : memref<1x1x128xf32, #tpu.memory_space<vmem>> -> memref<1x128xf32, #tpu.memory_space<vmem>>
          %dma_wait3A_854 = arith.constant 0 : i32
          %dma_wait3A_855 = tpu.memref_slice %arg11[%arg1, %run_scoped3A_834, %select_n3A_69, %dma_wait3A_854] : memref<16x4x128x128xf32, #tpu.memory_space<vmem_shared>> -> memref<1x1x1x128xf32, #tpu.memory_space<vmem_shared>>
          %dma_wait3A_856 = tpu.memref_squeeze %dma_wait3A_855 : memref<1x1x1x128xf32, #tpu.memory_space<vmem_shared>> -> memref<1x128xf32, #tpu.memory_space<vmem_shared>>
          %dma_wait3A_857 = arith.constant 0 : i32
          %dma_wait3A_858 = tpu.memref_slice %arg11[%arg1, %run_scoped3A_834, %select_n3A_69, %dma_wait3A_857] : memref<16x4x128x128xf32, #tpu.memory_space<vmem_shared>> -> memref<1x1x1x128xf32, #tpu.memory_space<vmem_shared>>
          %dma_wait3A_859 = tpu.memref_squeeze %dma_wait3A_858 : memref<1x1x1x128xf32, #tpu.memory_space<vmem_shared>> -> memref<1x128xf32, #tpu.memory_space<vmem_shared>>
          %dma_wait3A_860 = arith.constant 1 : i32
          %dma_wait3A_861 = arith.constant 0 : i32
          %dma_wait3A_862 = tpu.memref_slice %arg12[%run_scoped3A, %dma_wait3A_860, %dma_wait3A_861] : memref<2x2x128xf32, #tpu.memory_space<vmem>> -> memref<1x1x128xf32, #tpu.memory_space<vmem>>
          %dma_wait3A_863 = tpu.memref_squeeze %dma_wait3A_862 : memref<1x1x128xf32, #tpu.memory_space<vmem>> -> memref<1x128xf32, #tpu.memory_space<vmem>>
          tpu.wait_dma2 semaphore(%run_scoped3A_835 : memref<!tpu.dma_semaphore, #tpu.memory_space<semaphore_mem>>) src(%dma_wait3A_863 : memref<1x128xf32, #tpu.memory_space<vmem>>) dst(%dma_wait3A_859 : memref<1x128xf32, #tpu.memory_space<vmem_shared>>)
          tpu.yield
        }) : () -> ()
      } else {
      }
      %mul3A_811 = arith.constant 128 : i32
      %mul3A_812 = arith.muli %add3A_721, %mul3A_811 : i32
      %add3A_813 = arith.addi %mul3A_71, %mul3A_812 : i32
      %multiple_of3A_814 = tpu.assume_multiple %add3A_813, 8 : i32
      %dma_start3A_815 = arith.constant 3 : i32
      %dma_start3A_816 = arith.constant 7 : i32
      %dma_start3A_817 = tpu.memref_slice %arg14[%dma_start3A_816] : memref<8x!tpu.dma_semaphore, #tpu.memory_space<semaphore_mem>> -> memref<1x!tpu.dma_semaphore, #tpu.memory_space<semaphore_mem>>
      %dma_start3A_818 = tpu.memref_squeeze %dma_start3A_817 : memref<1x!tpu.dma_semaphore, #tpu.memory_space<semaphore_mem>> -> memref<!tpu.dma_semaphore, #tpu.memory_space<semaphore_mem>>
      %dma_start3A_819 = arith.constant 0 : i32
      %dma_start3A_820 = tpu.memref_slice %arg8[%multiple_of3A_814, %dma_start3A_819] : memref<131072x128xf32, #tpu.memory_space<hbm>> -> memref<128x128xf32, #tpu.memory_space<hbm>>
      %dma_start3A_821 = arith.constant 0 : i32
      %dma_start3A_822 = arith.constant 0 : i32
      %dma_start3A_823 = tpu.memref_slice %arg11[%arg1, %dma_start3A_815, %dma_start3A_821, %dma_start3A_822] : memref<16x4x128x128xf32, #tpu.memory_space<vmem_shared>> -> memref<1x1x128x128xf32, #tpu.memory_space<vmem_shared>>
      %dma_start3A_824 = tpu.memref_squeeze %dma_start3A_823 : memref<1x1x128x128xf32, #tpu.memory_space<vmem_shared>> -> memref<128x128xf32, #tpu.memory_space<vmem_shared>>
      tpu.enqueue_dma source(%dma_start3A_824 : memref<128x128xf32, #tpu.memory_space<vmem_shared>>) target(%dma_start3A_820 : memref<128x128xf32, #tpu.memory_space<hbm>>) target_semaphore(%dma_start3A_818 : memref<!tpu.dma_semaphore, #tpu.memory_space<semaphore_mem>>)
      %add3A_825 = arith.constant 4 : i32
      %add3A_826 = arith.addi %add3A_721, %add3A_825 : i32
      %sub3A_827 = arith.constant 1 : i32
      %sub3A_828 = arith.subi %add3A_826, %sub3A_827 : i32
      %lt3A_829 = arith.constant 32 : i32
      %lt3A_830 = arith.cmpi slt, %sub3A_828, %lt3A_829 : i32
      %convert_element_type3A_831 = arith.extui %lt3A_830 : i1 to i32
      %cond3A_832 = arith.constant 0 : i32
      %cond3A_833 = arith.cmpi ne, %convert_element_type3A_831, %cond3A_832 : i32
      scf.if %cond3A_833 {
        %ge3A = arith.constant 1 : i32
        %ge3A_834 = arith.cmpi sge, %add3A_721, %ge3A : i32
        %convert_element_type3A_835 = arith.extui %ge3A_834 : i1 to i32
        %cond3A_836 = arith.constant 0 : i32
        %cond3A_837 = arith.cmpi ne, %convert_element_type3A_835, %cond3A_836 : i32
        scf.if %cond3A_837 {
          %sub3A_857 = arith.constant 1 : i32
          %sub3A_858 = arith.subi %add3A_721, %sub3A_857 : i32
          %mul3A_859 = arith.constant 128 : i32
          %mul3A_860 = arith.muli %sub3A_858, %mul3A_859 : i32
          %add3A_861 = arith.addi %mul3A_71, %mul3A_860 : i32
          %multiple_of3A_862 = tpu.assume_multiple %add3A_861, 8 : i32
          %dma_wait3A_863 = arith.constant 2 : i32
          %dma_wait3A_864 = arith.constant 6 : i32
          %dma_wait3A_865 = tpu.memref_slice %arg14[%dma_wait3A_864] : memref<8x!tpu.dma_semaphore, #tpu.memory_space<semaphore_mem>> -> memref<1x!tpu.dma_semaphore, #tpu.memory_space<semaphore_mem>>
          %dma_wait3A_866 = tpu.memref_squeeze %dma_wait3A_865 : memref<1x!tpu.dma_semaphore, #tpu.memory_space<semaphore_mem>> -> memref<!tpu.dma_semaphore, #tpu.memory_space<semaphore_mem>>
          %dma_wait3A_867 = arith.constant 0 : i32
          %dma_wait3A_868 = tpu.memref_slice %arg8[%multiple_of3A_862, %dma_wait3A_867] : memref<131072x128xf32, #tpu.memory_space<hbm>> -> memref<128x128xf32, #tpu.memory_space<hbm>>
          %dma_wait3A_869 = arith.constant 0 : i32
          %dma_wait3A_870 = arith.constant 0 : i32
          %dma_wait3A_871 = tpu.memref_slice %arg11[%arg1, %dma_wait3A_863, %dma_wait3A_869, %dma_wait3A_870] : memref<16x4x128x128xf32, #tpu.memory_space<vmem_shared>> -> memref<1x1x128x128xf32, #tpu.memory_space<vmem_shared>>
          %dma_wait3A_872 = tpu.memref_squeeze %dma_wait3A_871 : memref<1x1x128x128xf32, #tpu.memory_space<vmem_shared>> -> memref<128x128xf32, #tpu.memory_space<vmem_shared>>
          tpu.wait_dma2 semaphore(%dma_wait3A_866 : memref<!tpu.dma_semaphore, #tpu.memory_space<semaphore_mem>>) src(%dma_wait3A_872 : memref<128x128xf32, #tpu.memory_space<vmem_shared>>) dst(%dma_wait3A_868 : memref<128x128xf32, #tpu.memory_space<hbm>>)
        } else {
        }
        %add3A_838 = arith.constant 4 : i32
        %add3A_839 = arith.addi %add3A_721, %add3A_838 : i32
        %sub3A_840 = arith.constant 1 : i32
        %sub3A_841 = arith.subi %add3A_839, %sub3A_840 : i32
        %mul3A_842 = arith.constant 128 : i32
        %mul3A_843 = arith.muli %sub3A_841, %mul3A_842 : i32
        %add3A_844 = arith.addi %mul3A_71, %mul3A_843 : i32
        %multiple_of3A_845 = tpu.assume_multiple %add3A_844, 8 : i32
        %add3A_846 = arith.addi %multiple_of3A, %multiple_of3A_845 : i32
        %dma_start3A_847 = arith.constant 2 : i32
        %dma_start3A_848 = arith.constant 6 : i32
        %dma_start3A_849 = tpu.memref_slice %arg13[%dma_start3A_848] : memref<8x!tpu.dma_semaphore, #tpu.memory_space<semaphore_mem>> -> memref<1x!tpu.dma_semaphore, #tpu.memory_space<semaphore_mem>>
        %dma_start3A_850 = tpu.memref_squeeze %dma_start3A_849 : memref<1x!tpu.dma_semaphore, #tpu.memory_space<semaphore_mem>> -> memref<!tpu.dma_semaphore, #tpu.memory_space<semaphore_mem>>
        %dma_start3A_851 = arith.constant 0 : i32
        %dma_start3A_852 = arith.constant 0 : i32
        %dma_start3A_853 = tpu.memref_slice %arg11[%arg1, %dma_start3A_847, %dma_start3A_851, %dma_start3A_852] : memref<16x4x128x128xf32, #tpu.memory_space<vmem_shared>> -> memref<1x1x128x128xf32, #tpu.memory_space<vmem_shared>>
        %dma_start3A_854 = tpu.memref_squeeze %dma_start3A_853 : memref<1x1x128x128xf32, #tpu.memory_space<vmem_shared>> -> memref<128x128xf32, #tpu.memory_space<vmem_shared>>
        %dma_start3A_855 = arith.constant 0 : i32
        %dma_start3A_856 = tpu.memref_slice %arg3[%add3A_846, %dma_start3A_855] : memref<524288x128xf32, #tpu.memory_space<hbm>> -> memref<128x128xf32, #tpu.memory_space<hbm>>
        tpu.enqueue_dma source(%dma_start3A_856 : memref<128x128xf32, #tpu.memory_space<hbm>>) target(%dma_start3A_854 : memref<128x128xf32, #tpu.memory_space<vmem_shared>>) target_semaphore(%dma_start3A_850 : memref<!tpu.dma_semaphore, #tpu.memory_space<semaphore_mem>>)
      } else {
      }
    }
    %scan3A_280 = arith.constant 8 : i32
    %add3A_281 = arith.constant 3840 : i32
    %add3A_282 = arith.addi %mul3A_71, %add3A_281 : i32
    %multiple_of3A_283 = tpu.assume_multiple %add3A_282, 8 : i32
    %dma_wait3A_284 = arith.constant 0 : i32
    %dma_wait3A_285 = arith.constant 0 : i32
    %dma_wait3A_286 = arith.constant 0 : i32
    %dma_wait3A_287 = arith.constant 0 : i32
    %dma_wait3A_288 = tpu.memref_slice %arg10[%dma_wait3A_284, %dma_wait3A_286, %dma_wait3A_287] : memref<2x128x128xf32, #tpu.memory_space<vmem>> -> memref<1x128x128xf32, #tpu.memory_space<vmem>>
    %dma_wait3A_289 = tpu.memref_squeeze %dma_wait3A_288 : memref<1x128x128xf32, #tpu.memory_space<vmem>> -> memref<128x128xf32, #tpu.memory_space<vmem>>
    %dma_wait3A_290 = arith.constant 0 : i32
    %dma_wait3A_291 = tpu.memref_slice %arg7[%multiple_of3A_283, %dma_wait3A_290] : memref<131072x128xf32, #tpu.memory_space<hbm>> -> memref<128x128xf32, #tpu.memory_space<hbm>>
    %dma_wait3A_292 = tpu.memref_slice %arg14[%dma_wait3A_285] : memref<8x!tpu.dma_semaphore, #tpu.memory_space<semaphore_mem>> -> memref<1x!tpu.dma_semaphore, #tpu.memory_space<semaphore_mem>>
    %dma_wait3A_293 = tpu.memref_squeeze %dma_wait3A_292 : memref<1x!tpu.dma_semaphore, #tpu.memory_space<semaphore_mem>> -> memref<!tpu.dma_semaphore, #tpu.memory_space<semaphore_mem>>
    %dma_wait3A_294 = arith.constant 0 : i32
    %dma_wait3A_295 = tpu.memref_slice %arg7[%multiple_of3A_283, %dma_wait3A_294] : memref<131072x128xf32, #tpu.memory_space<hbm>> -> memref<128x128xf32, #tpu.memory_space<hbm>>
    %dma_wait3A_296 = arith.constant 0 : i32
    %dma_wait3A_297 = arith.constant 0 : i32
    %dma_wait3A_298 = tpu.memref_slice %arg10[%dma_wait3A_284, %dma_wait3A_296, %dma_wait3A_297] : memref<2x128x128xf32, #tpu.memory_space<vmem>> -> memref<1x128x128xf32, #tpu.memory_space<vmem>>
    %dma_wait3A_299 = tpu.memref_squeeze %dma_wait3A_298 : memref<1x128x128xf32, #tpu.memory_space<vmem>> -> memref<128x128xf32, #tpu.memory_space<vmem>>
    tpu.wait_dma2 semaphore(%dma_wait3A_293 : memref<!tpu.dma_semaphore, #tpu.memory_space<semaphore_mem>>) src(%dma_wait3A_299 : memref<128x128xf32, #tpu.memory_space<vmem>>) dst(%dma_wait3A_295 : memref<128x128xf32, #tpu.memory_space<hbm>>)
    %add3A_300 = arith.constant 3968 : i32
    %add3A_301 = arith.addi %mul3A_71, %add3A_300 : i32
    %multiple_of3A_302 = tpu.assume_multiple %add3A_301, 8 : i32
    %dma_wait3A_303 = arith.constant 1 : i32
    %dma_wait3A_304 = arith.constant 1 : i32
    %dma_wait3A_305 = arith.constant 0 : i32
    %dma_wait3A_306 = arith.constant 0 : i32
    %dma_wait3A_307 = tpu.memref_slice %arg10[%dma_wait3A_303, %dma_wait3A_305, %dma_wait3A_306] : memref<2x128x128xf32, #tpu.memory_space<vmem>> -> memref<1x128x128xf32, #tpu.memory_space<vmem>>
    %dma_wait3A_308 = tpu.memref_squeeze %dma_wait3A_307 : memref<1x128x128xf32, #tpu.memory_space<vmem>> -> memref<128x128xf32, #tpu.memory_space<vmem>>
    %dma_wait3A_309 = arith.constant 0 : i32
    %dma_wait3A_310 = tpu.memref_slice %arg7[%multiple_of3A_302, %dma_wait3A_309] : memref<131072x128xf32, #tpu.memory_space<hbm>> -> memref<128x128xf32, #tpu.memory_space<hbm>>
    %dma_wait3A_311 = tpu.memref_slice %arg14[%dma_wait3A_304] : memref<8x!tpu.dma_semaphore, #tpu.memory_space<semaphore_mem>> -> memref<1x!tpu.dma_semaphore, #tpu.memory_space<semaphore_mem>>
    %dma_wait3A_312 = tpu.memref_squeeze %dma_wait3A_311 : memref<1x!tpu.dma_semaphore, #tpu.memory_space<semaphore_mem>> -> memref<!tpu.dma_semaphore, #tpu.memory_space<semaphore_mem>>
    %dma_wait3A_313 = arith.constant 0 : i32
    %dma_wait3A_314 = tpu.memref_slice %arg7[%multiple_of3A_302, %dma_wait3A_313] : memref<131072x128xf32, #tpu.memory_space<hbm>> -> memref<128x128xf32, #tpu.memory_space<hbm>>
    %dma_wait3A_315 = arith.constant 0 : i32
    %dma_wait3A_316 = arith.constant 0 : i32
    %dma_wait3A_317 = tpu.memref_slice %arg10[%dma_wait3A_303, %dma_wait3A_315, %dma_wait3A_316] : memref<2x128x128xf32, #tpu.memory_space<vmem>> -> memref<1x128x128xf32, #tpu.memory_space<vmem>>
    %dma_wait3A_318 = tpu.memref_squeeze %dma_wait3A_317 : memref<1x128x128xf32, #tpu.memory_space<vmem>> -> memref<128x128xf32, #tpu.memory_space<vmem>>
    tpu.wait_dma2 semaphore(%dma_wait3A_312 : memref<!tpu.dma_semaphore, #tpu.memory_space<semaphore_mem>>) src(%dma_wait3A_318 : memref<128x128xf32, #tpu.memory_space<vmem>>) dst(%dma_wait3A_314 : memref<128x128xf32, #tpu.memory_space<hbm>>)
    %add3A_319 = arith.constant 3584 : i32
    %add3A_320 = arith.addi %mul3A_71, %add3A_319 : i32
    %multiple_of3A_321 = tpu.assume_multiple %add3A_320, 8 : i32
    %dma_wait3A_322 = arith.constant 0 : i32
    %dma_wait3A_323 = arith.constant 4 : i32
    %dma_wait3A_324 = tpu.memref_slice %arg14[%dma_wait3A_323] : memref<8x!tpu.dma_semaphore, #tpu.memory_space<semaphore_mem>> -> memref<1x!tpu.dma_semaphore, #tpu.memory_space<semaphore_mem>>
    %dma_wait3A_325 = tpu.memref_squeeze %dma_wait3A_324 : memref<1x!tpu.dma_semaphore, #tpu.memory_space<semaphore_mem>> -> memref<!tpu.dma_semaphore, #tpu.memory_space<semaphore_mem>>
    %dma_wait3A_326 = arith.constant 0 : i32
    %dma_wait3A_327 = tpu.memref_slice %arg8[%multiple_of3A_321, %dma_wait3A_326] : memref<131072x128xf32, #tpu.memory_space<hbm>> -> memref<128x128xf32, #tpu.memory_space<hbm>>
    %dma_wait3A_328 = arith.constant 0 : i32
    %dma_wait3A_329 = arith.constant 0 : i32
    %dma_wait3A_330 = tpu.memref_slice %arg11[%arg1, %dma_wait3A_322, %dma_wait3A_328, %dma_wait3A_329] : memref<16x4x128x128xf32, #tpu.memory_space<vmem_shared>> -> memref<1x1x128x128xf32, #tpu.memory_space<vmem_shared>>
    %dma_wait3A_331 = tpu.memref_squeeze %dma_wait3A_330 : memref<1x1x128x128xf32, #tpu.memory_space<vmem_shared>> -> memref<128x128xf32, #tpu.memory_space<vmem_shared>>
    tpu.wait_dma2 semaphore(%dma_wait3A_325 : memref<!tpu.dma_semaphore, #tpu.memory_space<semaphore_mem>>) src(%dma_wait3A_331 : memref<128x128xf32, #tpu.memory_space<vmem_shared>>) dst(%dma_wait3A_327 : memref<128x128xf32, #tpu.memory_space<hbm>>)
    %add3A_332 = arith.constant 3712 : i32
    %add3A_333 = arith.addi %mul3A_71, %add3A_332 : i32
    %multiple_of3A_334 = tpu.assume_multiple %add3A_333, 8 : i32
    %dma_wait3A_335 = arith.constant 1 : i32
    %dma_wait3A_336 = arith.constant 5 : i32
    %dma_wait3A_337 = tpu.memref_slice %arg14[%dma_wait3A_336] : memref<8x!tpu.dma_semaphore, #tpu.memory_space<semaphore_mem>> -> memref<1x!tpu.dma_semaphore, #tpu.memory_space<semaphore_mem>>
    %dma_wait3A_338 = tpu.memref_squeeze %dma_wait3A_337 : memref<1x!tpu.dma_semaphore, #tpu.memory_space<semaphore_mem>> -> memref<!tpu.dma_semaphore, #tpu.memory_space<semaphore_mem>>
    %dma_wait3A_339 = arith.constant 0 : i32
    %dma_wait3A_340 = tpu.memref_slice %arg8[%multiple_of3A_334, %dma_wait3A_339] : memref<131072x128xf32, #tpu.memory_space<hbm>> -> memref<128x128xf32, #tpu.memory_space<hbm>>
    %dma_wait3A_341 = arith.constant 0 : i32
    %dma_wait3A_342 = arith.constant 0 : i32
    %dma_wait3A_343 = tpu.memref_slice %arg11[%arg1, %dma_wait3A_335, %dma_wait3A_341, %dma_wait3A_342] : memref<16x4x128x128xf32, #tpu.memory_space<vmem_shared>> -> memref<1x1x128x128xf32, #tpu.memory_space<vmem_shared>>
    %dma_wait3A_344 = tpu.memref_squeeze %dma_wait3A_343 : memref<1x1x128x128xf32, #tpu.memory_space<vmem_shared>> -> memref<128x128xf32, #tpu.memory_space<vmem_shared>>
    tpu.wait_dma2 semaphore(%dma_wait3A_338 : memref<!tpu.dma_semaphore, #tpu.memory_space<semaphore_mem>>) src(%dma_wait3A_344 : memref<128x128xf32, #tpu.memory_space<vmem_shared>>) dst(%dma_wait3A_340 : memref<128x128xf32, #tpu.memory_space<hbm>>)
    %add3A_345 = arith.constant 3840 : i32
    %add3A_346 = arith.addi %mul3A_71, %add3A_345 : i32
    %multiple_of3A_347 = tpu.assume_multiple %add3A_346, 8 : i32
    %dma_wait3A_348 = arith.constant 2 : i32
    %dma_wait3A_349 = arith.constant 6 : i32
    %dma_wait3A_350 = tpu.memref_slice %arg14[%dma_wait3A_349] : memref<8x!tpu.dma_semaphore, #tpu.memory_space<semaphore_mem>> -> memref<1x!tpu.dma_semaphore, #tpu.memory_space<semaphore_mem>>
    %dma_wait3A_351 = tpu.memref_squeeze %dma_wait3A_350 : memref<1x!tpu.dma_semaphore, #tpu.memory_space<semaphore_mem>> -> memref<!tpu.dma_semaphore, #tpu.memory_space<semaphore_mem>>
    %dma_wait3A_352 = arith.constant 0 : i32
    %dma_wait3A_353 = tpu.memref_slice %arg8[%multiple_of3A_347, %dma_wait3A_352] : memref<131072x128xf32, #tpu.memory_space<hbm>> -> memref<128x128xf32, #tpu.memory_space<hbm>>
    %dma_wait3A_354 = arith.constant 0 : i32
    %dma_wait3A_355 = arith.constant 0 : i32
    %dma_wait3A_356 = tpu.memref_slice %arg11[%arg1, %dma_wait3A_348, %dma_wait3A_354, %dma_wait3A_355] : memref<16x4x128x128xf32, #tpu.memory_space<vmem_shared>> -> memref<1x1x128x128xf32, #tpu.memory_space<vmem_shared>>
    %dma_wait3A_357 = tpu.memref_squeeze %dma_wait3A_356 : memref<1x1x128x128xf32, #tpu.memory_space<vmem_shared>> -> memref<128x128xf32, #tpu.memory_space<vmem_shared>>
    tpu.wait_dma2 semaphore(%dma_wait3A_351 : memref<!tpu.dma_semaphore, #tpu.memory_space<semaphore_mem>>) src(%dma_wait3A_357 : memref<128x128xf32, #tpu.memory_space<vmem_shared>>) dst(%dma_wait3A_353 : memref<128x128xf32, #tpu.memory_space<hbm>>)
    %add3A_358 = arith.constant 3968 : i32
    %add3A_359 = arith.addi %mul3A_71, %add3A_358 : i32
    %multiple_of3A_360 = tpu.assume_multiple %add3A_359, 8 : i32
    %dma_wait3A_361 = arith.constant 3 : i32
    %dma_wait3A_362 = arith.constant 7 : i32
    %dma_wait3A_363 = tpu.memref_slice %arg14[%dma_wait3A_362] : memref<8x!tpu.dma_semaphore, #tpu.memory_space<semaphore_mem>> -> memref<1x!tpu.dma_semaphore, #tpu.memory_space<semaphore_mem>>
    %dma_wait3A_364 = tpu.memref_squeeze %dma_wait3A_363 : memref<1x!tpu.dma_semaphore, #tpu.memory_space<semaphore_mem>> -> memref<!tpu.dma_semaphore, #tpu.memory_space<semaphore_mem>>
    %dma_wait3A_365 = arith.constant 0 : i32
    %dma_wait3A_366 = tpu.memref_slice %arg8[%multiple_of3A_360, %dma_wait3A_365] : memref<131072x128xf32, #tpu.memory_space<hbm>> -> memref<128x128xf32, #tpu.memory_space<hbm>>
    %dma_wait3A_367 = arith.constant 0 : i32
    %dma_wait3A_368 = arith.constant 0 : i32
    %dma_wait3A_369 = tpu.memref_slice %arg11[%arg1, %dma_wait3A_361, %dma_wait3A_367, %dma_wait3A_368] : memref<16x4x128x128xf32, #tpu.memory_space<vmem_shared>> -> memref<1x1x128x128xf32, #tpu.memory_space<vmem_shared>>
    %dma_wait3A_370 = tpu.memref_squeeze %dma_wait3A_369 : memref<1x1x128x128xf32, #tpu.memory_space<vmem_shared>> -> memref<128x128xf32, #tpu.memory_space<vmem_shared>>
    tpu.wait_dma2 semaphore(%dma_wait3A_364 : memref<!tpu.dma_semaphore, #tpu.memory_space<semaphore_mem>>) src(%dma_wait3A_370 : memref<128x128xf32, #tpu.memory_space<vmem_shared>>) dst(%dma_wait3A_366 : memref<128x128xf32, #tpu.memory_space<hbm>>)
    return
  }
}

</mosaic_0001>

<sc_bundles>
// kernel: _update.3.cloned.1.call-start
scs
__scs_entry_jumppad:
0x0: {  	(pc) =	sbr.rel $0x88, $3  }
0x1: {  	(tag) =	ssettag $0x0;
	lr =	simm.s32 $0x1  }
0x2: {  	[smem:$0x3F9C] =	sst lr;
	_ =	strace $0xD0000000  }
0x3: {  	_ = 	snop  }
0x4: {  	_ = 	snop  }
0x5: {  	_ = 	snop  }
0x6: {  	_ = 	snop  }
0x7: {  	_ = 	snop  }
__scs_overlays_trampoline_lowered:
0x8: {  	[smem:$0x3FAB] =	sst s0  }
0x9: {  	[smem:$0x3FAC] =	sst s1  }
0xa: {  	[smem:$0x3FAD] =	sst s2  }
0xb: {  	[smem:$0x3FAE] =	sst s3  }
0xc: {  	[smem:$0x3FAF] =	sst s4  }
0xd: {  	[smem:$0x3FB0] =	sst s5  }
0xe: {  	[smem:$0x3FB1] =	sst s6  }
0xf: {  	[smem:$0x3FB2] =	sst s7  }
0x10: {  	[smem:$0x3FB3] =	sst s8  }
0x11: {  	[smem:$0x3FB4] =	sst s9;
	s0 =	simm.s32 @!p0 $0x0  }
0x12: {  	s1 =	sld [smem:$0x3F9A];
	s0 =	simm.s32 @p0 $0x1  }
0x13: {  	[smem:$0x3FB5] =	sst s0;
	s0 =	simm.s32 @!p1 $0x0  }
0x14: {  	s2 =	sld [smem:$0x3F99];
	s0 =	simm.s32 @p1 $0x1  }
0x15: {  	[smem:$0x3FB6] =	sst s0;
	s0 =	simm.s32 @!p2 $0x0  }
0x16: {  	s3 =	sld [smem:$0x3FDB];
	s0 =	simm.s32 @p2 $0x1  }
0x17: {  	s4 =	simm.s32 $0x1BF5;
	[smem:$0x3FB8] =	sst s0  }
0x18: {  	s0 =	sld [smem:$0x3F9B];
	_ =	swait.ge [sflag:s4], $0x0  }
0x19: {  	s7 =	sld [smem:$0x3F9C]  }
0x1a: {  	s8 =	sadd.s32 $0xFFFFE003, lr  }
0x1b: {  	s9 =	sadd.s32 $0xFFFFFEF7, lr;
	s5 =	simm.s32 $0xFFFFFFFF;
	p2 =	slt.u32 s8, $0xFFFFF086  }
0x1c: {  	p1 =	slt.u32 s9, $0xF7A;
	s5 =	simm.s32 @!p2 $0x0  }
0x1d: {  	s5 =	simm.s32 @p1 $0x1;
	p0 =	seq.s32 s7, s2  }
0x1e: {  	s7 =	smul.u32 @!p0 $0xF7A, s2;
	p2 =	seq.s32 @!p0 s5, $0x0  }
0x1f: {  	s9 =	smul.u32 $0xF7A, s1;
	s8 =	simm.s32 @!p0 $0x1BF5;
	p2 =	por !p2, p0  }
0x20: {  	[sflag:s8] =	ssyncset.s32 @!p0 $0xFFFFF086;
	s6 =	sadd.s32 @!p0 s3, s7;
	s7 =	simm.s32 @!p0 $0x108  }
0x21: {  	s3 =	sadd.s32 s3, s9;
	s6 =	sadd.s32 @!p0 $0x88, s6;
	s7 =	simm.s32 @p2 $0x1082  }
0x22: {  	[simem:s7], [sflag:s8] =	dma.local @!p0 [hbm:s6], $0xF7A  }
0x23: {  	s9 =	sor.u32 $0xD0000000, s2;
	s6 =	simm.s32 $0x108;
	_ =	swait.ge @!p0 [sflag:s8], $0x0  }
0x24: {  	s3 =	sadd.s32 $0x88, s3;
	s6 =	simm.s32 @!p1 $0x1082;
	[sflag:s4] =	ssyncset.s32 $0xFFFFF086  }
0x25: {  	[simem:s6], [sflag:s4] =	dma.local [hbm:s3], $0xF7A  }
0x26: {  	[smem:$0x3F9C] =	sst s1;
	(tag) =	ssettag s2;
	_ =	strace s9  }
0x27: {  	s1 =	sld [smem:$0x3FAC]  }
0x28: {  	s2 =	sld [smem:$0x3FAD]  }
0x29: {  	s4 =	sld [smem:$0x3FAF]  }
0x2a: {  	p0 =	seq.s32 s5, $0x0;
	s5 =	sld [smem:$0x3FB0]  }
0x2b: {  	s6 =	sld [smem:$0x3FB1]  }
0x2c: {  	s7 =	sld [smem:$0x3FB2]  }
0x2d: {  	s3 =	simm.s32 $0x108;
	s8 =	sld [smem:$0x3FB3]  }
0x2e: {  	s3 =	simm.s32 @!p0 $0x1082;
	s9 =	sld [smem:$0x3FB4]  }
0x2f: {  	lr =	sadd.s32 s0, s3;
	s0 =	sld [smem:$0x3FAB]  }
0x30: {  	s3 =	sld [smem:$0x3FAE]  }
0x31: {  	[smem:$0x3FB7] =	sst s10  }
0x32: {  	s10 =	sld [smem:$0x3FB5];
	_ =	sdelay $0x3  }
0x33: {  	p0 =	seq.s32 s10, $0x1;
	s10 =	sld [smem:$0x3FB7];
	_ =	sdelay $0x3  }
0x34: {  	[smem:$0x3FB7] =	sst s10  }
0x35: {  	s10 =	sld [smem:$0x3FB6];
	_ =	sdelay $0x3  }
0x36: {  	p1 =	seq.s32 s10, $0x1;
	s10 =	sld [smem:$0x3FB7];
	_ =	sdelay $0x3  }
0x37: {  	[smem:$0x3FB7] =	sst s10  }
0x38: {  	s10 =	sld [smem:$0x3FB8]  }
0x39: {  	_ = 	snop;
	(pc) =	sbr.ind lr, $3  }
0x3a: {  	_ = 	snop  }
0x3b: {  	_ = 	snop  }
0x3c: {  	p2 =	seq.s32 s10, $0x1;
	s10 =	sld [smem:$0x3FB7]  }
0x3d: {  	_ =	shalt  }
0x3e: {  	_ =	shalt  }
0x3f: {  	_ =	shalt  }
0x40: {  	_ =	shalt  }
0x41: {  	_ =	shalt  }
0x42: {  	_ =	shalt  }
0x43: {  	_ =	shalt  }
0x44: {  	_ =	shalt  }
0x45: {  	_ =	shalt  }
0x46: {  	_ =	shalt  }
0x47: {  	_ =	shalt  }
0x48: {  	_ =	shalt  }
0x49: {  	_ =	shalt  }
0x4a: {  	_ =	shalt  }
0x4b: {  	_ =	shalt  }
0x4c: {  	_ =	shalt  }
0x4d: {  	_ =	shalt  }
0x4e: {  	_ =	shalt  }
0x4f: {  	_ =	shalt  }
0x50: {  	_ =	shalt  }
0x51: {  	_ =	shalt  }
0x52: {  	_ =	shalt  }
0x53: {  	_ =	shalt  }
0x54: {  	_ =	shalt  }
0x55: {  	_ =	shalt  }
0x56: {  	_ =	shalt  }
0x57: {  	_ =	shalt  }
0x58: {  	_ =	shalt  }
0x59: {  	_ =	shalt  }
0x5a: {  	_ =	shalt  }
0x5b: {  	_ =	shalt  }
0x5c: {  	_ =	shalt  }
0x5d: {  	_ =	shalt  }
0x5e: {  	_ =	shalt  }
0x5f: {  	_ =	shalt  }
0x60: {  	_ =	shalt  }
0x61: {  	_ =	shalt  }
0x62: {  	_ =	shalt  }
0x63: {  	_ =	shalt  }
0x64: {  	_ =	shalt  }
0x65: {  	_ =	shalt  }
0x66: {  	_ =	shalt  }
0x67: {  	_ =	shalt  }
0x68: {  	_ =	shalt  }
0x69: {  	_ =	shalt  }
0x6a: {  	_ =	shalt  }
0x6b: {  	_ =	shalt  }
0x6c: {  	_ =	shalt  }
0x6d: {  	_ =	shalt  }
0x6e: {  	_ =	shalt  }
0x6f: {  	_ =	shalt  }
0x70: {  	_ =	shalt  }
0x71: {  	_ =	shalt  }
0x72: {  	_ =	shalt  }
0x73: {  	_ =	shalt  }
0x74: {  	_ =	shalt  }
0x75: {  	_ =	shalt  }
0x76: {  	_ =	shalt  }
0x77: {  	_ =	shalt  }
0x78: {  	_ =	shalt  }
0x79: {  	_ =	shalt  }
0x7a: {  	_ =	shalt  }
0x7b: {  	_ =	shalt  }
0x7c: {  	_ =	shalt  }
0x7d: {  	_ =	shalt  }
0x7e: {  	_ =	shalt  }
0x7f: {  	_ =	shalt  }
0x80: {  	_ =	shalt  }
0x81: {  	_ =	shalt  }
0x82: {  	_ =	shalt  }
0x83: {  	_ =	shalt  }
0x84: {  	_ =	shalt  }
0x85: {  	_ =	shalt  }
0x86: {  	_ =	shalt  }
0x87: {  	_ =	shalt  }
.Lfunc_end0:
.L_simem_size_0:
called_computation_lowered:
.L_overlay_start_0:
0x88: {  	s2 =	sld [smem:$0x3FD9]  }
0x89: {  	s3 =	sld [smem:$0x3FFE];
	_ =	sdelay $0x1  }
0x8a: {  	s1 =	srdreg.scid  }
0x8b: {  	s0 =	sand.u32 $0x1, s1  }
0x8c: {  	s15 =	sshll.u32 s0, $0xA;
	s2 =	sadd.s32 s3, s2  }
0x8d: {  	s2 =	sadd.s32 s2, s15  }
0x8e: {  	[smem:$0x3FC3] =	sst s2  }
0x8f: {  	_ = 	snop  }
0x90: {  	s2 =	sld [smem:$0x3FC9]  }
0x91: {  	s16 =	sld [smem:$0x3FC8]  }
0x92: {  	s4 =	sld [smem:$0x3FD0]  }
0x93: {  	s5 =	sld [smem:$0x3FC7]  }
0x94: {  	s6 =	sld [smem:$0x3FC6]  }
0x95: {  	s8 =	simm.s32 $0xA;
	s9 =	simm.s32 $0x10;
	s7 =	sld [smem:$0x3FC5]  }
0x96: {  	[smem:s9], [sflag:s8] =	dma.local [hbm:s4], $0x1  }
0x97: {  	_ =	swait.eq [sflag:s8], $0x1  }
0x98: {  	[sflag:s8] =	ssyncset.done $0x0  }
0x99: {  	s17 =	sld [smem:$0x10];
	[sflag:s8] =	ssyncadd.s32 $0xFFFFFFFF  }
0x9a: {  	s18 =	sld [smem:$0x11];
	(tm) =	ssettm $0x1  }
0x9b: {  	s19 =	sld [smem:$0x3FFB];
	_ =	sdelay $0x3  }
0x9c: {  	_ =	strace s19  }
0x9d: {  	s9 =	sld [smem:$0x3FFC];
	_ =	sdelay $0x3  }
0x9e: {  	_ =	strace s9  }
0x9f: {  	s9 =	sld [smem:$0x3FFD];
	_ =	sdelay $0x3  }
0xa0: {  	_ =	strace s9  }
0xa1: {  	_ =	strace $0x8FFFFFFF  }
0xa2: {  	s20 =	sld [smem:$0x3FDB];
	_ =	sdelay $0x1  }
0xa3: {  	s10 =	simm.s32 $_scs_section_size  }
0xa4: {  	s11 =	simm.s32 $_size__tile_overlayer_lowered;
	s12 =	simm.s32 $_tile_overlayer_lowered  }
0xa5: {  	s23 =	simm.s32 $0x1BFF;
	s22 =	sshll.u32 s12, $0x1;
	s9 =	sadd.s32 s10, s20  }
0xa6: {  	s13 =	simm.s32 $0x0;
	s21 =	sshll.u32 s11, $0x1;
	s11 =	sadd.s32 s22, s9  }
0xa7: {  	[timem:s13], [sflag:s23] =	dma.local [hbm:s11], s21  }
0xa8: {  	_ =	swait.ge [sflag:s23], s21  }
0xa9: {  	s10 =	ssub.s32 $0x0, s21;
	[sflag:s23] =	ssyncset.done $0x0  }
0xaa: {  	[sflag:s23] =	ssyncadd.s32 s10;
	_ =	sdelay $0x1  }
0xab: {  	s24 =	simm.s32 $0x1B8B  }
0xac: {  	_ =	swait.ge [sflag:s24], $0x1  }
0xad: {  	[sflag:s24] =	ssyncset.done $0x0  }
0xae: {  	s25 =	simm.s32 $0x1B8E;
	[sflag:s24] =	ssyncadd.s32 $0xFFFFFFFF  }
0xaf: {  	s26 =	simm.s32 $execute0_lowered;
	[smem:$0x3FD2] =	sst s25  }
0xb0: {  	s10 =	sshll.u32 s26, $0x1;
	_ =	strace $0x80000046;
	[dreg:$0x1] =	wrdreg $0xFFFFFFFF  }
0xb1: {  	s28 =	simm.s32 $_size_execute0_lowered;
	s9 =	sadd.s32 s9, s10;
	[dreg:$0x0] =	wrdreg $0x0  }
0xb2: {  	s10 =	sshll.u32 s28, $0x1;
	[dreg:$0x2] =	wrdreg s9  }
0xb3: {  	[dreg:$0x3] =	wrdreg s10  }
0xb4: {  	[dreg:$0x4] =	wrdreg $0xC0  }
0xb5: {  	_ =	task [dreg:s13], $0x5FFFF  }
0xb6: {  	[dreg:$0x1] =	wrdreg $0xFFFFFFFF  }
0xb7: {  	[dreg:$0x0] =	wrdreg $0x60  }
0xb8: {  	[dreg:$0x2] =	wrdreg s2  }
0xb9: {  	[dreg:$0x3] =	wrdreg s16  }
0xba: {  	[dreg:$0x4] =	wrdreg s5  }
0xbb: {  	[dreg:$0x5] =	wrdreg s6  }
0xbc: {  	[dreg:$0x6] =	wrdreg s7  }
0xbd: {  	[dreg:$0x7] =	wrdreg s17  }
0xbe: {  	[dreg:$0x8] =	wrdreg s18  }
0xbf: {  	[dreg:$0x9] =	wrdreg $0x80800  }
0xc0: {  	[dreg:$0xa] =	wrdreg $0x9  }
0xc1: {  	_ =	task.clear_ibuf [dreg:s13], $0xBFFFF;
	_ =	strace $0x90000046  }
0xc2: {  	s29 =	simm.s32 $0x9;
	_ =	strace $0x80000048  }
0xc3: {  	_ =	swait.ge [sflag:s29], $0x1  }
0xc4: {  	[sflag:s29] =	ssyncadd.s32 $0xFFFFFFFF  }
0xc5: {  	_ =	strace $0x90000048  }
0xc6: {  	_ =	sfence  }
0xc7: {  	s30 =	sld [smem:$0x0];
	_ =	sdelay $0x2  }
0xc8: {  	s31 =	sshll.u32 s1, $0xD;
	s1 =	sshrl.u32 s1, $0x2  }
0xc9: {  	s3 =	sand.u32 $0x4000, s31;
	s1 =	sadd.s32 s1, s30  }
0xca: {  	s0 =	sor.u32 s3, s0;
	s1 =	sshll.u32 s1, $0x11  }
0xcb: {  	s0 =	sor.u32 s1, s0  }
0xcc: {  	s0 =	sadd.s32 $0x8F2B, s0  }
0xcd: {  	[sflag:s0] =	ssyncadd.remote.s32 $0x1  }
0xce: {  	_ =	sfence.sel $0xFFFF  }
0xcf: {  	[dreg:$0x0] =	wrdreg $0xFFFFFFFF;
	(pc) =	sbr.abs _section_cstart, $3  }
0xd0: {  	[dreg:$0x1] =	wrdreg $0xFFFFFFFF  }
0xd1: {  	_ =	task.clear_ibuf [dreg:s13], $0x2FFFF;
	_ =	strace $0x9FFFFFFF  }
0xd2: {  	(tm) =	ssettm $0x7FFFFFFF  }
0xd3: {  	_ =	shalt  }
tec
execute0_lowered:
.L_overlay_start_1:
0x0: {  	(tag) =	ssettag $0x1  }
0x1: {  	s12 =	rddreg [dreg:$0x1]  }
0x2: {  	s0 =	rddreg [dreg:$0x2]  }
0x3: {  	s1 =	rddreg [dreg:$0x3]  }
0x4: {  	s2 =	rddreg [dreg:$0x5]  }
0x5: {  	s3 =	rddreg [dreg:$0x6]  }
0x6: {  	s4 =	rddreg [dreg:$0x7]  }
0x7: {  	s5 =	simm.s32 $0x0;
	s6 =	srdreg.scid;
	s13 =	stileid.u32  }
0x8: {  	s28 =	simm.s32 $0x4080;
	s30 =	simm.s32 $0x2;
	s31 =	simm.s32 $0x9  }
0x9: {  	[smem:$0x7FF] =	sst s5;
	s6 =	sand.u32 $0x1, s6;
	s7 =	sshll.u32 s13, $0x1  }
0xa: {  	s11 =	sshll.u32 s13, $0x10;
	s22 =	sshll.u32 s13, $0x11;
	s26 =	sshll.u32 s13, $0xD  }
0xb: {  	_ =	strace $0x80000047;
	s8 =	ssub.s32 $0x2, s6;
	s7 =	sor.u32 s6, s7  }
0xc: {  	s17 =	sadd.s32 s11, s4;
	s23 =	sadd.s32 s22, s12;
	s24 =	sshll.u32 s6, $0x10  }
0xd: {  	s3 =	sadd.s32 s22, s3;
	s4 =	sadd.s32 $0x4000, s17;
	[dreg:$0xa] =	wrdreg s17  }
0xe: {  	s29 =	sshll.u32 s6, $0xC;
	s20 =	sadd.s32 $0x8000, s17;
	[dreg:$0xd] =	wrdreg s4  }
0xf: {  	s6 =	simm.s32 $0xF;
	s18 =	sshll.u32 s7, $0xC;
	[dreg:$0xf] =	wrdreg s20  }
0x10: {  	s10 =	sshll.u32 s7, $0x5;
	s25 =	sadd.s32 s24, s3;
	[dreg:$0xc] =	wrdreg s18  }
0x11: {  	s9 =	sshrl.u32 s8, $0x1;
	s0 =	sadd.s32 s0, s10;
	[dreg:$0x14] =	wrdreg s25  }
0x12: {  	s3 =	simm.s32 $0xA;
	s1 =	sadd.s32 s1, s10;
	[dreg:$0x9] =	wrdreg s0  }
0x13: {  	s8 =	ssub.s32 s8, s9;
	s19 =	sor.u32 $0x80, s18;
	[dreg:$0xb] =	wrdreg s1  }
0x14: {  	s25 =	simm.s32 $0x80;
	[dreg:$0xe] =	wrdreg s19;
	s1 =	sor.u32 $0x100, s18  }
0x15: {  	s20 =	simm.s32 $0x7;
	s0 =	sadd.s32 $0xC000, s17;
	[dreg:$0x10] =	wrdreg s1  }
.Ltmp0:
0x16: {  	s21 =	smax.u32 s8, $0x1;
	[dreg:$0x11] =	wrdreg s0;
	(pc) =	sbr.rel .LBB2_1-.Ltmp0, $4  }
0x17: {  	[dreg:$0x12] =	wrdreg s21;
	s1 =	sadd.s32 s24, s23;
	s0 =	sadd.s32 s22, s2  }
0x18: {  	s4 =	simm.s32 $0x0;
	[dreg:$0x13] =	wrdreg s1;
	s0 =	sadd.s32 s24, s0  }
0x19: {  	s2 =	simm.s32 $0x6;
	[dreg:$0x15] =	wrdreg s0;
	s0 =	sor.u32 s29, s26  }
0x1a: {  	s21 =	simm.s32 $0x8;
	s26 =	simm.s32 $0x1;
	[dreg:$0x16] =	wrdreg s0  }
.LBB2_4:
0x1b: {  	_ =	swait.ge [sflag:s31], $0x4000  }
0x1c: {  	[sflag:s31] =	ssyncset.done $0x0  }
0x1d: {  	[sflag:s31] =	ssyncadd.s32 $0xFFFFC000  }
0x1e: {  	_ =	swait.ge [sflag:s3], $0x4000  }
0x1f: {  	[sflag:s3] =	ssyncset.done $0x0  }
0x20: {  	s0 =	simm.s32 $0xD;
	[sflag:s3] =	ssyncadd.s32 $0xFFFFC000  }
0x21: {  	_ =	swait.ge [sflag:s0], $0x800  }
0x22: {  	[sflag:s0] =	ssyncset.done $0x0  }
0x23: {  	s24 =	simm.s32 $0xE;
	[sflag:s0] =	ssyncadd.s32 $0xFFFFF800  }
0x24: {  	_ =	swait.ge [sflag:s24], $0x800  }
0x25: {  	[sflag:s24] =	ssyncset.done $0x0  }
0x26: {  	[sflag:s24] =	ssyncadd.s32 $0xFFFFF800  }
0x27: {  	_ =	swait.ge [sflag:s6], $0x800  }
0x28: {  	[sflag:s6] =	ssyncset.done $0x0  }
0x29: {  	s1 =	simm.s32 $0x10;
	[sflag:s6] =	ssyncadd.s32 $0xFFFFF800  }
0x2a: {  	_ =	swait.ge [sflag:s1], $0x800  }
0x2b: {  	s4 =	rddreg [dreg:$0x17]  }
0x2c: {  	s29 =	rddreg [dreg:$0x12];
	s4 =	sadd.s32 $0x1, s4  }
0x2d: {  	p0 =	sne.s32 s4, s29  }
.Ltmp1:
0x2e: {  	_ = 	snop;
	(pc) =	sbr.rel @!p0 .LBB2_5-.Ltmp1, $3  }
0x2f: {  	_ =	sdelay $0x1  }
0x30: {  	[sflag:s1] =	ssyncset.done $0x0  }
0x31: {  	[sflag:s1] =	ssyncadd.s32 $0xFFFFF800  }
.LBB2_1:
0x32: {  	[dreg:$0x17] =	wrdreg s4  }
0x33: {  	s0 =	rddreg [dreg:$0x4]  }
0x34: {  	[tilespmem:s5], [sflag:$0x11] =	stream.linear.gather [hbm4b:s0+s5], $0x80, $0x38;
	[tilespmem:$0x18280] =	vst v63  }
0x35: {  	s10 =	rddreg [dreg:$0x9];
	s1 =	simm.s32 $0x18080  }
0x36: {  	[tilespmem:s1], [sflag:$0x12] =	stream.linear.gather [hbm4b:s10+s5], $0x100, $0x38;
	[tilespmem:$0x18280] =	vst v63  }
0x37: {  	s11 =	rddreg [dreg:$0xb];
	s12 =	simm.s32 $0x18180;
	s13 =	simm.s32 $0x11  }
0x38: {  	[tilespmem:s12], [sflag:$0x13] =	stream.linear.gather [hbm4b:s11+s5], $0x100, $0x38;
	[tilespmem:$0x18280] =	vst v63  }
0x39: {  	_ =	swait.ge [sflag:s13], $0x80  }
0x3a: {  	[sflag:s13] =	ssyncset.done $0x0  }
0x3b: {  	[sflag:s13] =	ssyncadd.s32 $0xFFFFFF80  }
0x3c: {  	v0 =	vld [tilespmem:$0x0];
	_ =	sdelay $0x4  }
0x3d: {  	(v2sf) =	vpush v0, $0x0  }
0x3e: {  	(v2sf) =	vpush v0, $0x1;
	_ =	sdelay $0xd  }
0x3f: {  	s7 =	spop (v2sf)  }
0x40: {  	s14 =	simm.s32 $0x12;
	s0 =	spop (v2sf)  }
0x41: {  	_ =	swait.ge [sflag:s14], $0x100  }
0x42: {  	[sflag:s14] =	ssyncset.done $0x0  }
0x43: {  	s15 =	simm.s32 $0x13;
	[sflag:s14] =	ssyncadd.s32 $0xFFFFFF00  }
0x44: {  	_ =	swait.ge [sflag:s15], $0x100  }
0x45: {  	[sflag:s15] =	ssyncset.done $0x0  }
0x46: {  	[sflag:s15] =	ssyncadd.s32 $0xFFFFFF00  }
0x47: {  	v0 =	vld [tilespmem:$0x18080]  }
0x48: {  	v1 =	vld [tilespmem:$0x18090]  }
0x49: {  	v2 =	vld [tilespmem:$0x180A0]  }
0x4a: {  	v3 =	vld [tilespmem:$0x180B0]  }
0x4b: {  	v4 =	vld [tilespmem:$0x180C0]  }
0x4c: {  	v5 =	vld [tilespmem:$0x180D0]  }
0x4d: {  	s18 =	stileid.u32;
	v6 =	vld [tilespmem:$0x180E0]  }
0x4e: {  	s12 =	sshll.u32 s18, $0x6;
	v7 =	vld [tilespmem:$0x180F0]  }
0x4f: {  	s4 =	sor.u32 $0x1C05, s12;
	v8 =	vld [tilespmem:$0x18100]  }
0x50: {  	s10 =	sor.u32 $0x1C06, s12;
	[dreg:$0x18] =	wrdreg s4;
	v9 =	vld [tilespmem:$0x18110]  }
0x51: {  	s18 =	sshll.u32 s7, $0x4;
	s19 =	sshra.s32 s0, $0x1F;
	s16 =	rddreg [dreg:$0xc];
	v10 =	vld [tilespmem:$0x18120]  }
0x52: {  	s29 =	sshll.u32 s0, $0x7;
	p0 =	slt.s32 s0, $0x1;
	s13 =	rddreg [dreg:$0xa];
	v11 =	vld [tilespmem:$0x18130]  }
0x53: {  	s22 =	sshrl.u32 s19, $0x19;
	s1 =	sadd.s32 s16, s7;
	v12 =	vld [tilespmem:$0x18140];
	s9 =	rddreg [dreg:$0x0]  }
0x54: {  	s8 =	sshrl.u32 s13, $0x3;
	v13 =	vld [tilespmem:$0x18150];
	s1 =	sshll.u32 s1, $0x4;
	s11 =	rddreg [dreg:$0x1]  }
0x55: {  	v14 =	vld [tilespmem:$0x18160];
	[dreg:$0x19] =	wrdreg s8;
	s17 =	sadd.s32 s9, s1;
	s1 =	sadd.s32 s11, s1  }
0x56: {  	v15 =	vld [tilespmem:$0x18170];
	[tilespmem:s25], [sflag:$0x1] =	stream.linear.gather [hbm4b:s17+s5], $0x4000, $0x38  }
0x57: {  	[spmem:s8], [sflag:s4] =	dma.local [hbm:s1], $0x800  }
0x58: {  	s24 =	sadd.s32 s22, s0;
	s14 =	sor.u32 $0x1C07, s12;
	s1 =	rddreg [dreg:$0xe]  }
0x59: {  	s16 =	sand.u32 $0xFFFFFF80, s24;
	s8 =	rddreg [dreg:$0xd];
	s1 =	sadd.s32 s1, s7  }
0x5a: {  	[dreg:$0x1a] =	wrdreg s10;
	s8 =	sshrl.u32 s8, $0x3;
	s1 =	sshll.u32 s1, $0x4  }
0x5b: {  	p1 =	sne.s32 s0, s16;
	[dreg:$0x1b] =	wrdreg s8;
	s1 =	sadd.s32 s11, s1  }
0x5c: {  	[spmem:s8], [sflag:s10] =	dma.local [hbm:s1], $0x800  }
0x5d: {  	p0 =	por !p0, !p1;
	s17 =	sshra.s32 s24, $0x7;
	[dreg:$0x1c] =	wrdreg s14  }
0x5e: {  	p0 =	por !p0, !p0;
	s10 =	sadd.s32 $0x4000, s29;
	s23 =	rddreg [dreg:$0x10]  }
0x5f: {  	s15 =	rddreg [dreg:$0xf];
	s22 =	sand.u32 $0x3F80, s10;
	s4 =	sadd.s32 s23, s7  }
0x60: {  	s1 =	sshrl.u32 s15, $0x3;
	s23 =	sadd.s32 s22, s13;
	s4 =	sshll.u32 s4, $0x4  }
0x61: {  	s24 =	sadd.s32 $0x4000, s23;
	s0 =	sadd.s32 $0xC000, s23;
	s4 =	sadd.s32 s11, s4  }
0x62: {  	[spmem:s1], [sflag:s14] =	dma.local [hbm:s4], $0x800  }
0x63: {  	s11 =	simm.s32 $0x1;
	s4 =	sadd.s32 $0x8000, s23;
	s19 =	rddreg [dreg:$0x16]  }
0x64: {  	s11 =	simm.s32 @!p0 $0x0;
	s29 =	rddreg [dreg:$0x13];
	s7 =	sadd.s32 s7, s19  }
0x65: {  	s10 =	ssub.s32 s17, s11;
	s17 =	simm.s32 $0x0;
	s7 =	sshll.u32 s7, $0x4  }
0x66: {  	s8 =	sadd.s32 s18, s29;
	s14 =	sadd.s32 $0xFFFFFFFD, s10;
	s11 =	sadd.s32 s7, s9  }
.LBB2_2:
0x67: {  	_ =	swait.ge [sflag:s26], $0x4000  }
0x68: {  	[sflag:s26] =	ssyncset.done $0x0  }
0x69: {  	p0 =	seq.s32 s14, $0xFFFFFFED;
	[sflag:s26] =	ssyncadd.s32 $0xFFFFC000  }
0x6a: {  	[tilespmem:s22+$0x80] =	vst @p0 v8  }
0x6b: {  	[tilespmem:s22+$0x90] =	vst @p0 v9  }
0x6c: {  	[tilespmem:s22+$0xA0] =	vst @p0 v10  }
0x6d: {  	[tilespmem:s22+$0xB0] =	vst @p0 v11  }
0x6e: {  	[tilespmem:s22+$0xC0] =	vst @p0 v12  }
0x6f: {  	[tilespmem:s22+$0xD0] =	vst @p0 v13  }
0x70: {  	p1 =	sne.s32 @!p0 s14, $0xFFFFFFFD;
	[tilespmem:s22+$0xE0] =	vst @p0 v14  }
0x71: {  	p1 =	por p1, p0;
	[tilespmem:s22+$0xF0] =	vst @p0 v15  }
0x72: {  	[tilespmem:s22+$0x80] =	vst @!p1 v0  }
0x73: {  	[tilespmem:s22+$0x90] =	vst @!p1 v1  }
0x74: {  	[tilespmem:s22+$0xA0] =	vst @!p1 v2  }
0x75: {  	[tilespmem:s22+$0xB0] =	vst @!p1 v3  }
0x76: {  	[tilespmem:s22+$0xC0] =	vst @!p1 v4  }
0x77: {  	[tilespmem:s22+$0xD0] =	vst @!p1 v5  }
0x78: {  	p2 =	seq.s32 s17, $0x0;
	s7 =	rddreg [dreg:$0x15];
	[tilespmem:s22+$0xE0] =	vst @!p1 v6  }
0x79: {  	s10 =	simm.s32 @!p2 $0xA;
	s7 =	sadd.s32 s17, s7;
	[tilespmem:s22+$0xF0] =	vst @!p1 v7  }
0x7a: {  	[hbm4b:s7+s5] =	stream.linear.scatter [tilespmem:s25], [sflag:$0x9], $0x4000, $0x38;
	[tilespmem:$0x18280] =	vst v63  }
0x7b: {  	_ =	swait.ge @!p2 [sflag:s10], $0x4000  }
0x7c: {  	s15 =	sadd.s32 s17, s11;
	[sflag:s10] =	ssyncset.done @!p2 $0x0  }
0x7d: {  	s9 =	sadd.s32 $0x800, s15;
	[sflag:s10] =	ssyncadd.s32 @!p2 $0xFFFFC000  }
0x7e: {  	[tilespmem:s28], [sflag:$0x2] =	stream.linear.gather [hbm4b:s9+s5], $0x4000, $0x38;
	[tilespmem:$0x18280] =	vst v63  }
0x7f: {  	s9 =	simm.s32 $0x5  }
0x80: {  	_ =	swait.ge [sflag:s9], $0x800  }
0x81: {  	[sflag:s9] =	ssyncset.done $0x0  }
0x82: {  	s10 =	simm.s32 @p0 $0x18200;
	[sflag:s9] =	ssyncadd.s32 $0xFFFFF800  }
0x83: {  	[spmem:s23] =	stream.linear.scatter @p0 [tilespmem:s10], [sflag:$0x14], $0x80, $0x38;
	[tilespmem:$0x18280] =	vst v63  }
0x84: {  	s10 =	simm.s32 @p0 $0x14  }
0x85: {  	_ =	swait.ge @p0 [sflag:s10], $0x80  }
0x86: {  	[sflag:s10] =	ssyncset.done @p0 $0x0  }
0x87: {  	[sflag:s10] =	ssyncadd.s32 @p0 $0xFFFFFF80;
	s10 =	simm.s32 @!p1 $0x18180  }
0x88: {  	[spmem:s23] =	stream.linear.scatter @!p1 [tilespmem:s10], [sflag:$0x14], $0x80, $0x38;
	[tilespmem:$0x18280] =	vst v63  }
0x89: {  	s10 =	simm.s32 @!p1 $0x14  }
0x8a: {  	_ =	swait.ge @!p1 [sflag:s10], $0x80  }
0x8b: {  	s13 =	rddreg [dreg:$0x14]  }
0x8c: {  	s16 =	sor.u32 $0x1C0D, s12;
	[sflag:s10] =	ssyncset.done @!p1 $0x0;
	s19 =	rddreg [dreg:$0x19]  }
0x8d: {  	[sflag:s10] =	ssyncadd.s32 @!p1 $0xFFFFFF80;
	s18 =	sadd.s32 s17, s13;
	s10 =	simm.s32 @!p2 $0x10  }
0x8e: {  	[hbm:s18], [sflag:s16] =	dma.local [spmem:s19], $0x800  }
0x8f: {  	_ =	swait.ge @!p2 [sflag:s10], $0x800  }
0x90: {  	[sflag:s10] =	ssyncset.done @!p2 $0x0  }
0x91: {  	s13 =	rddreg [dreg:$0x11];
	[sflag:s10] =	ssyncadd.s32 @!p2 $0xFFFFF800;
	s10 =	sadd.s32 s17, s8  }
0x92: {  	s29 =	sor.u32 $0x1C08, s12;
	s13 =	sshrl.u32 s13, $0x3;
	s16 =	sadd.s32 $0x1800, s10  }
0x93: {  	[spmem:s13], [sflag:s29] =	dma.local [hbm:s16], $0x800  }
0x94: {  	_ =	swait.ge [sflag:s30], $0x4000  }
0x95: {  	[sflag:s30] =	ssyncset.done $0x0  }
0x96: {  	p0 =	seq.s32 s14, $0xFFFFFFEE;
	[sflag:s30] =	ssyncadd.s32 $0xFFFFC000  }
0x97: {  	[tilespmem:s22+$0x4080] =	vst @p0 v8  }
0x98: {  	[tilespmem:s22+$0x4090] =	vst @p0 v9  }
0x99: {  	[tilespmem:s22+$0x40A0] =	vst @p0 v10  }
0x9a: {  	[tilespmem:s22+$0x40B0] =	vst @p0 v11  }
0x9b: {  	[tilespmem:s22+$0x40C0] =	vst @p0 v12  }
0x9c: {  	[tilespmem:s22+$0x40D0] =	vst @p0 v13  }
0x9d: {  	p1 =	sne.s32 @!p0 s14, $0xFFFFFFFE;
	[tilespmem:s22+$0x40E0] =	vst @p0 v14  }
0x9e: {  	p1 =	por p1, p0;
	[tilespmem:s22+$0x40F0] =	vst @p0 v15  }
0x9f: {  	[tilespmem:s22+$0x4080] =	vst @!p1 v0  }
0xa0: {  	[tilespmem:s22+$0x4090] =	vst @!p1 v1  }
0xa1: {  	[tilespmem:s22+$0x40A0] =	vst @!p1 v2  }
0xa2: {  	[tilespmem:s22+$0x40B0] =	vst @!p1 v3  }
0xa3: {  	[tilespmem:s22+$0x40C0] =	vst @!p1 v4  }
0xa4: {  	[tilespmem:s22+$0x40D0] =	vst @!p1 v5  }
0xa5: {  	[tilespmem:s22+$0x40E0] =	vst @!p1 v6  }
0xa6: {  	s19 =	sadd.s32 $0x800, s7;
	[tilespmem:s22+$0x40F0] =	vst @!p1 v7  }
0xa7: {  	[hbm4b:s19+s5] =	stream.linear.scatter [tilespmem:s28], [sflag:$0xA], $0x4000, $0x38;
	[tilespmem:$0x18280] =	vst v63  }
0xa8: {  	_ =	swait.ge [sflag:s31], $0x4000  }
0xa9: {  	[sflag:s31] =	ssyncset.done $0x0  }
0xaa: {  	s29 =	sadd.s32 $0x1000, s15;
	[sflag:s31] =	ssyncadd.s32 $0xFFFFC000  }
0xab: {  	[tilespmem:s25], [sflag:$0x1] =	stream.linear.gather [hbm4b:s29+s5], $0x4000, $0x38;
	[tilespmem:$0x18280] =	vst v63  }
0xac: {  	_ =	swait.ge [sflag:s2], $0x800  }
0xad: {  	[sflag:s2] =	ssyncset.done $0x0  }
0xae: {  	s9 =	simm.s32 @p0 $0x18200;
	[sflag:s2] =	ssyncadd.s32 $0xFFFFF800  }
0xaf: {  	[spmem:s24] =	stream.linear.scatter @p0 [tilespmem:s9], [sflag:$0x14], $0x80, $0x38;
	[tilespmem:$0x18280] =	vst v63  }
0xb0: {  	s9 =	simm.s32 @p0 $0x14  }
0xb1: {  	_ =	swait.ge @p0 [sflag:s9], $0x80  }
0xb2: {  	[sflag:s9] =	ssyncset.done @p0 $0x0  }
0xb3: {  	[sflag:s9] =	ssyncadd.s32 @p0 $0xFFFFFF80;
	s9 =	simm.s32 @!p1 $0x18180  }
0xb4: {  	[spmem:s24] =	stream.linear.scatter @!p1 [tilespmem:s9], [sflag:$0x14], $0x80, $0x38;
	[tilespmem:$0x18280] =	vst v63  }
0xb5: {  	s9 =	simm.s32 @!p1 $0x14  }
0xb6: {  	s16 =	sadd.s32 $0x800, s18;
	_ =	swait.ge @!p1 [sflag:s9], $0x80  }
0xb7: {  	s29 =	sor.u32 $0x1C0E, s12;
	p0 =	seq.s32 s17, $0xE000;
	[sflag:s9] =	ssyncset.done @!p1 $0x0  }
0xb8: {  	s19 =	rddreg [dreg:$0x1b];
	[sflag:s9] =	ssyncadd.s32 @!p1 $0xFFFFFF80;
	s9 =	simm.s32 @!p0 $0xD  }
0xb9: {  	[hbm:s16], [sflag:s29] =	dma.local [spmem:s19], $0x800  }
0xba: {  	_ =	swait.ge @!p0 [sflag:s9], $0x800  }
0xbb: {  	s19 =	rddreg [dreg:$0xa]  }
0xbc: {  	s16 =	sadd.s32 @!p0 s17, s8;
	[sflag:s9] =	ssyncset.done @!p0 $0x0;
	s29 =	rddreg [dreg:$0x18]  }
0xbd: {  	[sflag:s9] =	ssyncadd.s32 @!p0 $0xFFFFF800;
	s9 =	sadd.s32 @!p0 $0x2000, s16;
	s19 =	sshrl.u32 @!p0 s19, $0x3  }
0xbe: {  	[spmem:s19], [sflag:s29] =	dma.local @!p0 [hbm:s9], $0x800  }
0xbf: {  	_ =	swait.ge [sflag:s26], $0x4000  }
0xc0: {  	[sflag:s26] =	ssyncset.done $0x0  }
0xc1: {  	p1 =	seq.s32 s14, $0xFFFFFFEF;
	[sflag:s26] =	ssyncadd.s32 $0xFFFFC000  }
0xc2: {  	[tilespmem:s22+$0x80] =	vst @p1 v8  }
0xc3: {  	[tilespmem:s22+$0x90] =	vst @p1 v9  }
0xc4: {  	[tilespmem:s22+$0xA0] =	vst @p1 v10  }
0xc5: {  	[tilespmem:s22+$0xB0] =	vst @p1 v11  }
0xc6: {  	[tilespmem:s22+$0xC0] =	vst @p1 v12  }
0xc7: {  	[tilespmem:s22+$0xD0] =	vst @p1 v13  }
0xc8: {  	p2 =	sne.s32 @!p1 s14, $0xFFFFFFFF;
	[tilespmem:s22+$0xE0] =	vst @p1 v14  }
0xc9: {  	p2 =	por p2, p1;
	[tilespmem:s22+$0xF0] =	vst @p1 v15  }
0xca: {  	[tilespmem:s22+$0x80] =	vst @!p2 v0  }
0xcb: {  	[tilespmem:s22+$0x90] =	vst @!p2 v1  }
0xcc: {  	[tilespmem:s22+$0xA0] =	vst @!p2 v2  }
0xcd: {  	[tilespmem:s22+$0xB0] =	vst @!p2 v3  }
0xce: {  	[tilespmem:s22+$0xC0] =	vst @!p2 v4  }
0xcf: {  	[tilespmem:s22+$0xD0] =	vst @!p2 v5  }
0xd0: {  	[tilespmem:s22+$0xE0] =	vst @!p2 v6  }
0xd1: {  	s29 =	sadd.s32 $0x1000, s7;
	[tilespmem:s22+$0xF0] =	vst @!p2 v7  }
0xd2: {  	[hbm4b:s29+s5] =	stream.linear.scatter [tilespmem:s25], [sflag:$0x9], $0x4000, $0x38;
	[tilespmem:$0x18280] =	vst v63  }
0xd3: {  	_ =	swait.ge [sflag:s3], $0x4000  }
0xd4: {  	[sflag:s3] =	ssyncset.done $0x0  }
0xd5: {  	s15 =	sadd.s32 $0x1800, s15;
	[sflag:s3] =	ssyncadd.s32 $0xFFFFC000  }
0xd6: {  	[tilespmem:s28], [sflag:$0x2] =	stream.linear.gather [hbm4b:s15+s5], $0x4000, $0x38;
	[tilespmem:$0x18280] =	vst v63  }
0xd7: {  	_ =	swait.ge [sflag:s20], $0x800  }
0xd8: {  	[sflag:s20] =	ssyncset.done $0x0  }
0xd9: {  	s9 =	simm.s32 @p1 $0x18200;
	[sflag:s20] =	ssyncadd.s32 $0xFFFFF800  }
0xda: {  	[spmem:s4] =	stream.linear.scatter @p1 [tilespmem:s9], [sflag:$0x14], $0x80, $0x38;
	[tilespmem:$0x18280] =	vst v63  }
0xdb: {  	s9 =	simm.s32 @p1 $0x14  }
0xdc: {  	_ =	swait.ge @p1 [sflag:s9], $0x80  }
0xdd: {  	[sflag:s9] =	ssyncset.done @p1 $0x0  }
0xde: {  	[sflag:s9] =	ssyncadd.s32 @p1 $0xFFFFFF80;
	s9 =	simm.s32 @!p2 $0x18180  }
0xdf: {  	[spmem:s4] =	stream.linear.scatter @!p2 [tilespmem:s9], [sflag:$0x14], $0x80, $0x38;
	[tilespmem:$0x18280] =	vst v63  }
0xe0: {  	s9 =	simm.s32 @!p2 $0x14  }
0xe1: {  	_ =	swait.ge @!p2 [sflag:s9], $0x80  }
0xe2: {  	s19 =	sadd.s32 $0x1000, s18;
	[sflag:s9] =	ssyncset.done @!p2 $0x0  }
0xe3: {  	s29 =	sor.u32 $0x1C0F, s12;
	[sflag:s9] =	ssyncadd.s32 @!p2 $0xFFFFFF80;
	s9 =	simm.s32 @!p0 $0xE  }
0xe4: {  	[hbm:s19], [sflag:s29] =	dma.local [spmem:s1], $0x800  }
0xe5: {  	_ =	swait.ge @!p0 [sflag:s9], $0x800  }
0xe6: {  	[sflag:s9] =	ssyncset.done @!p0 $0x0  }
0xe7: {  	s15 =	rddreg [dreg:$0xd];
	[sflag:s9] =	ssyncadd.s32 @!p0 $0xFFFFF800  }
0xe8: {  	s9 =	sadd.s32 @!p0 $0x2800, s16;
	s15 =	sshrl.u32 @!p0 s15, $0x3;
	s16 =	rddreg [dreg:$0x1a]  }
0xe9: {  	[spmem:s15], [sflag:s16] =	dma.local @!p0 [hbm:s9], $0x800  }
0xea: {  	_ =	swait.ge [sflag:s30], $0x4000  }
0xeb: {  	[sflag:s30] =	ssyncset.done $0x0  }
0xec: {  	p1 =	seq.s32 s14, $0xFFFFFFF0;
	[sflag:s30] =	ssyncadd.s32 $0xFFFFC000  }
0xed: {  	[tilespmem:s22+$0x4080] =	vst @p1 v8  }
0xee: {  	[tilespmem:s22+$0x4090] =	vst @p1 v9  }
0xef: {  	[tilespmem:s22+$0x40A0] =	vst @p1 v10  }
0xf0: {  	[tilespmem:s22+$0x40B0] =	vst @p1 v11  }
0xf1: {  	[tilespmem:s22+$0x40C0] =	vst @p1 v12  }
0xf2: {  	[tilespmem:s22+$0x40D0] =	vst @p1 v13  }
0xf3: {  	p2 =	sne.s32 @!p1 s14, $0x0;
	[tilespmem:s22+$0x40E0] =	vst @p1 v14  }
0xf4: {  	p2 =	por p2, p1;
	[tilespmem:s22+$0x40F0] =	vst @p1 v15  }
0xf5: {  	[tilespmem:s22+$0x4080] =	vst @!p2 v0  }
0xf6: {  	[tilespmem:s22+$0x4090] =	vst @!p2 v1  }
0xf7: {  	[tilespmem:s22+$0x40A0] =	vst @!p2 v2  }
0xf8: {  	[tilespmem:s22+$0x40B0] =	vst @!p2 v3  }
0xf9: {  	[tilespmem:s22+$0x40C0] =	vst @!p2 v4  }
0xfa: {  	[tilespmem:s22+$0x40D0] =	vst @!p2 v5  }
0xfb: {  	[tilespmem:s22+$0x40E0] =	vst @!p2 v6  }
0xfc: {  	s7 =	sadd.s32 $0x1800, s7;
	[tilespmem:s22+$0x40F0] =	vst @!p2 v7  }
0xfd: {  	[hbm4b:s7+s5] =	stream.linear.scatter [tilespmem:s28], [sflag:$0xA], $0x4000, $0x38;
	[tilespmem:$0x18280] =	vst v63  }
0xfe: {  	s7 =	simm.s32 @!p0 $0x9  }
0xff: {  	_ =	swait.ge @!p0 [sflag:s7], $0x4000  }
0x100: {  	[sflag:s7] =	ssyncset.done @!p0 $0x0  }
0x101: {  	[sflag:s7] =	ssyncadd.s32 @!p0 $0xFFFFC000;
	s7 =	sadd.s32 @!p0 s17, s11  }
0x102: {  	s9 =	simm.s32 @!p0 $0x0;
	s15 =	simm.s32 @!p0 $0x80;
	s7 =	sadd.s32 @!p0 $0x2000, s7  }
0x103: {  	[tilespmem:s15], [sflag:$0x1] =	stream.linear.gather @!p0 [hbm4b:s7+s9], $0x4000, $0x38;
	[tilespmem:$0x18280] =	vst v63  }
0x104: {  	_ =	swait.ge [sflag:s21], $0x800  }
0x105: {  	[sflag:s21] =	ssyncset.done $0x0  }
0x106: {  	s7 =	simm.s32 @p1 $0x18200;
	[sflag:s21] =	ssyncadd.s32 $0xFFFFF800  }
0x107: {  	[spmem:s0] =	stream.linear.scatter @p1 [tilespmem:s7], [sflag:$0x14], $0x80, $0x38;
	[tilespmem:$0x18280] =	vst v63  }
0x108: {  	s7 =	simm.s32 @p1 $0x14  }
0x109: {  	_ =	swait.ge @p1 [sflag:s7], $0x80  }
0x10a: {  	[sflag:s7] =	ssyncset.done @p1 $0x0  }
0x10b: {  	[sflag:s7] =	ssyncadd.s32 @p1 $0xFFFFFF80;
	s7 =	simm.s32 @!p2 $0x18180  }
0x10c: {  	[spmem:s0] =	stream.linear.scatter @!p2 [tilespmem:s7], [sflag:$0x14], $0x80, $0x38;
	[tilespmem:$0x18280] =	vst v63  }
.Ltmp2:
0x10d: {  	s7 =	simm.s32 @!p2 $0x14;
	(pc) =	sbr.rel @p0 .LBB2_4-.Ltmp2, $4  }
0x10e: {  	_ =	swait.ge @!p2 [sflag:s7], $0x80  }
0x10f: {  	[sflag:s7] =	ssyncset.done @!p2 $0x0  }
0x110: {  	s19 =	sadd.s32 $0x1800, s18;
	s29 =	sor.u32 $0x1C10, s12;
	[sflag:s7] =	ssyncadd.s32 @!p2 $0xFFFFFF80  }
0x111: {  	[hbm:s19], [sflag:s29] =	dma.local [spmem:s13], $0x800  }
.Ltmp3:
0x112: {  	(pc) =	sbr.rel .LBB2_2-.Ltmp3, $4  }
0x113: {  	_ =	swait.ge [sflag:s6], $0x800  }
0x114: {  	s7 =	sadd.s32 $0x3000, s10;
	s17 =	sadd.s32 $0x2000, s17;
	[sflag:s6] =	ssyncset.done $0x0  }
0x115: {  	s14 =	sadd.s32 $0xFFFFFFFC, s14;
	s9 =	rddreg [dreg:$0x1c];
	[sflag:s6] =	ssyncadd.s32 $0xFFFFF800  }
0x116: {  	[spmem:s1], [sflag:s9] =	dma.local [hbm:s7], $0x800  }
.LBB2_5:
0x117: {  	_ =	sfence.sel $0x180000  }
0x118: {  	[bflag:$0x0] =	sbarrier.arrive $0xFFFF  }
0x119: {  	_ =	strace $0x90000047  }
0x11a: {  	s0 =	stileid.u32;
	[bflag:$0x2] =	sbarrier.arrive $0xFFFF  }
0x11b: {  	p0 =	sne.s32 s0, $0x0;
	s0 =	rddreg [dreg:$0x8]  }
0x11c: {  	s0 =	sadd.s32 @!p0 $0x100000, s0  }
0x11d: {  	[sflag:s0] =	ssyncadd.tile.s32 @!p0 $0x1;
	_ =	shalt  }
.Lfunc_end2:
_tile_overlayer_lowered:
.L_overlay_start_2:
0x11e: {  	(tag) =	ssettag $0x2  }
0x11f: {  	s0 =	rddreg [dreg:$0x0];
	s2 =	stileid.u32  }
0x120: {  	s1 =	rddreg [dreg:$0x1];
	p0 =	sne.s32 s2, $0x0  }
0x121: {  	s3 =	rddreg [dreg:$0x2];
	[bflag:$0x3] =	sbarrier.arrive $0xFFFF;
	s2 =	simm.s32 @!p0 $0x1C14  }
0x122: {  	[timem:s3], [sflag:s2] =	dma.local @!p0 [hbm:s0], s1  }
0x123: {  	s0 =	simm.s32 @!p0 $0x14  }
0x124: {  	_ =	swait.ge @!p0 [sflag:s0], s1  }
0x125: {  	s1 =	ssub.s32 @!p0 $0x0, s1;
	[sflag:s0] =	ssyncset.done @!p0 $0x0  }
0x126: {  	[sflag:s0] =	ssyncadd.s32 @!p0 s1  }
0x127: {  	[bflag:$0x3] =	sbarrier.arrive $0xFFFF  }
0x128: {  	_ =	shalt  }

</sc_bundles>
